<compile_context>
chip_gen: v7x
topology: tpu7x:2x2x1
jax: 0.10.2.dev20260603
libtpu: 0.0.44.dev20260713+nightly
codegen_flags: <defaults>
</compile_context>

<pallas_src>
import functools

import jax
import jax.numpy as jnp
from jax import lax
from jax.experimental import pallas as pl
from jax.experimental.pallas import tpu as pltpu
from jax.experimental.pallas import tpu_sc as plsc

_D = 64
_NC = 2
_NS = 16
_NW = _NC * _NS
_CHUNK = 128
_NBUF = 8
_LEAD = 4


@functools.lru_cache(maxsize=None)
def _build(total: int, per_w: int, nchunk: int):
    mesh = plsc.VectorSubcoreMesh(core_axis_name="c", subcore_axis_name="s")
    nouter = nchunk // _NBUF

    @functools.partial(
        pl.kernel,
        mesh=mesh,
        compiler_params=pltpu.CompilerParams(
            use_tc_tiling_on_sc=False, needs_layout_passes=False
        ),
        out_type=jax.ShapeDtypeStruct((total, _D), jnp.float32),
        scratch_types=[
            pltpu.VMEM((nchunk, _CHUNK), jnp.int32),
            pltpu.VMEM((_NBUF, _CHUNK, _D), jnp.float32),
        ]
        + [pltpu.SemaphoreType.DMA] * (2 * _NBUF),
    )
    def k(idx_hbm, tab_hbm, out_hbm, idx_v, g, *sems):
        gsem = sems[:_NBUF]
        ssem = sems[_NBUF:]
        wid = lax.axis_index("s") * _NC + lax.axis_index("c")
        base = wid * per_w
        pltpu.sync_copy(idx_hbm.at[wid], idx_v)

        def gissue(c, b):
            pltpu.async_copy(tab_hbm.at[idx_v.at[c]], g.at[b], gsem[b])

        def gwait(c, b):
            pltpu.make_async_copy(
                tab_hbm.at[idx_v.at[c]], g.at[b], gsem[b]
            ).wait()

        def out_slice(c):
            return out_hbm.at[pl.ds(base + c * _CHUNK, _CHUNK)]

        def sissue(c, b):
            pltpu.async_copy(g.at[b], out_slice(c), ssem[b])

        def swait(c, b):
            pltpu.make_async_copy(g.at[b], out_slice(c), ssem[b]).wait()

        for t in range(_LEAD):
            gissue(t, t)
        for b in range(_NBUF):
            cl = b + _LEAD
            bl = cl % _NBUF
            if b >= _NBUF - _LEAD:
                swait(cl - _NBUF, bl)
            gissue(cl, bl)
            gwait(b, b)
            sissue(b, b)

        def outer(j, carry):
            for b in range(_NBUF):
                c = j * _NBUF + b
                cl = c + _LEAD
                bl = (b + _LEAD) % _NBUF
                swait(cl - _NBUF, bl)
                gissue(cl, bl)
                gwait(c, b)
                sissue(c, b)
            return carry

        lax.fori_loop(1, nouter - 1, outer, 0)

        for b in range(_NBUF):
            c = (nouter - 1) * _NBUF + b
            cl = c + _LEAD
            if cl < nchunk:
                bl = cl % _NBUF
                swait(cl - _NBUF, bl)
                gissue(cl, bl)
            gwait(c, b)
            sissue(c, b)
        for b in range(_NBUF):
            swait((nouter - 1) * _NBUF + b, b)

    return k


def kernel(x, table):
    b, h = x.shape
    n, d = table.shape
    total = b * h
    per_w = total // _NW
    nchunk = per_w // _CHUNK
    assert per_w * _NW == total and nchunk * _CHUNK == per_w and d == _D
    assert nchunk % _NBUF == 0 and nchunk // _NBUF >= 2
    x_resh = x.reshape(_NW, nchunk, _CHUNK)
    tab_f32 = table.astype(jnp.float32)
    out = _build(total, per_w, nchunk)(x_resh, tab_f32)
    out_flat = out.reshape(total * _D) * jnp.float32(8.0)
    return out_flat.astype(jnp.bfloat16).reshape(b, h, _D)

# --- scband reference (transcript-rebuilt; emitter-appended) ---
"""Pipeline reference for scband-embedding-int-14843406975609 (READ-ONLY COPY).

The authoritative reference and input builder live on the scoring server;
editing this copy changes nothing except your own understanding.
"""

import jax, jax.numpy as jnp
import numpy as np
import math

N_INT = 1000000
D_EMBED = 64
BATCH = 16384
HIST = 50

def setup_inputs(seed: int = 0) -> dict:
    key = jax.random.key(seed)
    k_idx, k_tab = jax.random.split(key)
    x = jax.random.randint(k_idx, (BATCH, HIST), 0, N_INT, dtype=jnp.int32)
    # nn.Embedding default init: N(0, 1); stored in bfloat16 per module dtype
    table = jax.random.normal(k_tab, (N_INT, D_EMBED), dtype=jnp.float32).astype(jnp.bfloat16)
    return {"x": x, "table": table}

def reference(x, table):
    # embedded = embed(x) * sqrt(d_embed)
    emb = jnp.take(table, x, axis=0)
    scale = jnp.asarray(math.sqrt(D_EMBED), dtype=table.dtype)
    return emb * scale

if __name__ == "__main__":
    import jax
    _d = setup_inputs()
    print(jax.jit(kernel)(*tuple(_d.values())))

</pallas_src>

<mosaic_0001>
#map = affine_map<(d0, d1) -> (0, 0, 0)>
#map1 = affine_map<(d0, d1) -> (0, 0)>
module attributes {stable_mosaic.version = 14 : i64} {
  func.func @k(%arg0: i32, %arg1: i32, %arg2: memref<32x200x128xi32, #tpu.memory_space<hbm>>, %arg3: memref<1000000x64xf32, #tpu.memory_space<hbm>>, %arg4: memref<819200x64xf32, #tpu.memory_space<hbm>>, %arg5: memref<200x128xi32, #tpu.memory_space<vmem>>, %arg6: memref<8x128x64xf32, #tpu.memory_space<vmem>>, %arg7: memref<!tpu.dma_semaphore, #tpu.memory_space<semaphore_mem>>, %arg8: memref<!tpu.dma_semaphore, #tpu.memory_space<semaphore_mem>>, %arg9: memref<!tpu.dma_semaphore, #tpu.memory_space<semaphore_mem>>, %arg10: memref<!tpu.dma_semaphore, #tpu.memory_space<semaphore_mem>>, %arg11: memref<!tpu.dma_semaphore, #tpu.memory_space<semaphore_mem>>, %arg12: memref<!tpu.dma_semaphore, #tpu.memory_space<semaphore_mem>>, %arg13: memref<!tpu.dma_semaphore, #tpu.memory_space<semaphore_mem>>, %arg14: memref<!tpu.dma_semaphore, #tpu.memory_space<semaphore_mem>>, %arg15: memref<!tpu.dma_semaphore, #tpu.memory_space<semaphore_mem>>, %arg16: memref<!tpu.dma_semaphore, #tpu.memory_space<semaphore_mem>>, %arg17: memref<!tpu.dma_semaphore, #tpu.memory_space<semaphore_mem>>, %arg18: memref<!tpu.dma_semaphore, #tpu.memory_space<semaphore_mem>>, %arg19: memref<!tpu.dma_semaphore, #tpu.memory_space<semaphore_mem>>, %arg20: memref<!tpu.dma_semaphore, #tpu.memory_space<semaphore_mem>>, %arg21: memref<!tpu.dma_semaphore, #tpu.memory_space<semaphore_mem>>, %arg22: memref<!tpu.dma_semaphore, #tpu.memory_space<semaphore_mem>>) attributes {dimension_semantics = [#tpu.dimension_semantics<core_parallel>, #tpu.dimension_semantics<subcore_parallel>], iteration_bounds = array<i64: 2, 16>, scalar_prefetch = 0 : i64, scratch_operands = 18 : i64, tpu.core_type = #tpu.core_type<sc_vector_subcore>, window_params = [{transform_indices = #map}, {transform_indices = #map1}, {transform_indices = #map1}]} {
    %mul3A = arith.constant 2 : i32
    %mul3A_0 = arith.muli %arg1, %mul3A : i32
    %add3A = arith.addi %mul3A_0, %arg0 : i32
    %mul3A_1 = arith.constant 25600 : i32
    %mul3A_2 = arith.muli %add3A, %mul3A_1 : i32
    "tpu.region"() ({
      %run_scoped3A = tpu.sem_alloc : memref<!tpu.dma_semaphore, #tpu.memory_space<semaphore_mem>>
      %dma_start3A_870 = arith.constant 0 : i32
      %dma_start3A_871 = arith.constant 0 : i32
      %dma_start3A_872 = tpu.memref_slice %arg2[%add3A, %dma_start3A_870, %dma_start3A_871] : memref<32x200x128xi32, #tpu.memory_space<hbm>> -> memref<1x200x128xi32, #tpu.memory_space<hbm>>
      %dma_start3A_873 = tpu.memref_squeeze %dma_start3A_872 : memref<1x200x128xi32, #tpu.memory_space<hbm>> -> memref<200x128xi32, #tpu.memory_space<hbm>>
      %dma_start3A_874 = arith.constant 0 : i32
      %dma_start3A_875 = arith.constant 0 : i32
      %dma_start3A_876 = tpu.memref_slice %arg2[%add3A, %dma_start3A_874, %dma_start3A_875] : memref<32x200x128xi32, #tpu.memory_space<hbm>> -> memref<1x200x128xi32, #tpu.memory_space<hbm>>
      %dma_start3A_877 = tpu.memref_squeeze %dma_start3A_876 : memref<1x200x128xi32, #tpu.memory_space<hbm>> -> memref<200x128xi32, #tpu.memory_space<hbm>>
      tpu.enqueue_dma source(%dma_start3A_877 : memref<200x128xi32, #tpu.memory_space<hbm>>) target(%arg5 : memref<200x128xi32, #tpu.memory_space<vmem>>) target_semaphore(%run_scoped3A : memref<!tpu.dma_semaphore, #tpu.memory_space<semaphore_mem>>)
      %dma_wait3A_878 = arith.constant 0 : i32
      %dma_wait3A_879 = arith.constant 0 : i32
      %dma_wait3A_880 = tpu.memref_slice %arg2[%add3A, %dma_wait3A_878, %dma_wait3A_879] : memref<32x200x128xi32, #tpu.memory_space<hbm>> -> memref<1x200x128xi32, #tpu.memory_space<hbm>>
      %dma_wait3A_881 = tpu.memref_squeeze %dma_wait3A_880 : memref<1x200x128xi32, #tpu.memory_space<hbm>> -> memref<200x128xi32, #tpu.memory_space<hbm>>
      %dma_wait3A_882 = arith.constant 0 : i32
      %dma_wait3A_883 = arith.constant 0 : i32
      %dma_wait3A_884 = tpu.memref_slice %arg2[%add3A, %dma_wait3A_882, %dma_wait3A_883] : memref<32x200x128xi32, #tpu.memory_space<hbm>> -> memref<1x200x128xi32, #tpu.memory_space<hbm>>
      %dma_wait3A_885 = tpu.memref_squeeze %dma_wait3A_884 : memref<1x200x128xi32, #tpu.memory_space<hbm>> -> memref<200x128xi32, #tpu.memory_space<hbm>>
      tpu.wait_dma2 semaphore(%run_scoped3A : memref<!tpu.dma_semaphore, #tpu.memory_space<semaphore_mem>>) src(%dma_wait3A_885 : memref<200x128xi32, #tpu.memory_space<hbm>>) dst(%arg5 : memref<200x128xi32, #tpu.memory_space<vmem>>)
      tpu.yield
    }) : () -> ()
    %dma_start3A = arith.constant 0 : i32
    %dma_start3A_3 = arith.constant 0 : i32
    %dma_start3A_4 = arith.constant 0 : i32
    %dma_start3A_5 = arith.constant 0 : i32
    %dma_start3A_6 = tpu.memref_slice %arg6[%dma_start3A_3, %dma_start3A_4, %dma_start3A_5] : memref<8x128x64xf32, #tpu.memory_space<vmem>> -> memref<1x128x64xf32, #tpu.memory_space<vmem>>
    %dma_start3A_7 = tpu.memref_squeeze %dma_start3A_6 : memref<1x128x64xf32, #tpu.memory_space<vmem>> -> memref<128x64xf32, #tpu.memory_space<vmem>>
    %dma_start3A_8 = arith.constant 0 : i32
    %dma_start3A_9 = tpu.memref_slice %arg5[%dma_start3A, %dma_start3A_8] : memref<200x128xi32, #tpu.memory_space<vmem>> -> memref<1x128xi32, #tpu.memory_space<vmem>>
    %dma_start3A_10 = tpu.memref_squeeze %dma_start3A_9 : memref<1x128xi32, #tpu.memory_space<vmem>> -> memref<128xi32, #tpu.memory_space<vmem>>
    %dma_start3A_11 = arith.constant 0 : i32
    %dma_start3A_12 = arith.constant 0 : i32
    %dma_start3A_13 = tpu.memref_slice %arg3[%dma_start3A_11, %dma_start3A_12] : memref<1000000x64xf32, #tpu.memory_space<hbm>> -> memref<1000000x64xf32, #tpu.memory_space<hbm>>
    tpu.enqueue_indirect_dma source(%dma_start3A_13 : memref<1000000x64xf32, #tpu.memory_space<hbm>>) target(%dma_start3A_7 : memref<128x64xf32, #tpu.memory_space<vmem>>) offsets(%dma_start3A_10 : memref<128xi32, #tpu.memory_space<vmem>>) semaphore(%arg7 : memref<!tpu.dma_semaphore, #tpu.memory_space<semaphore_mem>>)
    %dma_start3A_14 = arith.constant 1 : i32
    %dma_start3A_15 = arith.constant 1 : i32
    %dma_start3A_16 = arith.constant 0 : i32
    %dma_start3A_17 = arith.constant 0 : i32
    %dma_start3A_18 = tpu.memref_slice %arg6[%dma_start3A_15, %dma_start3A_16, %dma_start3A_17] : memref<8x128x64xf32, #tpu.memory_space<vmem>> -> memref<1x128x64xf32, #tpu.memory_space<vmem>>
    %dma_start3A_19 = tpu.memref_squeeze %dma_start3A_18 : memref<1x128x64xf32, #tpu.memory_space<vmem>> -> memref<128x64xf32, #tpu.memory_space<vmem>>
    %dma_start3A_20 = arith.constant 0 : i32
    %dma_start3A_21 = tpu.memref_slice %arg5[%dma_start3A_14, %dma_start3A_20] : memref<200x128xi32, #tpu.memory_space<vmem>> -> memref<1x128xi32, #tpu.memory_space<vmem>>
    %dma_start3A_22 = tpu.memref_squeeze %dma_start3A_21 : memref<1x128xi32, #tpu.memory_space<vmem>> -> memref<128xi32, #tpu.memory_space<vmem>>
    %dma_start3A_23 = arith.constant 0 : i32
    %dma_start3A_24 = arith.constant 0 : i32
    %dma_start3A_25 = tpu.memref_slice %arg3[%dma_start3A_23, %dma_start3A_24] : memref<1000000x64xf32, #tpu.memory_space<hbm>> -> memref<1000000x64xf32, #tpu.memory_space<hbm>>
    tpu.enqueue_indirect_dma source(%dma_start3A_25 : memref<1000000x64xf32, #tpu.memory_space<hbm>>) target(%dma_start3A_19 : memref<128x64xf32, #tpu.memory_space<vmem>>) offsets(%dma_start3A_22 : memref<128xi32, #tpu.memory_space<vmem>>) semaphore(%arg8 : memref<!tpu.dma_semaphore, #tpu.memory_space<semaphore_mem>>)
    %dma_start3A_26 = arith.constant 2 : i32
    %dma_start3A_27 = arith.constant 2 : i32
    %dma_start3A_28 = arith.constant 0 : i32
    %dma_start3A_29 = arith.constant 0 : i32
    %dma_start3A_30 = tpu.memref_slice %arg6[%dma_start3A_27, %dma_start3A_28, %dma_start3A_29] : memref<8x128x64xf32, #tpu.memory_space<vmem>> -> memref<1x128x64xf32, #tpu.memory_space<vmem>>
    %dma_start3A_31 = tpu.memref_squeeze %dma_start3A_30 : memref<1x128x64xf32, #tpu.memory_space<vmem>> -> memref<128x64xf32, #tpu.memory_space<vmem>>
    %dma_start3A_32 = arith.constant 0 : i32
    %dma_start3A_33 = tpu.memref_slice %arg5[%dma_start3A_26, %dma_start3A_32] : memref<200x128xi32, #tpu.memory_space<vmem>> -> memref<1x128xi32, #tpu.memory_space<vmem>>
    %dma_start3A_34 = tpu.memref_squeeze %dma_start3A_33 : memref<1x128xi32, #tpu.memory_space<vmem>> -> memref<128xi32, #tpu.memory_space<vmem>>
    %dma_start3A_35 = arith.constant 0 : i32
    %dma_start3A_36 = arith.constant 0 : i32
    %dma_start3A_37 = tpu.memref_slice %arg3[%dma_start3A_35, %dma_start3A_36] : memref<1000000x64xf32, #tpu.memory_space<hbm>> -> memref<1000000x64xf32, #tpu.memory_space<hbm>>
    tpu.enqueue_indirect_dma source(%dma_start3A_37 : memref<1000000x64xf32, #tpu.memory_space<hbm>>) target(%dma_start3A_31 : memref<128x64xf32, #tpu.memory_space<vmem>>) offsets(%dma_start3A_34 : memref<128xi32, #tpu.memory_space<vmem>>) semaphore(%arg9 : memref<!tpu.dma_semaphore, #tpu.memory_space<semaphore_mem>>)
    %dma_start3A_38 = arith.constant 3 : i32
    %dma_start3A_39 = arith.constant 3 : i32
    %dma_start3A_40 = arith.constant 0 : i32
    %dma_start3A_41 = arith.constant 0 : i32
    %dma_start3A_42 = tpu.memref_slice %arg6[%dma_start3A_39, %dma_start3A_40, %dma_start3A_41] : memref<8x128x64xf32, #tpu.memory_space<vmem>> -> memref<1x128x64xf32, #tpu.memory_space<vmem>>
    %dma_start3A_43 = tpu.memref_squeeze %dma_start3A_42 : memref<1x128x64xf32, #tpu.memory_space<vmem>> -> memref<128x64xf32, #tpu.memory_space<vmem>>
    %dma_start3A_44 = arith.constant 0 : i32
    %dma_start3A_45 = tpu.memref_slice %arg5[%dma_start3A_38, %dma_start3A_44] : memref<200x128xi32, #tpu.memory_space<vmem>> -> memref<1x128xi32, #tpu.memory_space<vmem>>
    %dma_start3A_46 = tpu.memref_squeeze %dma_start3A_45 : memref<1x128xi32, #tpu.memory_space<vmem>> -> memref<128xi32, #tpu.memory_space<vmem>>
    %dma_start3A_47 = arith.constant 0 : i32
    %dma_start3A_48 = arith.constant 0 : i32
    %dma_start3A_49 = tpu.memref_slice %arg3[%dma_start3A_47, %dma_start3A_48] : memref<1000000x64xf32, #tpu.memory_space<hbm>> -> memref<1000000x64xf32, #tpu.memory_space<hbm>>
    tpu.enqueue_indirect_dma source(%dma_start3A_49 : memref<1000000x64xf32, #tpu.memory_space<hbm>>) target(%dma_start3A_43 : memref<128x64xf32, #tpu.memory_space<vmem>>) offsets(%dma_start3A_46 : memref<128xi32, #tpu.memory_space<vmem>>) semaphore(%arg10 : memref<!tpu.dma_semaphore, #tpu.memory_space<semaphore_mem>>)
    %dma_start3A_50 = arith.constant 4 : i32
    %dma_start3A_51 = arith.constant 4 : i32
    %dma_start3A_52 = arith.constant 0 : i32
    %dma_start3A_53 = arith.constant 0 : i32
    %dma_start3A_54 = tpu.memref_slice %arg6[%dma_start3A_51, %dma_start3A_52, %dma_start3A_53] : memref<8x128x64xf32, #tpu.memory_space<vmem>> -> memref<1x128x64xf32, #tpu.memory_space<vmem>>
    %dma_start3A_55 = tpu.memref_squeeze %dma_start3A_54 : memref<1x128x64xf32, #tpu.memory_space<vmem>> -> memref<128x64xf32, #tpu.memory_space<vmem>>
    %dma_start3A_56 = arith.constant 0 : i32
    %dma_start3A_57 = tpu.memref_slice %arg5[%dma_start3A_50, %dma_start3A_56] : memref<200x128xi32, #tpu.memory_space<vmem>> -> memref<1x128xi32, #tpu.memory_space<vmem>>
    %dma_start3A_58 = tpu.memref_squeeze %dma_start3A_57 : memref<1x128xi32, #tpu.memory_space<vmem>> -> memref<128xi32, #tpu.memory_space<vmem>>
    %dma_start3A_59 = arith.constant 0 : i32
    %dma_start3A_60 = arith.constant 0 : i32
    %dma_start3A_61 = tpu.memref_slice %arg3[%dma_start3A_59, %dma_start3A_60] : memref<1000000x64xf32, #tpu.memory_space<hbm>> -> memref<1000000x64xf32, #tpu.memory_space<hbm>>
    tpu.enqueue_indirect_dma source(%dma_start3A_61 : memref<1000000x64xf32, #tpu.memory_space<hbm>>) target(%dma_start3A_55 : memref<128x64xf32, #tpu.memory_space<vmem>>) offsets(%dma_start3A_58 : memref<128xi32, #tpu.memory_space<vmem>>) semaphore(%arg11 : memref<!tpu.dma_semaphore, #tpu.memory_space<semaphore_mem>>)
    %dma_wait3A = arith.constant 0 : i32
    %dma_wait3A_62 = arith.constant 0 : i32
    %dma_wait3A_63 = arith.constant 0 : i32
    %dma_wait3A_64 = arith.constant 0 : i32
    %dma_wait3A_65 = tpu.memref_slice %arg6[%dma_wait3A_62, %dma_wait3A_63, %dma_wait3A_64] : memref<8x128x64xf32, #tpu.memory_space<vmem>> -> memref<1x128x64xf32, #tpu.memory_space<vmem>>
    %dma_wait3A_66 = tpu.memref_squeeze %dma_wait3A_65 : memref<1x128x64xf32, #tpu.memory_space<vmem>> -> memref<128x64xf32, #tpu.memory_space<vmem>>
    %dma_wait3A_67 = arith.constant 0 : i32
    %dma_wait3A_68 = tpu.memref_slice %arg5[%dma_wait3A, %dma_wait3A_67] : memref<200x128xi32, #tpu.memory_space<vmem>> -> memref<1x128xi32, #tpu.memory_space<vmem>>
    %dma_wait3A_69 = tpu.memref_squeeze %dma_wait3A_68 : memref<1x128xi32, #tpu.memory_space<vmem>> -> memref<128xi32, #tpu.memory_space<vmem>>
    %dma_wait3A_70 = arith.constant 0 : i32
    %dma_wait3A_71 = arith.constant 0 : i32
    %dma_wait3A_72 = tpu.memref_slice %arg3[%dma_wait3A_70, %dma_wait3A_71] : memref<1000000x64xf32, #tpu.memory_space<hbm>> -> memref<1000000x64xf32, #tpu.memory_space<hbm>>
    tpu.wait_indirect_dma semaphore(%arg7 : memref<!tpu.dma_semaphore, #tpu.memory_space<semaphore_mem>>) src(%dma_wait3A_72 : memref<1000000x64xf32, #tpu.memory_space<hbm>>) dst(%dma_wait3A_66 : memref<128x64xf32, #tpu.memory_space<vmem>>)
    %add3A_73 = arith.constant 0 : i32
    %add3A_74 = arith.addi %mul3A_2, %add3A_73 : i32
    %dma_start3A_75 = arith.constant 0 : i32
    %dma_start3A_76 = arith.constant 0 : i32
    %dma_start3A_77 = arith.constant 0 : i32
    %dma_start3A_78 = tpu.memref_slice %arg6[%dma_start3A_75, %dma_start3A_76, %dma_start3A_77] : memref<8x128x64xf32, #tpu.memory_space<vmem>> -> memref<1x128x64xf32, #tpu.memory_space<vmem>>
    %dma_start3A_79 = tpu.memref_squeeze %dma_start3A_78 : memref<1x128x64xf32, #tpu.memory_space<vmem>> -> memref<128x64xf32, #tpu.memory_space<vmem>>
    %dma_start3A_80 = arith.constant 0 : i32
    %dma_start3A_81 = tpu.memref_slice %arg4[%add3A_74, %dma_start3A_80] : memref<819200x64xf32, #tpu.memory_space<hbm>> -> memref<128x64xf32, #tpu.memory_space<hbm>>
    %dma_start3A_82 = arith.constant 0 : i32
    %dma_start3A_83 = tpu.memref_slice %arg4[%add3A_74, %dma_start3A_82] : memref<819200x64xf32, #tpu.memory_space<hbm>> -> memref<128x64xf32, #tpu.memory_space<hbm>>
    %dma_start3A_84 = arith.constant 0 : i32
    %dma_start3A_85 = arith.constant 0 : i32
    %dma_start3A_86 = tpu.memref_slice %arg6[%dma_start3A_75, %dma_start3A_84, %dma_start3A_85] : memref<8x128x64xf32, #tpu.memory_space<vmem>> -> memref<1x128x64xf32, #tpu.memory_space<vmem>>
    %dma_start3A_87 = tpu.memref_squeeze %dma_start3A_86 : memref<1x128x64xf32, #tpu.memory_space<vmem>> -> memref<128x64xf32, #tpu.memory_space<vmem>>
    tpu.enqueue_dma source(%dma_start3A_87 : memref<128x64xf32, #tpu.memory_space<vmem>>) target(%dma_start3A_83 : memref<128x64xf32, #tpu.memory_space<hbm>>) target_semaphore(%arg15 : memref<!tpu.dma_semaphore, #tpu.memory_space<semaphore_mem>>)
    %dma_start3A_88 = arith.constant 5 : i32
    %dma_start3A_89 = arith.constant 5 : i32
    %dma_start3A_90 = arith.constant 0 : i32
    %dma_start3A_91 = arith.constant 0 : i32
    %dma_start3A_92 = tpu.memref_slice %arg6[%dma_start3A_89, %dma_start3A_90, %dma_start3A_91] : memref<8x128x64xf32, #tpu.memory_space<vmem>> -> memref<1x128x64xf32, #tpu.memory_space<vmem>>
    %dma_start3A_93 = tpu.memref_squeeze %dma_start3A_92 : memref<1x128x64xf32, #tpu.memory_space<vmem>> -> memref<128x64xf32, #tpu.memory_space<vmem>>
    %dma_start3A_94 = arith.constant 0 : i32
    %dma_start3A_95 = tpu.memref_slice %arg5[%dma_start3A_88, %dma_start3A_94] : memref<200x128xi32, #tpu.memory_space<vmem>> -> memref<1x128xi32, #tpu.memory_space<vmem>>
    %dma_start3A_96 = tpu.memref_squeeze %dma_start3A_95 : memref<1x128xi32, #tpu.memory_space<vmem>> -> memref<128xi32, #tpu.memory_space<vmem>>
    %dma_start3A_97 = arith.constant 0 : i32
    %dma_start3A_98 = arith.constant 0 : i32
    %dma_start3A_99 = tpu.memref_slice %arg3[%dma_start3A_97, %dma_start3A_98] : memref<1000000x64xf32, #tpu.memory_space<hbm>> -> memref<1000000x64xf32, #tpu.memory_space<hbm>>
    tpu.enqueue_indirect_dma source(%dma_start3A_99 : memref<1000000x64xf32, #tpu.memory_space<hbm>>) target(%dma_start3A_93 : memref<128x64xf32, #tpu.memory_space<vmem>>) offsets(%dma_start3A_96 : memref<128xi32, #tpu.memory_space<vmem>>) semaphore(%arg12 : memref<!tpu.dma_semaphore, #tpu.memory_space<semaphore_mem>>)
    %dma_wait3A_100 = arith.constant 1 : i32
    %dma_wait3A_101 = arith.constant 1 : i32
    %dma_wait3A_102 = arith.constant 0 : i32
    %dma_wait3A_103 = arith.constant 0 : i32
    %dma_wait3A_104 = tpu.memref_slice %arg6[%dma_wait3A_101, %dma_wait3A_102, %dma_wait3A_103] : memref<8x128x64xf32, #tpu.memory_space<vmem>> -> memref<1x128x64xf32, #tpu.memory_space<vmem>>
    %dma_wait3A_105 = tpu.memref_squeeze %dma_wait3A_104 : memref<1x128x64xf32, #tpu.memory_space<vmem>> -> memref<128x64xf32, #tpu.memory_space<vmem>>
    %dma_wait3A_106 = arith.constant 0 : i32
    %dma_wait3A_107 = tpu.memref_slice %arg5[%dma_wait3A_100, %dma_wait3A_106] : memref<200x128xi32, #tpu.memory_space<vmem>> -> memref<1x128xi32, #tpu.memory_space<vmem>>
    %dma_wait3A_108 = tpu.memref_squeeze %dma_wait3A_107 : memref<1x128xi32, #tpu.memory_space<vmem>> -> memref<128xi32, #tpu.memory_space<vmem>>
    %dma_wait3A_109 = arith.constant 0 : i32
    %dma_wait3A_110 = arith.constant 0 : i32
    %dma_wait3A_111 = tpu.memref_slice %arg3[%dma_wait3A_109, %dma_wait3A_110] : memref<1000000x64xf32, #tpu.memory_space<hbm>> -> memref<1000000x64xf32, #tpu.memory_space<hbm>>
    tpu.wait_indirect_dma semaphore(%arg8 : memref<!tpu.dma_semaphore, #tpu.memory_space<semaphore_mem>>) src(%dma_wait3A_111 : memref<1000000x64xf32, #tpu.memory_space<hbm>>) dst(%dma_wait3A_105 : memref<128x64xf32, #tpu.memory_space<vmem>>)
    %add3A_112 = arith.constant 128 : i32
    %add3A_113 = arith.addi %mul3A_2, %add3A_112 : i32
    %dma_start3A_114 = arith.constant 1 : i32
    %dma_start3A_115 = arith.constant 0 : i32
    %dma_start3A_116 = arith.constant 0 : i32
    %dma_start3A_117 = tpu.memref_slice %arg6[%dma_start3A_114, %dma_start3A_115, %dma_start3A_116] : memref<8x128x64xf32, #tpu.memory_space<vmem>> -> memref<1x128x64xf32, #tpu.memory_space<vmem>>
    %dma_start3A_118 = tpu.memref_squeeze %dma_start3A_117 : memref<1x128x64xf32, #tpu.memory_space<vmem>> -> memref<128x64xf32, #tpu.memory_space<vmem>>
    %dma_start3A_119 = arith.constant 0 : i32
    %dma_start3A_120 = tpu.memref_slice %arg4[%add3A_113, %dma_start3A_119] : memref<819200x64xf32, #tpu.memory_space<hbm>> -> memref<128x64xf32, #tpu.memory_space<hbm>>
    %dma_start3A_121 = arith.constant 0 : i32
    %dma_start3A_122 = tpu.memref_slice %arg4[%add3A_113, %dma_start3A_121] : memref<819200x64xf32, #tpu.memory_space<hbm>> -> memref<128x64xf32, #tpu.memory_space<hbm>>
    %dma_start3A_123 = arith.constant 0 : i32
    %dma_start3A_124 = arith.constant 0 : i32
    %dma_start3A_125 = tpu.memref_slice %arg6[%dma_start3A_114, %dma_start3A_123, %dma_start3A_124] : memref<8x128x64xf32, #tpu.memory_space<vmem>> -> memref<1x128x64xf32, #tpu.memory_space<vmem>>
    %dma_start3A_126 = tpu.memref_squeeze %dma_start3A_125 : memref<1x128x64xf32, #tpu.memory_space<vmem>> -> memref<128x64xf32, #tpu.memory_space<vmem>>
    tpu.enqueue_dma source(%dma_start3A_126 : memref<128x64xf32, #tpu.memory_space<vmem>>) target(%dma_start3A_122 : memref<128x64xf32, #tpu.memory_space<hbm>>) target_semaphore(%arg16 : memref<!tpu.dma_semaphore, #tpu.memory_space<semaphore_mem>>)
    %dma_start3A_127 = arith.constant 6 : i32
    %dma_start3A_128 = arith.constant 6 : i32
    %dma_start3A_129 = arith.constant 0 : i32
    %dma_start3A_130 = arith.constant 0 : i32
    %dma_start3A_131 = tpu.memref_slice %arg6[%dma_start3A_128, %dma_start3A_129, %dma_start3A_130] : memref<8x128x64xf32, #tpu.memory_space<vmem>> -> memref<1x128x64xf32, #tpu.memory_space<vmem>>
    %dma_start3A_132 = tpu.memref_squeeze %dma_start3A_131 : memref<1x128x64xf32, #tpu.memory_space<vmem>> -> memref<128x64xf32, #tpu.memory_space<vmem>>
    %dma_start3A_133 = arith.constant 0 : i32
    %dma_start3A_134 = tpu.memref_slice %arg5[%dma_start3A_127, %dma_start3A_133] : memref<200x128xi32, #tpu.memory_space<vmem>> -> memref<1x128xi32, #tpu.memory_space<vmem>>
    %dma_start3A_135 = tpu.memref_squeeze %dma_start3A_134 : memref<1x128xi32, #tpu.memory_space<vmem>> -> memref<128xi32, #tpu.memory_space<vmem>>
    %dma_start3A_136 = arith.constant 0 : i32
    %dma_start3A_137 = arith.constant 0 : i32
    %dma_start3A_138 = tpu.memref_slice %arg3[%dma_start3A_136, %dma_start3A_137] : memref<1000000x64xf32, #tpu.memory_space<hbm>> -> memref<1000000x64xf32, #tpu.memory_space<hbm>>
    tpu.enqueue_indirect_dma source(%dma_start3A_138 : memref<1000000x64xf32, #tpu.memory_space<hbm>>) target(%dma_start3A_132 : memref<128x64xf32, #tpu.memory_space<vmem>>) offsets(%dma_start3A_135 : memref<128xi32, #tpu.memory_space<vmem>>) semaphore(%arg13 : memref<!tpu.dma_semaphore, #tpu.memory_space<semaphore_mem>>)
    %dma_wait3A_139 = arith.constant 2 : i32
    %dma_wait3A_140 = arith.constant 2 : i32
    %dma_wait3A_141 = arith.constant 0 : i32
    %dma_wait3A_142 = arith.constant 0 : i32
    %dma_wait3A_143 = tpu.memref_slice %arg6[%dma_wait3A_140, %dma_wait3A_141, %dma_wait3A_142] : memref<8x128x64xf32, #tpu.memory_space<vmem>> -> memref<1x128x64xf32, #tpu.memory_space<vmem>>
    %dma_wait3A_144 = tpu.memref_squeeze %dma_wait3A_143 : memref<1x128x64xf32, #tpu.memory_space<vmem>> -> memref<128x64xf32, #tpu.memory_space<vmem>>
    %dma_wait3A_145 = arith.constant 0 : i32
    %dma_wait3A_146 = tpu.memref_slice %arg5[%dma_wait3A_139, %dma_wait3A_145] : memref<200x128xi32, #tpu.memory_space<vmem>> -> memref<1x128xi32, #tpu.memory_space<vmem>>
    %dma_wait3A_147 = tpu.memref_squeeze %dma_wait3A_146 : memref<1x128xi32, #tpu.memory_space<vmem>> -> memref<128xi32, #tpu.memory_space<vmem>>
    %dma_wait3A_148 = arith.constant 0 : i32
    %dma_wait3A_149 = arith.constant 0 : i32
    %dma_wait3A_150 = tpu.memref_slice %arg3[%dma_wait3A_148, %dma_wait3A_149] : memref<1000000x64xf32, #tpu.memory_space<hbm>> -> memref<1000000x64xf32, #tpu.memory_space<hbm>>
    tpu.wait_indirect_dma semaphore(%arg9 : memref<!tpu.dma_semaphore, #tpu.memory_space<semaphore_mem>>) src(%dma_wait3A_150 : memref<1000000x64xf32, #tpu.memory_space<hbm>>) dst(%dma_wait3A_144 : memref<128x64xf32, #tpu.memory_space<vmem>>)
    %add3A_151 = arith.constant 256 : i32
    %add3A_152 = arith.addi %mul3A_2, %add3A_151 : i32
    %dma_start3A_153 = arith.constant 2 : i32
    %dma_start3A_154 = arith.constant 0 : i32
    %dma_start3A_155 = arith.constant 0 : i32
    %dma_start3A_156 = tpu.memref_slice %arg6[%dma_start3A_153, %dma_start3A_154, %dma_start3A_155] : memref<8x128x64xf32, #tpu.memory_space<vmem>> -> memref<1x128x64xf32, #tpu.memory_space<vmem>>
    %dma_start3A_157 = tpu.memref_squeeze %dma_start3A_156 : memref<1x128x64xf32, #tpu.memory_space<vmem>> -> memref<128x64xf32, #tpu.memory_space<vmem>>
    %dma_start3A_158 = arith.constant 0 : i32
    %dma_start3A_159 = tpu.memref_slice %arg4[%add3A_152, %dma_start3A_158] : memref<819200x64xf32, #tpu.memory_space<hbm>> -> memref<128x64xf32, #tpu.memory_space<hbm>>
    %dma_start3A_160 = arith.constant 0 : i32
    %dma_start3A_161 = tpu.memref_slice %arg4[%add3A_152, %dma_start3A_160] : memref<819200x64xf32, #tpu.memory_space<hbm>> -> memref<128x64xf32, #tpu.memory_space<hbm>>
    %dma_start3A_162 = arith.constant 0 : i32
    %dma_start3A_163 = arith.constant 0 : i32
    %dma_start3A_164 = tpu.memref_slice %arg6[%dma_start3A_153, %dma_start3A_162, %dma_start3A_163] : memref<8x128x64xf32, #tpu.memory_space<vmem>> -> memref<1x128x64xf32, #tpu.memory_space<vmem>>
    %dma_start3A_165 = tpu.memref_squeeze %dma_start3A_164 : memref<1x128x64xf32, #tpu.memory_space<vmem>> -> memref<128x64xf32, #tpu.memory_space<vmem>>
    tpu.enqueue_dma source(%dma_start3A_165 : memref<128x64xf32, #tpu.memory_space<vmem>>) target(%dma_start3A_161 : memref<128x64xf32, #tpu.memory_space<hbm>>) target_semaphore(%arg17 : memref<!tpu.dma_semaphore, #tpu.memory_space<semaphore_mem>>)
    %dma_start3A_166 = arith.constant 7 : i32
    %dma_start3A_167 = arith.constant 7 : i32
    %dma_start3A_168 = arith.constant 0 : i32
    %dma_start3A_169 = arith.constant 0 : i32
    %dma_start3A_170 = tpu.memref_slice %arg6[%dma_start3A_167, %dma_start3A_168, %dma_start3A_169] : memref<8x128x64xf32, #tpu.memory_space<vmem>> -> memref<1x128x64xf32, #tpu.memory_space<vmem>>
    %dma_start3A_171 = tpu.memref_squeeze %dma_start3A_170 : memref<1x128x64xf32, #tpu.memory_space<vmem>> -> memref<128x64xf32, #tpu.memory_space<vmem>>
    %dma_start3A_172 = arith.constant 0 : i32
    %dma_start3A_173 = tpu.memref_slice %arg5[%dma_start3A_166, %dma_start3A_172] : memref<200x128xi32, #tpu.memory_space<vmem>> -> memref<1x128xi32, #tpu.memory_space<vmem>>
    %dma_start3A_174 = tpu.memref_squeeze %dma_start3A_173 : memref<1x128xi32, #tpu.memory_space<vmem>> -> memref<128xi32, #tpu.memory_space<vmem>>
    %dma_start3A_175 = arith.constant 0 : i32
    %dma_start3A_176 = arith.constant 0 : i32
    %dma_start3A_177 = tpu.memref_slice %arg3[%dma_start3A_175, %dma_start3A_176] : memref<1000000x64xf32, #tpu.memory_space<hbm>> -> memref<1000000x64xf32, #tpu.memory_space<hbm>>
    tpu.enqueue_indirect_dma source(%dma_start3A_177 : memref<1000000x64xf32, #tpu.memory_space<hbm>>) target(%dma_start3A_171 : memref<128x64xf32, #tpu.memory_space<vmem>>) offsets(%dma_start3A_174 : memref<128xi32, #tpu.memory_space<vmem>>) semaphore(%arg14 : memref<!tpu.dma_semaphore, #tpu.memory_space<semaphore_mem>>)
    %dma_wait3A_178 = arith.constant 3 : i32
    %dma_wait3A_179 = arith.constant 3 : i32
    %dma_wait3A_180 = arith.constant 0 : i32
    %dma_wait3A_181 = arith.constant 0 : i32
    %dma_wait3A_182 = tpu.memref_slice %arg6[%dma_wait3A_179, %dma_wait3A_180, %dma_wait3A_181] : memref<8x128x64xf32, #tpu.memory_space<vmem>> -> memref<1x128x64xf32, #tpu.memory_space<vmem>>
    %dma_wait3A_183 = tpu.memref_squeeze %dma_wait3A_182 : memref<1x128x64xf32, #tpu.memory_space<vmem>> -> memref<128x64xf32, #tpu.memory_space<vmem>>
    %dma_wait3A_184 = arith.constant 0 : i32
    %dma_wait3A_185 = tpu.memref_slice %arg5[%dma_wait3A_178, %dma_wait3A_184] : memref<200x128xi32, #tpu.memory_space<vmem>> -> memref<1x128xi32, #tpu.memory_space<vmem>>
    %dma_wait3A_186 = tpu.memref_squeeze %dma_wait3A_185 : memref<1x128xi32, #tpu.memory_space<vmem>> -> memref<128xi32, #tpu.memory_space<vmem>>
    %dma_wait3A_187 = arith.constant 0 : i32
    %dma_wait3A_188 = arith.constant 0 : i32
    %dma_wait3A_189 = tpu.memref_slice %arg3[%dma_wait3A_187, %dma_wait3A_188] : memref<1000000x64xf32, #tpu.memory_space<hbm>> -> memref<1000000x64xf32, #tpu.memory_space<hbm>>
    tpu.wait_indirect_dma semaphore(%arg10 : memref<!tpu.dma_semaphore, #tpu.memory_space<semaphore_mem>>) src(%dma_wait3A_189 : memref<1000000x64xf32, #tpu.memory_space<hbm>>) dst(%dma_wait3A_183 : memref<128x64xf32, #tpu.memory_space<vmem>>)
    %add3A_190 = arith.constant 384 : i32
    %add3A_191 = arith.addi %mul3A_2, %add3A_190 : i32
    %dma_start3A_192 = arith.constant 3 : i32
    %dma_start3A_193 = arith.constant 0 : i32
    %dma_start3A_194 = arith.constant 0 : i32
    %dma_start3A_195 = tpu.memref_slice %arg6[%dma_start3A_192, %dma_start3A_193, %dma_start3A_194] : memref<8x128x64xf32, #tpu.memory_space<vmem>> -> memref<1x128x64xf32, #tpu.memory_space<vmem>>
    %dma_start3A_196 = tpu.memref_squeeze %dma_start3A_195 : memref<1x128x64xf32, #tpu.memory_space<vmem>> -> memref<128x64xf32, #tpu.memory_space<vmem>>
    %dma_start3A_197 = arith.constant 0 : i32
    %dma_start3A_198 = tpu.memref_slice %arg4[%add3A_191, %dma_start3A_197] : memref<819200x64xf32, #tpu.memory_space<hbm>> -> memref<128x64xf32, #tpu.memory_space<hbm>>
    %dma_start3A_199 = arith.constant 0 : i32
    %dma_start3A_200 = tpu.memref_slice %arg4[%add3A_191, %dma_start3A_199] : memref<819200x64xf32, #tpu.memory_space<hbm>> -> memref<128x64xf32, #tpu.memory_space<hbm>>
    %dma_start3A_201 = arith.constant 0 : i32
    %dma_start3A_202 = arith.constant 0 : i32
    %dma_start3A_203 = tpu.memref_slice %arg6[%dma_start3A_192, %dma_start3A_201, %dma_start3A_202] : memref<8x128x64xf32, #tpu.memory_space<vmem>> -> memref<1x128x64xf32, #tpu.memory_space<vmem>>
    %dma_start3A_204 = tpu.memref_squeeze %dma_start3A_203 : memref<1x128x64xf32, #tpu.memory_space<vmem>> -> memref<128x64xf32, #tpu.memory_space<vmem>>
    tpu.enqueue_dma source(%dma_start3A_204 : memref<128x64xf32, #tpu.memory_space<vmem>>) target(%dma_start3A_200 : memref<128x64xf32, #tpu.memory_space<hbm>>) target_semaphore(%arg18 : memref<!tpu.dma_semaphore, #tpu.memory_space<semaphore_mem>>)
    %add3A_205 = arith.constant 0 : i32
    %add3A_206 = arith.addi %mul3A_2, %add3A_205 : i32
    %dma_wait3A_207 = arith.constant 0 : i32
    %dma_wait3A_208 = arith.constant 0 : i32
    %dma_wait3A_209 = arith.constant 0 : i32
    %dma_wait3A_210 = tpu.memref_slice %arg6[%dma_wait3A_207, %dma_wait3A_208, %dma_wait3A_209] : memref<8x128x64xf32, #tpu.memory_space<vmem>> -> memref<1x128x64xf32, #tpu.memory_space<vmem>>
    %dma_wait3A_211 = tpu.memref_squeeze %dma_wait3A_210 : memref<1x128x64xf32, #tpu.memory_space<vmem>> -> memref<128x64xf32, #tpu.memory_space<vmem>>
    %dma_wait3A_212 = arith.constant 0 : i32
    %dma_wait3A_213 = tpu.memref_slice %arg4[%add3A_206, %dma_wait3A_212] : memref<819200x64xf32, #tpu.memory_space<hbm>> -> memref<128x64xf32, #tpu.memory_space<hbm>>
    %dma_wait3A_214 = arith.constant 0 : i32
    %dma_wait3A_215 = tpu.memref_slice %arg4[%add3A_206, %dma_wait3A_214] : memref<819200x64xf32, #tpu.memory_space<hbm>> -> memref<128x64xf32, #tpu.memory_space<hbm>>
    %dma_wait3A_216 = arith.constant 0 : i32
    %dma_wait3A_217 = arith.constant 0 : i32
    %dma_wait3A_218 = tpu.memref_slice %arg6[%dma_wait3A_207, %dma_wait3A_216, %dma_wait3A_217] : memref<8x128x64xf32, #tpu.memory_space<vmem>> -> memref<1x128x64xf32, #tpu.memory_space<vmem>>
    %dma_wait3A_219 = tpu.memref_squeeze %dma_wait3A_218 : memref<1x128x64xf32, #tpu.memory_space<vmem>> -> memref<128x64xf32, #tpu.memory_space<vmem>>
    tpu.wait_dma2 semaphore(%arg15 : memref<!tpu.dma_semaphore, #tpu.memory_space<semaphore_mem>>) src(%dma_wait3A_219 : memref<128x64xf32, #tpu.memory_space<vmem>>) dst(%dma_wait3A_215 : memref<128x64xf32, #tpu.memory_space<hbm>>)
    %dma_start3A_220 = arith.constant 8 : i32
    %dma_start3A_221 = arith.constant 0 : i32
    %dma_start3A_222 = arith.constant 0 : i32
    %dma_start3A_223 = arith.constant 0 : i32
    %dma_start3A_224 = tpu.memref_slice %arg6[%dma_start3A_221, %dma_start3A_222, %dma_start3A_223] : memref<8x128x64xf32, #tpu.memory_space<vmem>> -> memref<1x128x64xf32, #tpu.memory_space<vmem>>
    %dma_start3A_225 = tpu.memref_squeeze %dma_start3A_224 : memref<1x128x64xf32, #tpu.memory_space<vmem>> -> memref<128x64xf32, #tpu.memory_space<vmem>>
    %dma_start3A_226 = arith.constant 0 : i32
    %dma_start3A_227 = tpu.memref_slice %arg5[%dma_start3A_220, %dma_start3A_226] : memref<200x128xi32, #tpu.memory_space<vmem>> -> memref<1x128xi32, #tpu.memory_space<vmem>>
    %dma_start3A_228 = tpu.memref_squeeze %dma_start3A_227 : memref<1x128xi32, #tpu.memory_space<vmem>> -> memref<128xi32, #tpu.memory_space<vmem>>
    %dma_start3A_229 = arith.constant 0 : i32
    %dma_start3A_230 = arith.constant 0 : i32
    %dma_start3A_231 = tpu.memref_slice %arg3[%dma_start3A_229, %dma_start3A_230] : memref<1000000x64xf32, #tpu.memory_space<hbm>> -> memref<1000000x64xf32, #tpu.memory_space<hbm>>
    tpu.enqueue_indirect_dma source(%dma_start3A_231 : memref<1000000x64xf32, #tpu.memory_space<hbm>>) target(%dma_start3A_225 : memref<128x64xf32, #tpu.memory_space<vmem>>) offsets(%dma_start3A_228 : memref<128xi32, #tpu.memory_space<vmem>>) semaphore(%arg7 : memref<!tpu.dma_semaphore, #tpu.memory_space<semaphore_mem>>)
    %dma_wait3A_232 = arith.constant 4 : i32
    %dma_wait3A_233 = arith.constant 4 : i32
    %dma_wait3A_234 = arith.constant 0 : i32
    %dma_wait3A_235 = arith.constant 0 : i32
    %dma_wait3A_236 = tpu.memref_slice %arg6[%dma_wait3A_233, %dma_wait3A_234, %dma_wait3A_235] : memref<8x128x64xf32, #tpu.memory_space<vmem>> -> memref<1x128x64xf32, #tpu.memory_space<vmem>>
    %dma_wait3A_237 = tpu.memref_squeeze %dma_wait3A_236 : memref<1x128x64xf32, #tpu.memory_space<vmem>> -> memref<128x64xf32, #tpu.memory_space<vmem>>
    %dma_wait3A_238 = arith.constant 0 : i32
    %dma_wait3A_239 = tpu.memref_slice %arg5[%dma_wait3A_232, %dma_wait3A_238] : memref<200x128xi32, #tpu.memory_space<vmem>> -> memref<1x128xi32, #tpu.memory_space<vmem>>
    %dma_wait3A_240 = tpu.memref_squeeze %dma_wait3A_239 : memref<1x128xi32, #tpu.memory_space<vmem>> -> memref<128xi32, #tpu.memory_space<vmem>>
    %dma_wait3A_241 = arith.constant 0 : i32
    %dma_wait3A_242 = arith.constant 0 : i32
    %dma_wait3A_243 = tpu.memref_slice %arg3[%dma_wait3A_241, %dma_wait3A_242] : memref<1000000x64xf32, #tpu.memory_space<hbm>> -> memref<1000000x64xf32, #tpu.memory_space<hbm>>
    tpu.wait_indirect_dma semaphore(%arg11 : memref<!tpu.dma_semaphore, #tpu.memory_space<semaphore_mem>>) src(%dma_wait3A_243 : memref<1000000x64xf32, #tpu.memory_space<hbm>>) dst(%dma_wait3A_237 : memref<128x64xf32, #tpu.memory_space<vmem>>)
    %add3A_244 = arith.constant 512 : i32
    %add3A_245 = arith.addi %mul3A_2, %add3A_244 : i32
    %dma_start3A_246 = arith.constant 4 : i32
    %dma_start3A_247 = arith.constant 0 : i32
    %dma_start3A_248 = arith.constant 0 : i32
    %dma_start3A_249 = tpu.memref_slice %arg6[%dma_start3A_246, %dma_start3A_247, %dma_start3A_248] : memref<8x128x64xf32, #tpu.memory_space<vmem>> -> memref<1x128x64xf32, #tpu.memory_space<vmem>>
    %dma_start3A_250 = tpu.memref_squeeze %dma_start3A_249 : memref<1x128x64xf32, #tpu.memory_space<vmem>> -> memref<128x64xf32, #tpu.memory_space<vmem>>
    %dma_start3A_251 = arith.constant 0 : i32
    %dma_start3A_252 = tpu.memref_slice %arg4[%add3A_245, %dma_start3A_251] : memref<819200x64xf32, #tpu.memory_space<hbm>> -> memref<128x64xf32, #tpu.memory_space<hbm>>
    %dma_start3A_253 = arith.constant 0 : i32
    %dma_start3A_254 = tpu.memref_slice %arg4[%add3A_245, %dma_start3A_253] : memref<819200x64xf32, #tpu.memory_space<hbm>> -> memref<128x64xf32, #tpu.memory_space<hbm>>
    %dma_start3A_255 = arith.constant 0 : i32
    %dma_start3A_256 = arith.constant 0 : i32
    %dma_start3A_257 = tpu.memref_slice %arg6[%dma_start3A_246, %dma_start3A_255, %dma_start3A_256] : memref<8x128x64xf32, #tpu.memory_space<vmem>> -> memref<1x128x64xf32, #tpu.memory_space<vmem>>
    %dma_start3A_258 = tpu.memref_squeeze %dma_start3A_257 : memref<1x128x64xf32, #tpu.memory_space<vmem>> -> memref<128x64xf32, #tpu.memory_space<vmem>>
    tpu.enqueue_dma source(%dma_start3A_258 : memref<128x64xf32, #tpu.memory_space<vmem>>) target(%dma_start3A_254 : memref<128x64xf32, #tpu.memory_space<hbm>>) target_semaphore(%arg19 : memref<!tpu.dma_semaphore, #tpu.memory_space<semaphore_mem>>)
    %add3A_259 = arith.constant 128 : i32
    %add3A_260 = arith.addi %mul3A_2, %add3A_259 : i32
    %dma_wait3A_261 = arith.constant 1 : i32
    %dma_wait3A_262 = arith.constant 0 : i32
    %dma_wait3A_263 = arith.constant 0 : i32
    %dma_wait3A_264 = tpu.memref_slice %arg6[%dma_wait3A_261, %dma_wait3A_262, %dma_wait3A_263] : memref<8x128x64xf32, #tpu.memory_space<vmem>> -> memref<1x128x64xf32, #tpu.memory_space<vmem>>
    %dma_wait3A_265 = tpu.memref_squeeze %dma_wait3A_264 : memref<1x128x64xf32, #tpu.memory_space<vmem>> -> memref<128x64xf32, #tpu.memory_space<vmem>>
    %dma_wait3A_266 = arith.constant 0 : i32
    %dma_wait3A_267 = tpu.memref_slice %arg4[%add3A_260, %dma_wait3A_266] : memref<819200x64xf32, #tpu.memory_space<hbm>> -> memref<128x64xf32, #tpu.memory_space<hbm>>
    %dma_wait3A_268 = arith.constant 0 : i32
    %dma_wait3A_269 = tpu.memref_slice %arg4[%add3A_260, %dma_wait3A_268] : memref<819200x64xf32, #tpu.memory_space<hbm>> -> memref<128x64xf32, #tpu.memory_space<hbm>>
    %dma_wait3A_270 = arith.constant 0 : i32
    %dma_wait3A_271 = arith.constant 0 : i32
    %dma_wait3A_272 = tpu.memref_slice %arg6[%dma_wait3A_261, %dma_wait3A_270, %dma_wait3A_271] : memref<8x128x64xf32, #tpu.memory_space<vmem>> -> memref<1x128x64xf32, #tpu.memory_space<vmem>>
    %dma_wait3A_273 = tpu.memref_squeeze %dma_wait3A_272 : memref<1x128x64xf32, #tpu.memory_space<vmem>> -> memref<128x64xf32, #tpu.memory_space<vmem>>
    tpu.wait_dma2 semaphore(%arg16 : memref<!tpu.dma_semaphore, #tpu.memory_space<semaphore_mem>>) src(%dma_wait3A_273 : memref<128x64xf32, #tpu.memory_space<vmem>>) dst(%dma_wait3A_269 : memref<128x64xf32, #tpu.memory_space<hbm>>)
    %dma_start3A_274 = arith.constant 9 : i32
    %dma_start3A_275 = arith.constant 1 : i32
    %dma_start3A_276 = arith.constant 0 : i32
    %dma_start3A_277 = arith.constant 0 : i32
    %dma_start3A_278 = tpu.memref_slice %arg6[%dma_start3A_275, %dma_start3A_276, %dma_start3A_277] : memref<8x128x64xf32, #tpu.memory_space<vmem>> -> memref<1x128x64xf32, #tpu.memory_space<vmem>>
    %dma_start3A_279 = tpu.memref_squeeze %dma_start3A_278 : memref<1x128x64xf32, #tpu.memory_space<vmem>> -> memref<128x64xf32, #tpu.memory_space<vmem>>
    %dma_start3A_280 = arith.constant 0 : i32
    %dma_start3A_281 = tpu.memref_slice %arg5[%dma_start3A_274, %dma_start3A_280] : memref<200x128xi32, #tpu.memory_space<vmem>> -> memref<1x128xi32, #tpu.memory_space<vmem>>
    %dma_start3A_282 = tpu.memref_squeeze %dma_start3A_281 : memref<1x128xi32, #tpu.memory_space<vmem>> -> memref<128xi32, #tpu.memory_space<vmem>>
    %dma_start3A_283 = arith.constant 0 : i32
    %dma_start3A_284 = arith.constant 0 : i32
    %dma_start3A_285 = tpu.memref_slice %arg3[%dma_start3A_283, %dma_start3A_284] : memref<1000000x64xf32, #tpu.memory_space<hbm>> -> memref<1000000x64xf32, #tpu.memory_space<hbm>>
    tpu.enqueue_indirect_dma source(%dma_start3A_285 : memref<1000000x64xf32, #tpu.memory_space<hbm>>) target(%dma_start3A_279 : memref<128x64xf32, #tpu.memory_space<vmem>>) offsets(%dma_start3A_282 : memref<128xi32, #tpu.memory_space<vmem>>) semaphore(%arg8 : memref<!tpu.dma_semaphore, #tpu.memory_space<semaphore_mem>>)
    %dma_wait3A_286 = arith.constant 5 : i32
    %dma_wait3A_287 = arith.constant 5 : i32
    %dma_wait3A_288 = arith.constant 0 : i32
    %dma_wait3A_289 = arith.constant 0 : i32
    %dma_wait3A_290 = tpu.memref_slice %arg6[%dma_wait3A_287, %dma_wait3A_288, %dma_wait3A_289] : memref<8x128x64xf32, #tpu.memory_space<vmem>> -> memref<1x128x64xf32, #tpu.memory_space<vmem>>
    %dma_wait3A_291 = tpu.memref_squeeze %dma_wait3A_290 : memref<1x128x64xf32, #tpu.memory_space<vmem>> -> memref<128x64xf32, #tpu.memory_space<vmem>>
    %dma_wait3A_292 = arith.constant 0 : i32
    %dma_wait3A_293 = tpu.memref_slice %arg5[%dma_wait3A_286, %dma_wait3A_292] : memref<200x128xi32, #tpu.memory_space<vmem>> -> memref<1x128xi32, #tpu.memory_space<vmem>>
    %dma_wait3A_294 = tpu.memref_squeeze %dma_wait3A_293 : memref<1x128xi32, #tpu.memory_space<vmem>> -> memref<128xi32, #tpu.memory_space<vmem>>
    %dma_wait3A_295 = arith.constant 0 : i32
    %dma_wait3A_296 = arith.constant 0 : i32
    %dma_wait3A_297 = tpu.memref_slice %arg3[%dma_wait3A_295, %dma_wait3A_296] : memref<1000000x64xf32, #tpu.memory_space<hbm>> -> memref<1000000x64xf32, #tpu.memory_space<hbm>>
    tpu.wait_indirect_dma semaphore(%arg12 : memref<!tpu.dma_semaphore, #tpu.memory_space<semaphore_mem>>) src(%dma_wait3A_297 : memref<1000000x64xf32, #tpu.memory_space<hbm>>) dst(%dma_wait3A_291 : memref<128x64xf32, #tpu.memory_space<vmem>>)
    %add3A_298 = arith.constant 640 : i32
    %add3A_299 = arith.addi %mul3A_2, %add3A_298 : i32
    %dma_start3A_300 = arith.constant 5 : i32
    %dma_start3A_301 = arith.constant 0 : i32
    %dma_start3A_302 = arith.constant 0 : i32
    %dma_start3A_303 = tpu.memref_slice %arg6[%dma_start3A_300, %dma_start3A_301, %dma_start3A_302] : memref<8x128x64xf32, #tpu.memory_space<vmem>> -> memref<1x128x64xf32, #tpu.memory_space<vmem>>
    %dma_start3A_304 = tpu.memref_squeeze %dma_start3A_303 : memref<1x128x64xf32, #tpu.memory_space<vmem>> -> memref<128x64xf32, #tpu.memory_space<vmem>>
    %dma_start3A_305 = arith.constant 0 : i32
    %dma_start3A_306 = tpu.memref_slice %arg4[%add3A_299, %dma_start3A_305] : memref<819200x64xf32, #tpu.memory_space<hbm>> -> memref<128x64xf32, #tpu.memory_space<hbm>>
    %dma_start3A_307 = arith.constant 0 : i32
    %dma_start3A_308 = tpu.memref_slice %arg4[%add3A_299, %dma_start3A_307] : memref<819200x64xf32, #tpu.memory_space<hbm>> -> memref<128x64xf32, #tpu.memory_space<hbm>>
    %dma_start3A_309 = arith.constant 0 : i32
    %dma_start3A_310 = arith.constant 0 : i32
    %dma_start3A_311 = tpu.memref_slice %arg6[%dma_start3A_300, %dma_start3A_309, %dma_start3A_310] : memref<8x128x64xf32, #tpu.memory_space<vmem>> -> memref<1x128x64xf32, #tpu.memory_space<vmem>>
    %dma_start3A_312 = tpu.memref_squeeze %dma_start3A_311 : memref<1x128x64xf32, #tpu.memory_space<vmem>> -> memref<128x64xf32, #tpu.memory_space<vmem>>
    tpu.enqueue_dma source(%dma_start3A_312 : memref<128x64xf32, #tpu.memory_space<vmem>>) target(%dma_start3A_308 : memref<128x64xf32, #tpu.memory_space<hbm>>) target_semaphore(%arg20 : memref<!tpu.dma_semaphore, #tpu.memory_space<semaphore_mem>>)
    %add3A_313 = arith.constant 256 : i32
    %add3A_314 = arith.addi %mul3A_2, %add3A_313 : i32
    %dma_wait3A_315 = arith.constant 2 : i32
    %dma_wait3A_316 = arith.constant 0 : i32
    %dma_wait3A_317 = arith.constant 0 : i32
    %dma_wait3A_318 = tpu.memref_slice %arg6[%dma_wait3A_315, %dma_wait3A_316, %dma_wait3A_317] : memref<8x128x64xf32, #tpu.memory_space<vmem>> -> memref<1x128x64xf32, #tpu.memory_space<vmem>>
    %dma_wait3A_319 = tpu.memref_squeeze %dma_wait3A_318 : memref<1x128x64xf32, #tpu.memory_space<vmem>> -> memref<128x64xf32, #tpu.memory_space<vmem>>
    %dma_wait3A_320 = arith.constant 0 : i32
    %dma_wait3A_321 = tpu.memref_slice %arg4[%add3A_314, %dma_wait3A_320] : memref<819200x64xf32, #tpu.memory_space<hbm>> -> memref<128x64xf32, #tpu.memory_space<hbm>>
    %dma_wait3A_322 = arith.constant 0 : i32
    %dma_wait3A_323 = tpu.memref_slice %arg4[%add3A_314, %dma_wait3A_322] : memref<819200x64xf32, #tpu.memory_space<hbm>> -> memref<128x64xf32, #tpu.memory_space<hbm>>
    %dma_wait3A_324 = arith.constant 0 : i32
    %dma_wait3A_325 = arith.constant 0 : i32
    %dma_wait3A_326 = tpu.memref_slice %arg6[%dma_wait3A_315, %dma_wait3A_324, %dma_wait3A_325] : memref<8x128x64xf32, #tpu.memory_space<vmem>> -> memref<1x128x64xf32, #tpu.memory_space<vmem>>
    %dma_wait3A_327 = tpu.memref_squeeze %dma_wait3A_326 : memref<1x128x64xf32, #tpu.memory_space<vmem>> -> memref<128x64xf32, #tpu.memory_space<vmem>>
    tpu.wait_dma2 semaphore(%arg17 : memref<!tpu.dma_semaphore, #tpu.memory_space<semaphore_mem>>) src(%dma_wait3A_327 : memref<128x64xf32, #tpu.memory_space<vmem>>) dst(%dma_wait3A_323 : memref<128x64xf32, #tpu.memory_space<hbm>>)
    %dma_start3A_328 = arith.constant 10 : i32
    %dma_start3A_329 = arith.constant 2 : i32
    %dma_start3A_330 = arith.constant 0 : i32
    %dma_start3A_331 = arith.constant 0 : i32
    %dma_start3A_332 = tpu.memref_slice %arg6[%dma_start3A_329, %dma_start3A_330, %dma_start3A_331] : memref<8x128x64xf32, #tpu.memory_space<vmem>> -> memref<1x128x64xf32, #tpu.memory_space<vmem>>
    %dma_start3A_333 = tpu.memref_squeeze %dma_start3A_332 : memref<1x128x64xf32, #tpu.memory_space<vmem>> -> memref<128x64xf32, #tpu.memory_space<vmem>>
    %dma_start3A_334 = arith.constant 0 : i32
    %dma_start3A_335 = tpu.memref_slice %arg5[%dma_start3A_328, %dma_start3A_334] : memref<200x128xi32, #tpu.memory_space<vmem>> -> memref<1x128xi32, #tpu.memory_space<vmem>>
    %dma_start3A_336 = tpu.memref_squeeze %dma_start3A_335 : memref<1x128xi32, #tpu.memory_space<vmem>> -> memref<128xi32, #tpu.memory_space<vmem>>
    %dma_start3A_337 = arith.constant 0 : i32
    %dma_start3A_338 = arith.constant 0 : i32
    %dma_start3A_339 = tpu.memref_slice %arg3[%dma_start3A_337, %dma_start3A_338] : memref<1000000x64xf32, #tpu.memory_space<hbm>> -> memref<1000000x64xf32, #tpu.memory_space<hbm>>
    tpu.enqueue_indirect_dma source(%dma_start3A_339 : memref<1000000x64xf32, #tpu.memory_space<hbm>>) target(%dma_start3A_333 : memref<128x64xf32, #tpu.memory_space<vmem>>) offsets(%dma_start3A_336 : memref<128xi32, #tpu.memory_space<vmem>>) semaphore(%arg9 : memref<!tpu.dma_semaphore, #tpu.memory_space<semaphore_mem>>)
    %dma_wait3A_340 = arith.constant 6 : i32
    %dma_wait3A_341 = arith.constant 6 : i32
    %dma_wait3A_342 = arith.constant 0 : i32
    %dma_wait3A_343 = arith.constant 0 : i32
    %dma_wait3A_344 = tpu.memref_slice %arg6[%dma_wait3A_341, %dma_wait3A_342, %dma_wait3A_343] : memref<8x128x64xf32, #tpu.memory_space<vmem>> -> memref<1x128x64xf32, #tpu.memory_space<vmem>>
    %dma_wait3A_345 = tpu.memref_squeeze %dma_wait3A_344 : memref<1x128x64xf32, #tpu.memory_space<vmem>> -> memref<128x64xf32, #tpu.memory_space<vmem>>
    %dma_wait3A_346 = arith.constant 0 : i32
    %dma_wait3A_347 = tpu.memref_slice %arg5[%dma_wait3A_340, %dma_wait3A_346] : memref<200x128xi32, #tpu.memory_space<vmem>> -> memref<1x128xi32, #tpu.memory_space<vmem>>
    %dma_wait3A_348 = tpu.memref_squeeze %dma_wait3A_347 : memref<1x128xi32, #tpu.memory_space<vmem>> -> memref<128xi32, #tpu.memory_space<vmem>>
    %dma_wait3A_349 = arith.constant 0 : i32
    %dma_wait3A_350 = arith.constant 0 : i32
    %dma_wait3A_351 = tpu.memref_slice %arg3[%dma_wait3A_349, %dma_wait3A_350] : memref<1000000x64xf32, #tpu.memory_space<hbm>> -> memref<1000000x64xf32, #tpu.memory_space<hbm>>
    tpu.wait_indirect_dma semaphore(%arg13 : memref<!tpu.dma_semaphore, #tpu.memory_space<semaphore_mem>>) src(%dma_wait3A_351 : memref<1000000x64xf32, #tpu.memory_space<hbm>>) dst(%dma_wait3A_345 : memref<128x64xf32, #tpu.memory_space<vmem>>)
    %add3A_352 = arith.constant 768 : i32
    %add3A_353 = arith.addi %mul3A_2, %add3A_352 : i32
    %dma_start3A_354 = arith.constant 6 : i32
    %dma_start3A_355 = arith.constant 0 : i32
    %dma_start3A_356 = arith.constant 0 : i32
    %dma_start3A_357 = tpu.memref_slice %arg6[%dma_start3A_354, %dma_start3A_355, %dma_start3A_356] : memref<8x128x64xf32, #tpu.memory_space<vmem>> -> memref<1x128x64xf32, #tpu.memory_space<vmem>>
    %dma_start3A_358 = tpu.memref_squeeze %dma_start3A_357 : memref<1x128x64xf32, #tpu.memory_space<vmem>> -> memref<128x64xf32, #tpu.memory_space<vmem>>
    %dma_start3A_359 = arith.constant 0 : i32
    %dma_start3A_360 = tpu.memref_slice %arg4[%add3A_353, %dma_start3A_359] : memref<819200x64xf32, #tpu.memory_space<hbm>> -> memref<128x64xf32, #tpu.memory_space<hbm>>
    %dma_start3A_361 = arith.constant 0 : i32
    %dma_start3A_362 = tpu.memref_slice %arg4[%add3A_353, %dma_start3A_361] : memref<819200x64xf32, #tpu.memory_space<hbm>> -> memref<128x64xf32, #tpu.memory_space<hbm>>
    %dma_start3A_363 = arith.constant 0 : i32
    %dma_start3A_364 = arith.constant 0 : i32
    %dma_start3A_365 = tpu.memref_slice %arg6[%dma_start3A_354, %dma_start3A_363, %dma_start3A_364] : memref<8x128x64xf32, #tpu.memory_space<vmem>> -> memref<1x128x64xf32, #tpu.memory_space<vmem>>
    %dma_start3A_366 = tpu.memref_squeeze %dma_start3A_365 : memref<1x128x64xf32, #tpu.memory_space<vmem>> -> memref<128x64xf32, #tpu.memory_space<vmem>>
    tpu.enqueue_dma source(%dma_start3A_366 : memref<128x64xf32, #tpu.memory_space<vmem>>) target(%dma_start3A_362 : memref<128x64xf32, #tpu.memory_space<hbm>>) target_semaphore(%arg21 : memref<!tpu.dma_semaphore, #tpu.memory_space<semaphore_mem>>)
    %add3A_367 = arith.constant 384 : i32
    %add3A_368 = arith.addi %mul3A_2, %add3A_367 : i32
    %dma_wait3A_369 = arith.constant 3 : i32
    %dma_wait3A_370 = arith.constant 0 : i32
    %dma_wait3A_371 = arith.constant 0 : i32
    %dma_wait3A_372 = tpu.memref_slice %arg6[%dma_wait3A_369, %dma_wait3A_370, %dma_wait3A_371] : memref<8x128x64xf32, #tpu.memory_space<vmem>> -> memref<1x128x64xf32, #tpu.memory_space<vmem>>
    %dma_wait3A_373 = tpu.memref_squeeze %dma_wait3A_372 : memref<1x128x64xf32, #tpu.memory_space<vmem>> -> memref<128x64xf32, #tpu.memory_space<vmem>>
    %dma_wait3A_374 = arith.constant 0 : i32
    %dma_wait3A_375 = tpu.memref_slice %arg4[%add3A_368, %dma_wait3A_374] : memref<819200x64xf32, #tpu.memory_space<hbm>> -> memref<128x64xf32, #tpu.memory_space<hbm>>
    %dma_wait3A_376 = arith.constant 0 : i32
    %dma_wait3A_377 = tpu.memref_slice %arg4[%add3A_368, %dma_wait3A_376] : memref<819200x64xf32, #tpu.memory_space<hbm>> -> memref<128x64xf32, #tpu.memory_space<hbm>>
    %dma_wait3A_378 = arith.constant 0 : i32
    %dma_wait3A_379 = arith.constant 0 : i32
    %dma_wait3A_380 = tpu.memref_slice %arg6[%dma_wait3A_369, %dma_wait3A_378, %dma_wait3A_379] : memref<8x128x64xf32, #tpu.memory_space<vmem>> -> memref<1x128x64xf32, #tpu.memory_space<vmem>>
    %dma_wait3A_381 = tpu.memref_squeeze %dma_wait3A_380 : memref<1x128x64xf32, #tpu.memory_space<vmem>> -> memref<128x64xf32, #tpu.memory_space<vmem>>
    tpu.wait_dma2 semaphore(%arg18 : memref<!tpu.dma_semaphore, #tpu.memory_space<semaphore_mem>>) src(%dma_wait3A_381 : memref<128x64xf32, #tpu.memory_space<vmem>>) dst(%dma_wait3A_377 : memref<128x64xf32, #tpu.memory_space<hbm>>)
    %dma_start3A_382 = arith.constant 11 : i32
    %dma_start3A_383 = arith.constant 3 : i32
    %dma_start3A_384 = arith.constant 0 : i32
    %dma_start3A_385 = arith.constant 0 : i32
    %dma_start3A_386 = tpu.memref_slice %arg6[%dma_start3A_383, %dma_start3A_384, %dma_start3A_385] : memref<8x128x64xf32, #tpu.memory_space<vmem>> -> memref<1x128x64xf32, #tpu.memory_space<vmem>>
    %dma_start3A_387 = tpu.memref_squeeze %dma_start3A_386 : memref<1x128x64xf32, #tpu.memory_space<vmem>> -> memref<128x64xf32, #tpu.memory_space<vmem>>
    %dma_start3A_388 = arith.constant 0 : i32
    %dma_start3A_389 = tpu.memref_slice %arg5[%dma_start3A_382, %dma_start3A_388] : memref<200x128xi32, #tpu.memory_space<vmem>> -> memref<1x128xi32, #tpu.memory_space<vmem>>
    %dma_start3A_390 = tpu.memref_squeeze %dma_start3A_389 : memref<1x128xi32, #tpu.memory_space<vmem>> -> memref<128xi32, #tpu.memory_space<vmem>>
    %dma_start3A_391 = arith.constant 0 : i32
    %dma_start3A_392 = arith.constant 0 : i32
    %dma_start3A_393 = tpu.memref_slice %arg3[%dma_start3A_391, %dma_start3A_392] : memref<1000000x64xf32, #tpu.memory_space<hbm>> -> memref<1000000x64xf32, #tpu.memory_space<hbm>>
    tpu.enqueue_indirect_dma source(%dma_start3A_393 : memref<1000000x64xf32, #tpu.memory_space<hbm>>) target(%dma_start3A_387 : memref<128x64xf32, #tpu.memory_space<vmem>>) offsets(%dma_start3A_390 : memref<128xi32, #tpu.memory_space<vmem>>) semaphore(%arg10 : memref<!tpu.dma_semaphore, #tpu.memory_space<semaphore_mem>>)
    %dma_wait3A_394 = arith.constant 7 : i32
    %dma_wait3A_395 = arith.constant 7 : i32
    %dma_wait3A_396 = arith.constant 0 : i32
    %dma_wait3A_397 = arith.constant 0 : i32
    %dma_wait3A_398 = tpu.memref_slice %arg6[%dma_wait3A_395, %dma_wait3A_396, %dma_wait3A_397] : memref<8x128x64xf32, #tpu.memory_space<vmem>> -> memref<1x128x64xf32, #tpu.memory_space<vmem>>
    %dma_wait3A_399 = tpu.memref_squeeze %dma_wait3A_398 : memref<1x128x64xf32, #tpu.memory_space<vmem>> -> memref<128x64xf32, #tpu.memory_space<vmem>>
    %dma_wait3A_400 = arith.constant 0 : i32
    %dma_wait3A_401 = tpu.memref_slice %arg5[%dma_wait3A_394, %dma_wait3A_400] : memref<200x128xi32, #tpu.memory_space<vmem>> -> memref<1x128xi32, #tpu.memory_space<vmem>>
    %dma_wait3A_402 = tpu.memref_squeeze %dma_wait3A_401 : memref<1x128xi32, #tpu.memory_space<vmem>> -> memref<128xi32, #tpu.memory_space<vmem>>
    %dma_wait3A_403 = arith.constant 0 : i32
    %dma_wait3A_404 = arith.constant 0 : i32
    %dma_wait3A_405 = tpu.memref_slice %arg3[%dma_wait3A_403, %dma_wait3A_404] : memref<1000000x64xf32, #tpu.memory_space<hbm>> -> memref<1000000x64xf32, #tpu.memory_space<hbm>>
    tpu.wait_indirect_dma semaphore(%arg14 : memref<!tpu.dma_semaphore, #tpu.memory_space<semaphore_mem>>) src(%dma_wait3A_405 : memref<1000000x64xf32, #tpu.memory_space<hbm>>) dst(%dma_wait3A_399 : memref<128x64xf32, #tpu.memory_space<vmem>>)
    %add3A_406 = arith.constant 896 : i32
    %add3A_407 = arith.addi %mul3A_2, %add3A_406 : i32
    %dma_start3A_408 = arith.constant 7 : i32
    %dma_start3A_409 = arith.constant 0 : i32
    %dma_start3A_410 = arith.constant 0 : i32
    %dma_start3A_411 = tpu.memref_slice %arg6[%dma_start3A_408, %dma_start3A_409, %dma_start3A_410] : memref<8x128x64xf32, #tpu.memory_space<vmem>> -> memref<1x128x64xf32, #tpu.memory_space<vmem>>
    %dma_start3A_412 = tpu.memref_squeeze %dma_start3A_411 : memref<1x128x64xf32, #tpu.memory_space<vmem>> -> memref<128x64xf32, #tpu.memory_space<vmem>>
    %dma_start3A_413 = arith.constant 0 : i32
    %dma_start3A_414 = tpu.memref_slice %arg4[%add3A_407, %dma_start3A_413] : memref<819200x64xf32, #tpu.memory_space<hbm>> -> memref<128x64xf32, #tpu.memory_space<hbm>>
    %dma_start3A_415 = arith.constant 0 : i32
    %dma_start3A_416 = tpu.memref_slice %arg4[%add3A_407, %dma_start3A_415] : memref<819200x64xf32, #tpu.memory_space<hbm>> -> memref<128x64xf32, #tpu.memory_space<hbm>>
    %dma_start3A_417 = arith.constant 0 : i32
    %dma_start3A_418 = arith.constant 0 : i32
    %dma_start3A_419 = tpu.memref_slice %arg6[%dma_start3A_408, %dma_start3A_417, %dma_start3A_418] : memref<8x128x64xf32, #tpu.memory_space<vmem>> -> memref<1x128x64xf32, #tpu.memory_space<vmem>>
    %dma_start3A_420 = tpu.memref_squeeze %dma_start3A_419 : memref<1x128x64xf32, #tpu.memory_space<vmem>> -> memref<128x64xf32, #tpu.memory_space<vmem>>
    tpu.enqueue_dma source(%dma_start3A_420 : memref<128x64xf32, #tpu.memory_space<vmem>>) target(%dma_start3A_416 : memref<128x64xf32, #tpu.memory_space<hbm>>) target_semaphore(%arg22 : memref<!tpu.dma_semaphore, #tpu.memory_space<semaphore_mem>>)
    %scan3A = arith.constant 0 : i32
    %scan3A_421 = arith.constant 1 : i32
    %scan3A_422 = arith.constant 23 : i32
    %scan3A_423 = arith.addi %scan3A_421, %scan3A_422 : i32
    %scan3A_424 = arith.constant 1 : i32
    scf.for %scan3A_870 = %scan3A_421 to %scan3A_423 step %scan3A_424  : i32 {
      %mul3A_871 = arith.constant 8 : i32
      %mul3A_872 = arith.muli %scan3A_870, %mul3A_871 : i32
      %add3A_873 = arith.constant 0 : i32
      %add3A_874 = arith.addi %mul3A_872, %add3A_873 : i32
      %add3A_875 = arith.constant 4 : i32
      %add3A_876 = arith.addi %add3A_874, %add3A_875 : i32
      %sub3A = arith.constant 8 : i32
      %sub3A_877 = arith.subi %add3A_876, %sub3A : i32
      %mul3A_878 = arith.constant 128 : i32
      %mul3A_879 = arith.muli %sub3A_877, %mul3A_878 : i32
      %add3A_880 = arith.addi %mul3A_2, %mul3A_879 : i32
      %dma_wait3A_881 = arith.constant 4 : i32
      %dma_wait3A_882 = arith.constant 0 : i32
      %dma_wait3A_883 = arith.constant 0 : i32
      %dma_wait3A_884 = tpu.memref_slice %arg6[%dma_wait3A_881, %dma_wait3A_882, %dma_wait3A_883] : memref<8x128x64xf32, #tpu.memory_space<vmem>> -> memref<1x128x64xf32, #tpu.memory_space<vmem>>
      %dma_wait3A_885 = tpu.memref_squeeze %dma_wait3A_884 : memref<1x128x64xf32, #tpu.memory_space<vmem>> -> memref<128x64xf32, #tpu.memory_space<vmem>>
      %dma_wait3A_886 = arith.constant 0 : i32
      %dma_wait3A_887 = tpu.memref_slice %arg4[%add3A_880, %dma_wait3A_886] : memref<819200x64xf32, #tpu.memory_space<hbm>> -> memref<128x64xf32, #tpu.memory_space<hbm>>
      %dma_wait3A_888 = arith.constant 0 : i32
      %dma_wait3A_889 = tpu.memref_slice %arg4[%add3A_880, %dma_wait3A_888] : memref<819200x64xf32, #tpu.memory_space<hbm>> -> memref<128x64xf32, #tpu.memory_space<hbm>>
      %dma_wait3A_890 = arith.constant 0 : i32
      %dma_wait3A_891 = arith.constant 0 : i32
      %dma_wait3A_892 = tpu.memref_slice %arg6[%dma_wait3A_881, %dma_wait3A_890, %dma_wait3A_891] : memref<8x128x64xf32, #tpu.memory_space<vmem>> -> memref<1x128x64xf32, #tpu.memory_space<vmem>>
      %dma_wait3A_893 = tpu.memref_squeeze %dma_wait3A_892 : memref<1x128x64xf32, #tpu.memory_space<vmem>> -> memref<128x64xf32, #tpu.memory_space<vmem>>
      tpu.wait_dma2 semaphore(%arg19 : memref<!tpu.dma_semaphore, #tpu.memory_space<semaphore_mem>>) src(%dma_wait3A_893 : memref<128x64xf32, #tpu.memory_space<vmem>>) dst(%dma_wait3A_889 : memref<128x64xf32, #tpu.memory_space<hbm>>)
      %dma_start3A_894 = arith.constant 4 : i32
      %dma_start3A_895 = arith.constant 0 : i32
      %dma_start3A_896 = arith.constant 0 : i32
      %dma_start3A_897 = tpu.memref_slice %arg6[%dma_start3A_894, %dma_start3A_895, %dma_start3A_896] : memref<8x128x64xf32, #tpu.memory_space<vmem>> -> memref<1x128x64xf32, #tpu.memory_space<vmem>>
      %dma_start3A_898 = tpu.memref_squeeze %dma_start3A_897 : memref<1x128x64xf32, #tpu.memory_space<vmem>> -> memref<128x64xf32, #tpu.memory_space<vmem>>
      %dma_start3A_899 = arith.constant 0 : i32
      %dma_start3A_900 = tpu.memref_slice %arg5[%add3A_876, %dma_start3A_899] : memref<200x128xi32, #tpu.memory_space<vmem>> -> memref<1x128xi32, #tpu.memory_space<vmem>>
      %dma_start3A_901 = tpu.memref_squeeze %dma_start3A_900 : memref<1x128xi32, #tpu.memory_space<vmem>> -> memref<128xi32, #tpu.memory_space<vmem>>
      %dma_start3A_902 = arith.constant 0 : i32
      %dma_start3A_903 = arith.constant 0 : i32
      %dma_start3A_904 = tpu.memref_slice %arg3[%dma_start3A_902, %dma_start3A_903] : memref<1000000x64xf32, #tpu.memory_space<hbm>> -> memref<1000000x64xf32, #tpu.memory_space<hbm>>
      tpu.enqueue_indirect_dma source(%dma_start3A_904 : memref<1000000x64xf32, #tpu.memory_space<hbm>>) target(%dma_start3A_898 : memref<128x64xf32, #tpu.memory_space<vmem>>) offsets(%dma_start3A_901 : memref<128xi32, #tpu.memory_space<vmem>>) semaphore(%arg11 : memref<!tpu.dma_semaphore, #tpu.memory_space<semaphore_mem>>)
      %dma_wait3A_905 = arith.constant 0 : i32
      %dma_wait3A_906 = arith.constant 0 : i32
      %dma_wait3A_907 = arith.constant 0 : i32
      %dma_wait3A_908 = tpu.memref_slice %arg6[%dma_wait3A_905, %dma_wait3A_906, %dma_wait3A_907] : memref<8x128x64xf32, #tpu.memory_space<vmem>> -> memref<1x128x64xf32, #tpu.memory_space<vmem>>
      %dma_wait3A_909 = tpu.memref_squeeze %dma_wait3A_908 : memref<1x128x64xf32, #tpu.memory_space<vmem>> -> memref<128x64xf32, #tpu.memory_space<vmem>>
      %dma_wait3A_910 = arith.constant 0 : i32
      %dma_wait3A_911 = tpu.memref_slice %arg5[%add3A_874, %dma_wait3A_910] : memref<200x128xi32, #tpu.memory_space<vmem>> -> memref<1x128xi32, #tpu.memory_space<vmem>>
      %dma_wait3A_912 = tpu.memref_squeeze %dma_wait3A_911 : memref<1x128xi32, #tpu.memory_space<vmem>> -> memref<128xi32, #tpu.memory_space<vmem>>
      %dma_wait3A_913 = arith.constant 0 : i32
      %dma_wait3A_914 = arith.constant 0 : i32
      %dma_wait3A_915 = tpu.memref_slice %arg3[%dma_wait3A_913, %dma_wait3A_914] : memref<1000000x64xf32, #tpu.memory_space<hbm>> -> memref<1000000x64xf32, #tpu.memory_space<hbm>>
      tpu.wait_indirect_dma semaphore(%arg7 : memref<!tpu.dma_semaphore, #tpu.memory_space<semaphore_mem>>) src(%dma_wait3A_915 : memref<1000000x64xf32, #tpu.memory_space<hbm>>) dst(%dma_wait3A_909 : memref<128x64xf32, #tpu.memory_space<vmem>>)
      %mul3A_916 = arith.constant 128 : i32
      %mul3A_917 = arith.muli %add3A_874, %mul3A_916 : i32
      %add3A_918 = arith.addi %mul3A_2, %mul3A_917 : i32
      %dma_start3A_919 = arith.constant 0 : i32
      %dma_start3A_920 = arith.constant 0 : i32
      %dma_start3A_921 = arith.constant 0 : i32
      %dma_start3A_922 = tpu.memref_slice %arg6[%dma_start3A_919, %dma_start3A_920, %dma_start3A_921] : memref<8x128x64xf32, #tpu.memory_space<vmem>> -> memref<1x128x64xf32, #tpu.memory_space<vmem>>
      %dma_start3A_923 = tpu.memref_squeeze %dma_start3A_922 : memref<1x128x64xf32, #tpu.memory_space<vmem>> -> memref<128x64xf32, #tpu.memory_space<vmem>>
      %dma_start3A_924 = arith.constant 0 : i32
      %dma_start3A_925 = tpu.memref_slice %arg4[%add3A_918, %dma_start3A_924] : memref<819200x64xf32, #tpu.memory_space<hbm>> -> memref<128x64xf32, #tpu.memory_space<hbm>>
      %dma_start3A_926 = arith.constant 0 : i32
      %dma_start3A_927 = tpu.memref_slice %arg4[%add3A_918, %dma_start3A_926] : memref<819200x64xf32, #tpu.memory_space<hbm>> -> memref<128x64xf32, #tpu.memory_space<hbm>>
      %dma_start3A_928 = arith.constant 0 : i32
      %dma_start3A_929 = arith.constant 0 : i32
      %dma_start3A_930 = tpu.memref_slice %arg6[%dma_start3A_919, %dma_start3A_928, %dma_start3A_929] : memref<8x128x64xf32, #tpu.memory_space<vmem>> -> memref<1x128x64xf32, #tpu.memory_space<vmem>>
      %dma_start3A_931 = tpu.memref_squeeze %dma_start3A_930 : memref<1x128x64xf32, #tpu.memory_space<vmem>> -> memref<128x64xf32, #tpu.memory_space<vmem>>
      tpu.enqueue_dma source(%dma_start3A_931 : memref<128x64xf32, #tpu.memory_space<vmem>>) target(%dma_start3A_927 : memref<128x64xf32, #tpu.memory_space<hbm>>) target_semaphore(%arg15 : memref<!tpu.dma_semaphore, #tpu.memory_space<semaphore_mem>>)
      %mul3A_932 = arith.constant 8 : i32
      %mul3A_933 = arith.muli %scan3A_870, %mul3A_932 : i32
      %add3A_934 = arith.constant 1 : i32
      %add3A_935 = arith.addi %mul3A_933, %add3A_934 : i32
      %add3A_936 = arith.constant 4 : i32
      %add3A_937 = arith.addi %add3A_935, %add3A_936 : i32
      %sub3A_938 = arith.constant 8 : i32
      %sub3A_939 = arith.subi %add3A_937, %sub3A_938 : i32
      %mul3A_940 = arith.constant 128 : i32
      %mul3A_941 = arith.muli %sub3A_939, %mul3A_940 : i32
      %add3A_942 = arith.addi %mul3A_2, %mul3A_941 : i32
      %dma_wait3A_943 = arith.constant 5 : i32
      %dma_wait3A_944 = arith.constant 0 : i32
      %dma_wait3A_945 = arith.constant 0 : i32
      %dma_wait3A_946 = tpu.memref_slice %arg6[%dma_wait3A_943, %dma_wait3A_944, %dma_wait3A_945] : memref<8x128x64xf32, #tpu.memory_space<vmem>> -> memref<1x128x64xf32, #tpu.memory_space<vmem>>
      %dma_wait3A_947 = tpu.memref_squeeze %dma_wait3A_946 : memref<1x128x64xf32, #tpu.memory_space<vmem>> -> memref<128x64xf32, #tpu.memory_space<vmem>>
      %dma_wait3A_948 = arith.constant 0 : i32
      %dma_wait3A_949 = tpu.memref_slice %arg4[%add3A_942, %dma_wait3A_948] : memref<819200x64xf32, #tpu.memory_space<hbm>> -> memref<128x64xf32, #tpu.memory_space<hbm>>
      %dma_wait3A_950 = arith.constant 0 : i32
      %dma_wait3A_951 = tpu.memref_slice %arg4[%add3A_942, %dma_wait3A_950] : memref<819200x64xf32, #tpu.memory_space<hbm>> -> memref<128x64xf32, #tpu.memory_space<hbm>>
      %dma_wait3A_952 = arith.constant 0 : i32
      %dma_wait3A_953 = arith.constant 0 : i32
      %dma_wait3A_954 = tpu.memref_slice %arg6[%dma_wait3A_943, %dma_wait3A_952, %dma_wait3A_953] : memref<8x128x64xf32, #tpu.memory_space<vmem>> -> memref<1x128x64xf32, #tpu.memory_space<vmem>>
      %dma_wait3A_955 = tpu.memref_squeeze %dma_wait3A_954 : memref<1x128x64xf32, #tpu.memory_space<vmem>> -> memref<128x64xf32, #tpu.memory_space<vmem>>
      tpu.wait_dma2 semaphore(%arg20 : memref<!tpu.dma_semaphore, #tpu.memory_space<semaphore_mem>>) src(%dma_wait3A_955 : memref<128x64xf32, #tpu.memory_space<vmem>>) dst(%dma_wait3A_951 : memref<128x64xf32, #tpu.memory_space<hbm>>)
      %dma_start3A_956 = arith.constant 5 : i32
      %dma_start3A_957 = arith.constant 0 : i32
      %dma_start3A_958 = arith.constant 0 : i32
      %dma_start3A_959 = tpu.memref_slice %arg6[%dma_start3A_956, %dma_start3A_957, %dma_start3A_958] : memref<8x128x64xf32, #tpu.memory_space<vmem>> -> memref<1x128x64xf32, #tpu.memory_space<vmem>>
      %dma_start3A_960 = tpu.memref_squeeze %dma_start3A_959 : memref<1x128x64xf32, #tpu.memory_space<vmem>> -> memref<128x64xf32, #tpu.memory_space<vmem>>
      %dma_start3A_961 = arith.constant 0 : i32
      %dma_start3A_962 = tpu.memref_slice %arg5[%add3A_937, %dma_start3A_961] : memref<200x128xi32, #tpu.memory_space<vmem>> -> memref<1x128xi32, #tpu.memory_space<vmem>>
      %dma_start3A_963 = tpu.memref_squeeze %dma_start3A_962 : memref<1x128xi32, #tpu.memory_space<vmem>> -> memref<128xi32, #tpu.memory_space<vmem>>
      %dma_start3A_964 = arith.constant 0 : i32
      %dma_start3A_965 = arith.constant 0 : i32
      %dma_start3A_966 = tpu.memref_slice %arg3[%dma_start3A_964, %dma_start3A_965] : memref<1000000x64xf32, #tpu.memory_space<hbm>> -> memref<1000000x64xf32, #tpu.memory_space<hbm>>
      tpu.enqueue_indirect_dma source(%dma_start3A_966 : memref<1000000x64xf32, #tpu.memory_space<hbm>>) target(%dma_start3A_960 : memref<128x64xf32, #tpu.memory_space<vmem>>) offsets(%dma_start3A_963 : memref<128xi32, #tpu.memory_space<vmem>>) semaphore(%arg12 : memref<!tpu.dma_semaphore, #tpu.memory_space<semaphore_mem>>)
      %dma_wait3A_967 = arith.constant 1 : i32
      %dma_wait3A_968 = arith.constant 0 : i32
      %dma_wait3A_969 = arith.constant 0 : i32
      %dma_wait3A_970 = tpu.memref_slice %arg6[%dma_wait3A_967, %dma_wait3A_968, %dma_wait3A_969] : memref<8x128x64xf32, #tpu.memory_space<vmem>> -> memref<1x128x64xf32, #tpu.memory_space<vmem>>
      %dma_wait3A_971 = tpu.memref_squeeze %dma_wait3A_970 : memref<1x128x64xf32, #tpu.memory_space<vmem>> -> memref<128x64xf32, #tpu.memory_space<vmem>>
      %dma_wait3A_972 = arith.constant 0 : i32
      %dma_wait3A_973 = tpu.memref_slice %arg5[%add3A_935, %dma_wait3A_972] : memref<200x128xi32, #tpu.memory_space<vmem>> -> memref<1x128xi32, #tpu.memory_space<vmem>>
      %dma_wait3A_974 = tpu.memref_squeeze %dma_wait3A_973 : memref<1x128xi32, #tpu.memory_space<vmem>> -> memref<128xi32, #tpu.memory_space<vmem>>
      %dma_wait3A_975 = arith.constant 0 : i32
      %dma_wait3A_976 = arith.constant 0 : i32
      %dma_wait3A_977 = tpu.memref_slice %arg3[%dma_wait3A_975, %dma_wait3A_976] : memref<1000000x64xf32, #tpu.memory_space<hbm>> -> memref<1000000x64xf32, #tpu.memory_space<hbm>>
      tpu.wait_indirect_dma semaphore(%arg8 : memref<!tpu.dma_semaphore, #tpu.memory_space<semaphore_mem>>) src(%dma_wait3A_977 : memref<1000000x64xf32, #tpu.memory_space<hbm>>) dst(%dma_wait3A_971 : memref<128x64xf32, #tpu.memory_space<vmem>>)
      %mul3A_978 = arith.constant 128 : i32
      %mul3A_979 = arith.muli %add3A_935, %mul3A_978 : i32
      %add3A_980 = arith.addi %mul3A_2, %mul3A_979 : i32
      %dma_start3A_981 = arith.constant 1 : i32
      %dma_start3A_982 = arith.constant 0 : i32
      %dma_start3A_983 = arith.constant 0 : i32
      %dma_start3A_984 = tpu.memref_slice %arg6[%dma_start3A_981, %dma_start3A_982, %dma_start3A_983] : memref<8x128x64xf32, #tpu.memory_space<vmem>> -> memref<1x128x64xf32, #tpu.memory_space<vmem>>
      %dma_start3A_985 = tpu.memref_squeeze %dma_start3A_984 : memref<1x128x64xf32, #tpu.memory_space<vmem>> -> memref<128x64xf32, #tpu.memory_space<vmem>>
      %dma_start3A_986 = arith.constant 0 : i32
      %dma_start3A_987 = tpu.memref_slice %arg4[%add3A_980, %dma_start3A_986] : memref<819200x64xf32, #tpu.memory_space<hbm>> -> memref<128x64xf32, #tpu.memory_space<hbm>>
      %dma_start3A_988 = arith.constant 0 : i32
      %dma_start3A_989 = tpu.memref_slice %arg4[%add3A_980, %dma_start3A_988] : memref<819200x64xf32, #tpu.memory_space<hbm>> -> memref<128x64xf32, #tpu.memory_space<hbm>>
      %dma_start3A_990 = arith.constant 0 : i32
      %dma_start3A_991 = arith.constant 0 : i32
      %dma_start3A_992 = tpu.memref_slice %arg6[%dma_start3A_981, %dma_start3A_990, %dma_start3A_991] : memref<8x128x64xf32, #tpu.memory_space<vmem>> -> memref<1x128x64xf32, #tpu.memory_space<vmem>>
      %dma_start3A_993 = tpu.memref_squeeze %dma_start3A_992 : memref<1x128x64xf32, #tpu.memory_space<vmem>> -> memref<128x64xf32, #tpu.memory_space<vmem>>
      tpu.enqueue_dma source(%dma_start3A_993 : memref<128x64xf32, #tpu.memory_space<vmem>>) target(%dma_start3A_989 : memref<128x64xf32, #tpu.memory_space<hbm>>) target_semaphore(%arg16 : memref<!tpu.dma_semaphore, #tpu.memory_space<semaphore_mem>>)
      %mul3A_994 = arith.constant 8 : i32
      %mul3A_995 = arith.muli %scan3A_870, %mul3A_994 : i32
      %add3A_996 = arith.constant 2 : i32
      %add3A_997 = arith.addi %mul3A_995, %add3A_996 : i32
      %add3A_998 = arith.constant 4 : i32
      %add3A_999 = arith.addi %add3A_997, %add3A_998 : i32
      %sub3A_1000 = arith.constant 8 : i32
      %sub3A_1001 = arith.subi %add3A_999, %sub3A_1000 : i32
      %mul3A_1002 = arith.constant 128 : i32
      %mul3A_1003 = arith.muli %sub3A_1001, %mul3A_1002 : i32
      %add3A_1004 = arith.addi %mul3A_2, %mul3A_1003 : i32
      %dma_wait3A_1005 = arith.constant 6 : i32
      %dma_wait3A_1006 = arith.constant 0 : i32
      %dma_wait3A_1007 = arith.constant 0 : i32
      %dma_wait3A_1008 = tpu.memref_slice %arg6[%dma_wait3A_1005, %dma_wait3A_1006, %dma_wait3A_1007] : memref<8x128x64xf32, #tpu.memory_space<vmem>> -> memref<1x128x64xf32, #tpu.memory_space<vmem>>
      %dma_wait3A_1009 = tpu.memref_squeeze %dma_wait3A_1008 : memref<1x128x64xf32, #tpu.memory_space<vmem>> -> memref<128x64xf32, #tpu.memory_space<vmem>>
      %dma_wait3A_1010 = arith.constant 0 : i32
      %dma_wait3A_1011 = tpu.memref_slice %arg4[%add3A_1004, %dma_wait3A_1010] : memref<819200x64xf32, #tpu.memory_space<hbm>> -> memref<128x64xf32, #tpu.memory_space<hbm>>
      %dma_wait3A_1012 = arith.constant 0 : i32
      %dma_wait3A_1013 = tpu.memref_slice %arg4[%add3A_1004, %dma_wait3A_1012] : memref<819200x64xf32, #tpu.memory_space<hbm>> -> memref<128x64xf32, #tpu.memory_space<hbm>>
      %dma_wait3A_1014 = arith.constant 0 : i32
      %dma_wait3A_1015 = arith.constant 0 : i32
      %dma_wait3A_1016 = tpu.memref_slice %arg6[%dma_wait3A_1005, %dma_wait3A_1014, %dma_wait3A_1015] : memref<8x128x64xf32, #tpu.memory_space<vmem>> -> memref<1x128x64xf32, #tpu.memory_space<vmem>>
      %dma_wait3A_1017 = tpu.memref_squeeze %dma_wait3A_1016 : memref<1x128x64xf32, #tpu.memory_space<vmem>> -> memref<128x64xf32, #tpu.memory_space<vmem>>
      tpu.wait_dma2 semaphore(%arg21 : memref<!tpu.dma_semaphore, #tpu.memory_space<semaphore_mem>>) src(%dma_wait3A_1017 : memref<128x64xf32, #tpu.memory_space<vmem>>) dst(%dma_wait3A_1013 : memref<128x64xf32, #tpu.memory_space<hbm>>)
      %dma_start3A_1018 = arith.constant 6 : i32
      %dma_start3A_1019 = arith.constant 0 : i32
      %dma_start3A_1020 = arith.constant 0 : i32
      %dma_start3A_1021 = tpu.memref_slice %arg6[%dma_start3A_1018, %dma_start3A_1019, %dma_start3A_1020] : memref<8x128x64xf32, #tpu.memory_space<vmem>> -> memref<1x128x64xf32, #tpu.memory_space<vmem>>
      %dma_start3A_1022 = tpu.memref_squeeze %dma_start3A_1021 : memref<1x128x64xf32, #tpu.memory_space<vmem>> -> memref<128x64xf32, #tpu.memory_space<vmem>>
      %dma_start3A_1023 = arith.constant 0 : i32
      %dma_start3A_1024 = tpu.memref_slice %arg5[%add3A_999, %dma_start3A_1023] : memref<200x128xi32, #tpu.memory_space<vmem>> -> memref<1x128xi32, #tpu.memory_space<vmem>>
      %dma_start3A_1025 = tpu.memref_squeeze %dma_start3A_1024 : memref<1x128xi32, #tpu.memory_space<vmem>> -> memref<128xi32, #tpu.memory_space<vmem>>
      %dma_start3A_1026 = arith.constant 0 : i32
      %dma_start3A_1027 = arith.constant 0 : i32
      %dma_start3A_1028 = tpu.memref_slice %arg3[%dma_start3A_1026, %dma_start3A_1027] : memref<1000000x64xf32, #tpu.memory_space<hbm>> -> memref<1000000x64xf32, #tpu.memory_space<hbm>>
      tpu.enqueue_indirect_dma source(%dma_start3A_1028 : memref<1000000x64xf32, #tpu.memory_space<hbm>>) target(%dma_start3A_1022 : memref<128x64xf32, #tpu.memory_space<vmem>>) offsets(%dma_start3A_1025 : memref<128xi32, #tpu.memory_space<vmem>>) semaphore(%arg13 : memref<!tpu.dma_semaphore, #tpu.memory_space<semaphore_mem>>)
      %dma_wait3A_1029 = arith.constant 2 : i32
      %dma_wait3A_1030 = arith.constant 0 : i32
      %dma_wait3A_1031 = arith.constant 0 : i32
      %dma_wait3A_1032 = tpu.memref_slice %arg6[%dma_wait3A_1029, %dma_wait3A_1030, %dma_wait3A_1031] : memref<8x128x64xf32, #tpu.memory_space<vmem>> -> memref<1x128x64xf32, #tpu.memory_space<vmem>>
      %dma_wait3A_1033 = tpu.memref_squeeze %dma_wait3A_1032 : memref<1x128x64xf32, #tpu.memory_space<vmem>> -> memref<128x64xf32, #tpu.memory_space<vmem>>
      %dma_wait3A_1034 = arith.constant 0 : i32
      %dma_wait3A_1035 = tpu.memref_slice %arg5[%add3A_997, %dma_wait3A_1034] : memref<200x128xi32, #tpu.memory_space<vmem>> -> memref<1x128xi32, #tpu.memory_space<vmem>>
      %dma_wait3A_1036 = tpu.memref_squeeze %dma_wait3A_1035 : memref<1x128xi32, #tpu.memory_space<vmem>> -> memref<128xi32, #tpu.memory_space<vmem>>
      %dma_wait3A_1037 = arith.constant 0 : i32
      %dma_wait3A_1038 = arith.constant 0 : i32
      %dma_wait3A_1039 = tpu.memref_slice %arg3[%dma_wait3A_1037, %dma_wait3A_1038] : memref<1000000x64xf32, #tpu.memory_space<hbm>> -> memref<1000000x64xf32, #tpu.memory_space<hbm>>
      tpu.wait_indirect_dma semaphore(%arg9 : memref<!tpu.dma_semaphore, #tpu.memory_space<semaphore_mem>>) src(%dma_wait3A_1039 : memref<1000000x64xf32, #tpu.memory_space<hbm>>) dst(%dma_wait3A_1033 : memref<128x64xf32, #tpu.memory_space<vmem>>)
      %mul3A_1040 = arith.constant 128 : i32
      %mul3A_1041 = arith.muli %add3A_997, %mul3A_1040 : i32
      %add3A_1042 = arith.addi %mul3A_2, %mul3A_1041 : i32
      %dma_start3A_1043 = arith.constant 2 : i32
      %dma_start3A_1044 = arith.constant 0 : i32
      %dma_start3A_1045 = arith.constant 0 : i32
      %dma_start3A_1046 = tpu.memref_slice %arg6[%dma_start3A_1043, %dma_start3A_1044, %dma_start3A_1045] : memref<8x128x64xf32, #tpu.memory_space<vmem>> -> memref<1x128x64xf32, #tpu.memory_space<vmem>>
      %dma_start3A_1047 = tpu.memref_squeeze %dma_start3A_1046 : memref<1x128x64xf32, #tpu.memory_space<vmem>> -> memref<128x64xf32, #tpu.memory_space<vmem>>
      %dma_start3A_1048 = arith.constant 0 : i32
      %dma_start3A_1049 = tpu.memref_slice %arg4[%add3A_1042, %dma_start3A_1048] : memref<819200x64xf32, #tpu.memory_space<hbm>> -> memref<128x64xf32, #tpu.memory_space<hbm>>
      %dma_start3A_1050 = arith.constant 0 : i32
      %dma_start3A_1051 = tpu.memref_slice %arg4[%add3A_1042, %dma_start3A_1050] : memref<819200x64xf32, #tpu.memory_space<hbm>> -> memref<128x64xf32, #tpu.memory_space<hbm>>
      %dma_start3A_1052 = arith.constant 0 : i32
      %dma_start3A_1053 = arith.constant 0 : i32
      %dma_start3A_1054 = tpu.memref_slice %arg6[%dma_start3A_1043, %dma_start3A_1052, %dma_start3A_1053] : memref<8x128x64xf32, #tpu.memory_space<vmem>> -> memref<1x128x64xf32, #tpu.memory_space<vmem>>
      %dma_start3A_1055 = tpu.memref_squeeze %dma_start3A_1054 : memref<1x128x64xf32, #tpu.memory_space<vmem>> -> memref<128x64xf32, #tpu.memory_space<vmem>>
      tpu.enqueue_dma source(%dma_start3A_1055 : memref<128x64xf32, #tpu.memory_space<vmem>>) target(%dma_start3A_1051 : memref<128x64xf32, #tpu.memory_space<hbm>>) target_semaphore(%arg17 : memref<!tpu.dma_semaphore, #tpu.memory_space<semaphore_mem>>)
      %mul3A_1056 = arith.constant 8 : i32
      %mul3A_1057 = arith.muli %scan3A_870, %mul3A_1056 : i32
      %add3A_1058 = arith.constant 3 : i32
      %add3A_1059 = arith.addi %mul3A_1057, %add3A_1058 : i32
      %add3A_1060 = arith.constant 4 : i32
      %add3A_1061 = arith.addi %add3A_1059, %add3A_1060 : i32
      %sub3A_1062 = arith.constant 8 : i32
      %sub3A_1063 = arith.subi %add3A_1061, %sub3A_1062 : i32
      %mul3A_1064 = arith.constant 128 : i32
      %mul3A_1065 = arith.muli %sub3A_1063, %mul3A_1064 : i32
      %add3A_1066 = arith.addi %mul3A_2, %mul3A_1065 : i32
      %dma_wait3A_1067 = arith.constant 7 : i32
      %dma_wait3A_1068 = arith.constant 0 : i32
      %dma_wait3A_1069 = arith.constant 0 : i32
      %dma_wait3A_1070 = tpu.memref_slice %arg6[%dma_wait3A_1067, %dma_wait3A_1068, %dma_wait3A_1069] : memref<8x128x64xf32, #tpu.memory_space<vmem>> -> memref<1x128x64xf32, #tpu.memory_space<vmem>>
      %dma_wait3A_1071 = tpu.memref_squeeze %dma_wait3A_1070 : memref<1x128x64xf32, #tpu.memory_space<vmem>> -> memref<128x64xf32, #tpu.memory_space<vmem>>
      %dma_wait3A_1072 = arith.constant 0 : i32
      %dma_wait3A_1073 = tpu.memref_slice %arg4[%add3A_1066, %dma_wait3A_1072] : memref<819200x64xf32, #tpu.memory_space<hbm>> -> memref<128x64xf32, #tpu.memory_space<hbm>>
      %dma_wait3A_1074 = arith.constant 0 : i32
      %dma_wait3A_1075 = tpu.memref_slice %arg4[%add3A_1066, %dma_wait3A_1074] : memref<819200x64xf32, #tpu.memory_space<hbm>> -> memref<128x64xf32, #tpu.memory_space<hbm>>
      %dma_wait3A_1076 = arith.constant 0 : i32
      %dma_wait3A_1077 = arith.constant 0 : i32
      %dma_wait3A_1078 = tpu.memref_slice %arg6[%dma_wait3A_1067, %dma_wait3A_1076, %dma_wait3A_1077] : memref<8x128x64xf32, #tpu.memory_space<vmem>> -> memref<1x128x64xf32, #tpu.memory_space<vmem>>
      %dma_wait3A_1079 = tpu.memref_squeeze %dma_wait3A_1078 : memref<1x128x64xf32, #tpu.memory_space<vmem>> -> memref<128x64xf32, #tpu.memory_space<vmem>>
      tpu.wait_dma2 semaphore(%arg22 : memref<!tpu.dma_semaphore, #tpu.memory_space<semaphore_mem>>) src(%dma_wait3A_1079 : memref<128x64xf32, #tpu.memory_space<vmem>>) dst(%dma_wait3A_1075 : memref<128x64xf32, #tpu.memory_space<hbm>>)
      %dma_start3A_1080 = arith.constant 7 : i32
      %dma_start3A_1081 = arith.constant 0 : i32
      %dma_start3A_1082 = arith.constant 0 : i32
      %dma_start3A_1083 = tpu.memref_slice %arg6[%dma_start3A_1080, %dma_start3A_1081, %dma_start3A_1082] : memref<8x128x64xf32, #tpu.memory_space<vmem>> -> memref<1x128x64xf32, #tpu.memory_space<vmem>>
      %dma_start3A_1084 = tpu.memref_squeeze %dma_start3A_1083 : memref<1x128x64xf32, #tpu.memory_space<vmem>> -> memref<128x64xf32, #tpu.memory_space<vmem>>
      %dma_start3A_1085 = arith.constant 0 : i32
      %dma_start3A_1086 = tpu.memref_slice %arg5[%add3A_1061, %dma_start3A_1085] : memref<200x128xi32, #tpu.memory_space<vmem>> -> memref<1x128xi32, #tpu.memory_space<vmem>>
      %dma_start3A_1087 = tpu.memref_squeeze %dma_start3A_1086 : memref<1x128xi32, #tpu.memory_space<vmem>> -> memref<128xi32, #tpu.memory_space<vmem>>
      %dma_start3A_1088 = arith.constant 0 : i32
      %dma_start3A_1089 = arith.constant 0 : i32
      %dma_start3A_1090 = tpu.memref_slice %arg3[%dma_start3A_1088, %dma_start3A_1089] : memref<1000000x64xf32, #tpu.memory_space<hbm>> -> memref<1000000x64xf32, #tpu.memory_space<hbm>>
      tpu.enqueue_indirect_dma source(%dma_start3A_1090 : memref<1000000x64xf32, #tpu.memory_space<hbm>>) target(%dma_start3A_1084 : memref<128x64xf32, #tpu.memory_space<vmem>>) offsets(%dma_start3A_1087 : memref<128xi32, #tpu.memory_space<vmem>>) semaphore(%arg14 : memref<!tpu.dma_semaphore, #tpu.memory_space<semaphore_mem>>)
      %dma_wait3A_1091 = arith.constant 3 : i32
      %dma_wait3A_1092 = arith.constant 0 : i32
      %dma_wait3A_1093 = arith.constant 0 : i32
      %dma_wait3A_1094 = tpu.memref_slice %arg6[%dma_wait3A_1091, %dma_wait3A_1092, %dma_wait3A_1093] : memref<8x128x64xf32, #tpu.memory_space<vmem>> -> memref<1x128x64xf32, #tpu.memory_space<vmem>>
      %dma_wait3A_1095 = tpu.memref_squeeze %dma_wait3A_1094 : memref<1x128x64xf32, #tpu.memory_space<vmem>> -> memref<128x64xf32, #tpu.memory_space<vmem>>
      %dma_wait3A_1096 = arith.constant 0 : i32
      %dma_wait3A_1097 = tpu.memref_slice %arg5[%add3A_1059, %dma_wait3A_1096] : memref<200x128xi32, #tpu.memory_space<vmem>> -> memref<1x128xi32, #tpu.memory_space<vmem>>
      %dma_wait3A_1098 = tpu.memref_squeeze %dma_wait3A_1097 : memref<1x128xi32, #tpu.memory_space<vmem>> -> memref<128xi32, #tpu.memory_space<vmem>>
      %dma_wait3A_1099 = arith.constant 0 : i32
      %dma_wait3A_1100 = arith.constant 0 : i32
      %dma_wait3A_1101 = tpu.memref_slice %arg3[%dma_wait3A_1099, %dma_wait3A_1100] : memref<1000000x64xf32, #tpu.memory_space<hbm>> -> memref<1000000x64xf32, #tpu.memory_space<hbm>>
      tpu.wait_indirect_dma semaphore(%arg10 : memref<!tpu.dma_semaphore, #tpu.memory_space<semaphore_mem>>) src(%dma_wait3A_1101 : memref<1000000x64xf32, #tpu.memory_space<hbm>>) dst(%dma_wait3A_1095 : memref<128x64xf32, #tpu.memory_space<vmem>>)
      %mul3A_1102 = arith.constant 128 : i32
      %mul3A_1103 = arith.muli %add3A_1059, %mul3A_1102 : i32
      %add3A_1104 = arith.addi %mul3A_2, %mul3A_1103 : i32
      %dma_start3A_1105 = arith.constant 3 : i32
      %dma_start3A_1106 = arith.constant 0 : i32
      %dma_start3A_1107 = arith.constant 0 : i32
      %dma_start3A_1108 = tpu.memref_slice %arg6[%dma_start3A_1105, %dma_start3A_1106, %dma_start3A_1107] : memref<8x128x64xf32, #tpu.memory_space<vmem>> -> memref<1x128x64xf32, #tpu.memory_space<vmem>>
      %dma_start3A_1109 = tpu.memref_squeeze %dma_start3A_1108 : memref<1x128x64xf32, #tpu.memory_space<vmem>> -> memref<128x64xf32, #tpu.memory_space<vmem>>
      %dma_start3A_1110 = arith.constant 0 : i32
      %dma_start3A_1111 = tpu.memref_slice %arg4[%add3A_1104, %dma_start3A_1110] : memref<819200x64xf32, #tpu.memory_space<hbm>> -> memref<128x64xf32, #tpu.memory_space<hbm>>
      %dma_start3A_1112 = arith.constant 0 : i32
      %dma_start3A_1113 = tpu.memref_slice %arg4[%add3A_1104, %dma_start3A_1112] : memref<819200x64xf32, #tpu.memory_space<hbm>> -> memref<128x64xf32, #tpu.memory_space<hbm>>
      %dma_start3A_1114 = arith.constant 0 : i32
      %dma_start3A_1115 = arith.constant 0 : i32
      %dma_start3A_1116 = tpu.memref_slice %arg6[%dma_start3A_1105, %dma_start3A_1114, %dma_start3A_1115] : memref<8x128x64xf32, #tpu.memory_space<vmem>> -> memref<1x128x64xf32, #tpu.memory_space<vmem>>
      %dma_start3A_1117 = tpu.memref_squeeze %dma_start3A_1116 : memref<1x128x64xf32, #tpu.memory_space<vmem>> -> memref<128x64xf32, #tpu.memory_space<vmem>>
      tpu.enqueue_dma source(%dma_start3A_1117 : memref<128x64xf32, #tpu.memory_space<vmem>>) target(%dma_start3A_1113 : memref<128x64xf32, #tpu.memory_space<hbm>>) target_semaphore(%arg18 : memref<!tpu.dma_semaphore, #tpu.memory_space<semaphore_mem>>)
      %mul3A_1118 = arith.constant 8 : i32
      %mul3A_1119 = arith.muli %scan3A_870, %mul3A_1118 : i32
      %add3A_1120 = arith.constant 4 : i32
      %add3A_1121 = arith.addi %mul3A_1119, %add3A_1120 : i32
      %add3A_1122 = arith.constant 4 : i32
      %add3A_1123 = arith.addi %add3A_1121, %add3A_1122 : i32
      %sub3A_1124 = arith.constant 8 : i32
      %sub3A_1125 = arith.subi %add3A_1123, %sub3A_1124 : i32
      %mul3A_1126 = arith.constant 128 : i32
      %mul3A_1127 = arith.muli %sub3A_1125, %mul3A_1126 : i32
      %add3A_1128 = arith.addi %mul3A_2, %mul3A_1127 : i32
      %dma_wait3A_1129 = arith.constant 0 : i32
      %dma_wait3A_1130 = arith.constant 0 : i32
      %dma_wait3A_1131 = arith.constant 0 : i32
      %dma_wait3A_1132 = tpu.memref_slice %arg6[%dma_wait3A_1129, %dma_wait3A_1130, %dma_wait3A_1131] : memref<8x128x64xf32, #tpu.memory_space<vmem>> -> memref<1x128x64xf32, #tpu.memory_space<vmem>>
      %dma_wait3A_1133 = tpu.memref_squeeze %dma_wait3A_1132 : memref<1x128x64xf32, #tpu.memory_space<vmem>> -> memref<128x64xf32, #tpu.memory_space<vmem>>
      %dma_wait3A_1134 = arith.constant 0 : i32
      %dma_wait3A_1135 = tpu.memref_slice %arg4[%add3A_1128, %dma_wait3A_1134] : memref<819200x64xf32, #tpu.memory_space<hbm>> -> memref<128x64xf32, #tpu.memory_space<hbm>>
      %dma_wait3A_1136 = arith.constant 0 : i32
      %dma_wait3A_1137 = tpu.memref_slice %arg4[%add3A_1128, %dma_wait3A_1136] : memref<819200x64xf32, #tpu.memory_space<hbm>> -> memref<128x64xf32, #tpu.memory_space<hbm>>
      %dma_wait3A_1138 = arith.constant 0 : i32
      %dma_wait3A_1139 = arith.constant 0 : i32
      %dma_wait3A_1140 = tpu.memref_slice %arg6[%dma_wait3A_1129, %dma_wait3A_1138, %dma_wait3A_1139] : memref<8x128x64xf32, #tpu.memory_space<vmem>> -> memref<1x128x64xf32, #tpu.memory_space<vmem>>
      %dma_wait3A_1141 = tpu.memref_squeeze %dma_wait3A_1140 : memref<1x128x64xf32, #tpu.memory_space<vmem>> -> memref<128x64xf32, #tpu.memory_space<vmem>>
      tpu.wait_dma2 semaphore(%arg15 : memref<!tpu.dma_semaphore, #tpu.memory_space<semaphore_mem>>) src(%dma_wait3A_1141 : memref<128x64xf32, #tpu.memory_space<vmem>>) dst(%dma_wait3A_1137 : memref<128x64xf32, #tpu.memory_space<hbm>>)
      %dma_start3A_1142 = arith.constant 0 : i32
      %dma_start3A_1143 = arith.constant 0 : i32
      %dma_start3A_1144 = arith.constant 0 : i32
      %dma_start3A_1145 = tpu.memref_slice %arg6[%dma_start3A_1142, %dma_start3A_1143, %dma_start3A_1144] : memref<8x128x64xf32, #tpu.memory_space<vmem>> -> memref<1x128x64xf32, #tpu.memory_space<vmem>>
      %dma_start3A_1146 = tpu.memref_squeeze %dma_start3A_1145 : memref<1x128x64xf32, #tpu.memory_space<vmem>> -> memref<128x64xf32, #tpu.memory_space<vmem>>
      %dma_start3A_1147 = arith.constant 0 : i32
      %dma_start3A_1148 = tpu.memref_slice %arg5[%add3A_1123, %dma_start3A_1147] : memref<200x128xi32, #tpu.memory_space<vmem>> -> memref<1x128xi32, #tpu.memory_space<vmem>>
      %dma_start3A_1149 = tpu.memref_squeeze %dma_start3A_1148 : memref<1x128xi32, #tpu.memory_space<vmem>> -> memref<128xi32, #tpu.memory_space<vmem>>
      %dma_start3A_1150 = arith.constant 0 : i32
      %dma_start3A_1151 = arith.constant 0 : i32
      %dma_start3A_1152 = tpu.memref_slice %arg3[%dma_start3A_1150, %dma_start3A_1151] : memref<1000000x64xf32, #tpu.memory_space<hbm>> -> memref<1000000x64xf32, #tpu.memory_space<hbm>>
      tpu.enqueue_indirect_dma source(%dma_start3A_1152 : memref<1000000x64xf32, #tpu.memory_space<hbm>>) target(%dma_start3A_1146 : memref<128x64xf32, #tpu.memory_space<vmem>>) offsets(%dma_start3A_1149 : memref<128xi32, #tpu.memory_space<vmem>>) semaphore(%arg7 : memref<!tpu.dma_semaphore, #tpu.memory_space<semaphore_mem>>)
      %dma_wait3A_1153 = arith.constant 4 : i32
      %dma_wait3A_1154 = arith.constant 0 : i32
      %dma_wait3A_1155 = arith.constant 0 : i32
      %dma_wait3A_1156 = tpu.memref_slice %arg6[%dma_wait3A_1153, %dma_wait3A_1154, %dma_wait3A_1155] : memref<8x128x64xf32, #tpu.memory_space<vmem>> -> memref<1x128x64xf32, #tpu.memory_space<vmem>>
      %dma_wait3A_1157 = tpu.memref_squeeze %dma_wait3A_1156 : memref<1x128x64xf32, #tpu.memory_space<vmem>> -> memref<128x64xf32, #tpu.memory_space<vmem>>
      %dma_wait3A_1158 = arith.constant 0 : i32
      %dma_wait3A_1159 = tpu.memref_slice %arg5[%add3A_1121, %dma_wait3A_1158] : memref<200x128xi32, #tpu.memory_space<vmem>> -> memref<1x128xi32, #tpu.memory_space<vmem>>
      %dma_wait3A_1160 = tpu.memref_squeeze %dma_wait3A_1159 : memref<1x128xi32, #tpu.memory_space<vmem>> -> memref<128xi32, #tpu.memory_space<vmem>>
      %dma_wait3A_1161 = arith.constant 0 : i32
      %dma_wait3A_1162 = arith.constant 0 : i32
      %dma_wait3A_1163 = tpu.memref_slice %arg3[%dma_wait3A_1161, %dma_wait3A_1162] : memref<1000000x64xf32, #tpu.memory_space<hbm>> -> memref<1000000x64xf32, #tpu.memory_space<hbm>>
      tpu.wait_indirect_dma semaphore(%arg11 : memref<!tpu.dma_semaphore, #tpu.memory_space<semaphore_mem>>) src(%dma_wait3A_1163 : memref<1000000x64xf32, #tpu.memory_space<hbm>>) dst(%dma_wait3A_1157 : memref<128x64xf32, #tpu.memory_space<vmem>>)
      %mul3A_1164 = arith.constant 128 : i32
      %mul3A_1165 = arith.muli %add3A_1121, %mul3A_1164 : i32
      %add3A_1166 = arith.addi %mul3A_2, %mul3A_1165 : i32
      %dma_start3A_1167 = arith.constant 4 : i32
      %dma_start3A_1168 = arith.constant 0 : i32
      %dma_start3A_1169 = arith.constant 0 : i32
      %dma_start3A_1170 = tpu.memref_slice %arg6[%dma_start3A_1167, %dma_start3A_1168, %dma_start3A_1169] : memref<8x128x64xf32, #tpu.memory_space<vmem>> -> memref<1x128x64xf32, #tpu.memory_space<vmem>>
      %dma_start3A_1171 = tpu.memref_squeeze %dma_start3A_1170 : memref<1x128x64xf32, #tpu.memory_space<vmem>> -> memref<128x64xf32, #tpu.memory_space<vmem>>
      %dma_start3A_1172 = arith.constant 0 : i32
      %dma_start3A_1173 = tpu.memref_slice %arg4[%add3A_1166, %dma_start3A_1172] : memref<819200x64xf32, #tpu.memory_space<hbm>> -> memref<128x64xf32, #tpu.memory_space<hbm>>
      %dma_start3A_1174 = arith.constant 0 : i32
      %dma_start3A_1175 = tpu.memref_slice %arg4[%add3A_1166, %dma_start3A_1174] : memref<819200x64xf32, #tpu.memory_space<hbm>> -> memref<128x64xf32, #tpu.memory_space<hbm>>
      %dma_start3A_1176 = arith.constant 0 : i32
      %dma_start3A_1177 = arith.constant 0 : i32
      %dma_start3A_1178 = tpu.memref_slice %arg6[%dma_start3A_1167, %dma_start3A_1176, %dma_start3A_1177] : memref<8x128x64xf32, #tpu.memory_space<vmem>> -> memref<1x128x64xf32, #tpu.memory_space<vmem>>
      %dma_start3A_1179 = tpu.memref_squeeze %dma_start3A_1178 : memref<1x128x64xf32, #tpu.memory_space<vmem>> -> memref<128x64xf32, #tpu.memory_space<vmem>>
      tpu.enqueue_dma source(%dma_start3A_1179 : memref<128x64xf32, #tpu.memory_space<vmem>>) target(%dma_start3A_1175 : memref<128x64xf32, #tpu.memory_space<hbm>>) target_semaphore(%arg19 : memref<!tpu.dma_semaphore, #tpu.memory_space<semaphore_mem>>)
      %mul3A_1180 = arith.constant 8 : i32
      %mul3A_1181 = arith.muli %scan3A_870, %mul3A_1180 : i32
      %add3A_1182 = arith.constant 5 : i32
      %add3A_1183 = arith.addi %mul3A_1181, %add3A_1182 : i32
      %add3A_1184 = arith.constant 4 : i32
      %add3A_1185 = arith.addi %add3A_1183, %add3A_1184 : i32
      %sub3A_1186 = arith.constant 8 : i32
      %sub3A_1187 = arith.subi %add3A_1185, %sub3A_1186 : i32
      %mul3A_1188 = arith.constant 128 : i32
      %mul3A_1189 = arith.muli %sub3A_1187, %mul3A_1188 : i32
      %add3A_1190 = arith.addi %mul3A_2, %mul3A_1189 : i32
      %dma_wait3A_1191 = arith.constant 1 : i32
      %dma_wait3A_1192 = arith.constant 0 : i32
      %dma_wait3A_1193 = arith.constant 0 : i32
      %dma_wait3A_1194 = tpu.memref_slice %arg6[%dma_wait3A_1191, %dma_wait3A_1192, %dma_wait3A_1193] : memref<8x128x64xf32, #tpu.memory_space<vmem>> -> memref<1x128x64xf32, #tpu.memory_space<vmem>>
      %dma_wait3A_1195 = tpu.memref_squeeze %dma_wait3A_1194 : memref<1x128x64xf32, #tpu.memory_space<vmem>> -> memref<128x64xf32, #tpu.memory_space<vmem>>
      %dma_wait3A_1196 = arith.constant 0 : i32
      %dma_wait3A_1197 = tpu.memref_slice %arg4[%add3A_1190, %dma_wait3A_1196] : memref<819200x64xf32, #tpu.memory_space<hbm>> -> memref<128x64xf32, #tpu.memory_space<hbm>>
      %dma_wait3A_1198 = arith.constant 0 : i32
      %dma_wait3A_1199 = tpu.memref_slice %arg4[%add3A_1190, %dma_wait3A_1198] : memref<819200x64xf32, #tpu.memory_space<hbm>> -> memref<128x64xf32, #tpu.memory_space<hbm>>
      %dma_wait3A_1200 = arith.constant 0 : i32
      %dma_wait3A_1201 = arith.constant 0 : i32
      %dma_wait3A_1202 = tpu.memref_slice %arg6[%dma_wait3A_1191, %dma_wait3A_1200, %dma_wait3A_1201] : memref<8x128x64xf32, #tpu.memory_space<vmem>> -> memref<1x128x64xf32, #tpu.memory_space<vmem>>
      %dma_wait3A_1203 = tpu.memref_squeeze %dma_wait3A_1202 : memref<1x128x64xf32, #tpu.memory_space<vmem>> -> memref<128x64xf32, #tpu.memory_space<vmem>>
      tpu.wait_dma2 semaphore(%arg16 : memref<!tpu.dma_semaphore, #tpu.memory_space<semaphore_mem>>) src(%dma_wait3A_1203 : memref<128x64xf32, #tpu.memory_space<vmem>>) dst(%dma_wait3A_1199 : memref<128x64xf32, #tpu.memory_space<hbm>>)
      %dma_start3A_1204 = arith.constant 1 : i32
      %dma_start3A_1205 = arith.constant 0 : i32
      %dma_start3A_1206 = arith.constant 0 : i32
      %dma_start3A_1207 = tpu.memref_slice %arg6[%dma_start3A_1204, %dma_start3A_1205, %dma_start3A_1206] : memref<8x128x64xf32, #tpu.memory_space<vmem>> -> memref<1x128x64xf32, #tpu.memory_space<vmem>>
      %dma_start3A_1208 = tpu.memref_squeeze %dma_start3A_1207 : memref<1x128x64xf32, #tpu.memory_space<vmem>> -> memref<128x64xf32, #tpu.memory_space<vmem>>
      %dma_start3A_1209 = arith.constant 0 : i32
      %dma_start3A_1210 = tpu.memref_slice %arg5[%add3A_1185, %dma_start3A_1209] : memref<200x128xi32, #tpu.memory_space<vmem>> -> memref<1x128xi32, #tpu.memory_space<vmem>>
      %dma_start3A_1211 = tpu.memref_squeeze %dma_start3A_1210 : memref<1x128xi32, #tpu.memory_space<vmem>> -> memref<128xi32, #tpu.memory_space<vmem>>
      %dma_start3A_1212 = arith.constant 0 : i32
      %dma_start3A_1213 = arith.constant 0 : i32
      %dma_start3A_1214 = tpu.memref_slice %arg3[%dma_start3A_1212, %dma_start3A_1213] : memref<1000000x64xf32, #tpu.memory_space<hbm>> -> memref<1000000x64xf32, #tpu.memory_space<hbm>>
      tpu.enqueue_indirect_dma source(%dma_start3A_1214 : memref<1000000x64xf32, #tpu.memory_space<hbm>>) target(%dma_start3A_1208 : memref<128x64xf32, #tpu.memory_space<vmem>>) offsets(%dma_start3A_1211 : memref<128xi32, #tpu.memory_space<vmem>>) semaphore(%arg8 : memref<!tpu.dma_semaphore, #tpu.memory_space<semaphore_mem>>)
      %dma_wait3A_1215 = arith.constant 5 : i32
      %dma_wait3A_1216 = arith.constant 0 : i32
      %dma_wait3A_1217 = arith.constant 0 : i32
      %dma_wait3A_1218 = tpu.memref_slice %arg6[%dma_wait3A_1215, %dma_wait3A_1216, %dma_wait3A_1217] : memref<8x128x64xf32, #tpu.memory_space<vmem>> -> memref<1x128x64xf32, #tpu.memory_space<vmem>>
      %dma_wait3A_1219 = tpu.memref_squeeze %dma_wait3A_1218 : memref<1x128x64xf32, #tpu.memory_space<vmem>> -> memref<128x64xf32, #tpu.memory_space<vmem>>
      %dma_wait3A_1220 = arith.constant 0 : i32
      %dma_wait3A_1221 = tpu.memref_slice %arg5[%add3A_1183, %dma_wait3A_1220] : memref<200x128xi32, #tpu.memory_space<vmem>> -> memref<1x128xi32, #tpu.memory_space<vmem>>
      %dma_wait3A_1222 = tpu.memref_squeeze %dma_wait3A_1221 : memref<1x128xi32, #tpu.memory_space<vmem>> -> memref<128xi32, #tpu.memory_space<vmem>>
      %dma_wait3A_1223 = arith.constant 0 : i32
      %dma_wait3A_1224 = arith.constant 0 : i32
      %dma_wait3A_1225 = tpu.memref_slice %arg3[%dma_wait3A_1223, %dma_wait3A_1224] : memref<1000000x64xf32, #tpu.memory_space<hbm>> -> memref<1000000x64xf32, #tpu.memory_space<hbm>>
      tpu.wait_indirect_dma semaphore(%arg12 : memref<!tpu.dma_semaphore, #tpu.memory_space<semaphore_mem>>) src(%dma_wait3A_1225 : memref<1000000x64xf32, #tpu.memory_space<hbm>>) dst(%dma_wait3A_1219 : memref<128x64xf32, #tpu.memory_space<vmem>>)
      %mul3A_1226 = arith.constant 128 : i32
      %mul3A_1227 = arith.muli %add3A_1183, %mul3A_1226 : i32
      %add3A_1228 = arith.addi %mul3A_2, %mul3A_1227 : i32
      %dma_start3A_1229 = arith.constant 5 : i32
      %dma_start3A_1230 = arith.constant 0 : i32
      %dma_start3A_1231 = arith.constant 0 : i32
      %dma_start3A_1232 = tpu.memref_slice %arg6[%dma_start3A_1229, %dma_start3A_1230, %dma_start3A_1231] : memref<8x128x64xf32, #tpu.memory_space<vmem>> -> memref<1x128x64xf32, #tpu.memory_space<vmem>>
      %dma_start3A_1233 = tpu.memref_squeeze %dma_start3A_1232 : memref<1x128x64xf32, #tpu.memory_space<vmem>> -> memref<128x64xf32, #tpu.memory_space<vmem>>
      %dma_start3A_1234 = arith.constant 0 : i32
      %dma_start3A_1235 = tpu.memref_slice %arg4[%add3A_1228, %dma_start3A_1234] : memref<819200x64xf32, #tpu.memory_space<hbm>> -> memref<128x64xf32, #tpu.memory_space<hbm>>
      %dma_start3A_1236 = arith.constant 0 : i32
      %dma_start3A_1237 = tpu.memref_slice %arg4[%add3A_1228, %dma_start3A_1236] : memref<819200x64xf32, #tpu.memory_space<hbm>> -> memref<128x64xf32, #tpu.memory_space<hbm>>
      %dma_start3A_1238 = arith.constant 0 : i32
      %dma_start3A_1239 = arith.constant 0 : i32
      %dma_start3A_1240 = tpu.memref_slice %arg6[%dma_start3A_1229, %dma_start3A_1238, %dma_start3A_1239] : memref<8x128x64xf32, #tpu.memory_space<vmem>> -> memref<1x128x64xf32, #tpu.memory_space<vmem>>
      %dma_start3A_1241 = tpu.memref_squeeze %dma_start3A_1240 : memref<1x128x64xf32, #tpu.memory_space<vmem>> -> memref<128x64xf32, #tpu.memory_space<vmem>>
      tpu.enqueue_dma source(%dma_start3A_1241 : memref<128x64xf32, #tpu.memory_space<vmem>>) target(%dma_start3A_1237 : memref<128x64xf32, #tpu.memory_space<hbm>>) target_semaphore(%arg20 : memref<!tpu.dma_semaphore, #tpu.memory_space<semaphore_mem>>)
      %mul3A_1242 = arith.constant 8 : i32
      %mul3A_1243 = arith.muli %scan3A_870, %mul3A_1242 : i32
      %add3A_1244 = arith.constant 6 : i32
      %add3A_1245 = arith.addi %mul3A_1243, %add3A_1244 : i32
      %add3A_1246 = arith.constant 4 : i32
      %add3A_1247 = arith.addi %add3A_1245, %add3A_1246 : i32
      %sub3A_1248 = arith.constant 8 : i32
      %sub3A_1249 = arith.subi %add3A_1247, %sub3A_1248 : i32
      %mul3A_1250 = arith.constant 128 : i32
      %mul3A_1251 = arith.muli %sub3A_1249, %mul3A_1250 : i32
      %add3A_1252 = arith.addi %mul3A_2, %mul3A_1251 : i32
      %dma_wait3A_1253 = arith.constant 2 : i32
      %dma_wait3A_1254 = arith.constant 0 : i32
      %dma_wait3A_1255 = arith.constant 0 : i32
      %dma_wait3A_1256 = tpu.memref_slice %arg6[%dma_wait3A_1253, %dma_wait3A_1254, %dma_wait3A_1255] : memref<8x128x64xf32, #tpu.memory_space<vmem>> -> memref<1x128x64xf32, #tpu.memory_space<vmem>>
      %dma_wait3A_1257 = tpu.memref_squeeze %dma_wait3A_1256 : memref<1x128x64xf32, #tpu.memory_space<vmem>> -> memref<128x64xf32, #tpu.memory_space<vmem>>
      %dma_wait3A_1258 = arith.constant 0 : i32
      %dma_wait3A_1259 = tpu.memref_slice %arg4[%add3A_1252, %dma_wait3A_1258] : memref<819200x64xf32, #tpu.memory_space<hbm>> -> memref<128x64xf32, #tpu.memory_space<hbm>>
      %dma_wait3A_1260 = arith.constant 0 : i32
      %dma_wait3A_1261 = tpu.memref_slice %arg4[%add3A_1252, %dma_wait3A_1260] : memref<819200x64xf32, #tpu.memory_space<hbm>> -> memref<128x64xf32, #tpu.memory_space<hbm>>
      %dma_wait3A_1262 = arith.constant 0 : i32
      %dma_wait3A_1263 = arith.constant 0 : i32
      %dma_wait3A_1264 = tpu.memref_slice %arg6[%dma_wait3A_1253, %dma_wait3A_1262, %dma_wait3A_1263] : memref<8x128x64xf32, #tpu.memory_space<vmem>> -> memref<1x128x64xf32, #tpu.memory_space<vmem>>
      %dma_wait3A_1265 = tpu.memref_squeeze %dma_wait3A_1264 : memref<1x128x64xf32, #tpu.memory_space<vmem>> -> memref<128x64xf32, #tpu.memory_space<vmem>>
      tpu.wait_dma2 semaphore(%arg17 : memref<!tpu.dma_semaphore, #tpu.memory_space<semaphore_mem>>) src(%dma_wait3A_1265 : memref<128x64xf32, #tpu.memory_space<vmem>>) dst(%dma_wait3A_1261 : memref<128x64xf32, #tpu.memory_space<hbm>>)
      %dma_start3A_1266 = arith.constant 2 : i32
      %dma_start3A_1267 = arith.constant 0 : i32
      %dma_start3A_1268 = arith.constant 0 : i32
      %dma_start3A_1269 = tpu.memref_slice %arg6[%dma_start3A_1266, %dma_start3A_1267, %dma_start3A_1268] : memref<8x128x64xf32, #tpu.memory_space<vmem>> -> memref<1x128x64xf32, #tpu.memory_space<vmem>>
      %dma_start3A_1270 = tpu.memref_squeeze %dma_start3A_1269 : memref<1x128x64xf32, #tpu.memory_space<vmem>> -> memref<128x64xf32, #tpu.memory_space<vmem>>
      %dma_start3A_1271 = arith.constant 0 : i32
      %dma_start3A_1272 = tpu.memref_slice %arg5[%add3A_1247, %dma_start3A_1271] : memref<200x128xi32, #tpu.memory_space<vmem>> -> memref<1x128xi32, #tpu.memory_space<vmem>>
      %dma_start3A_1273 = tpu.memref_squeeze %dma_start3A_1272 : memref<1x128xi32, #tpu.memory_space<vmem>> -> memref<128xi32, #tpu.memory_space<vmem>>
      %dma_start3A_1274 = arith.constant 0 : i32
      %dma_start3A_1275 = arith.constant 0 : i32
      %dma_start3A_1276 = tpu.memref_slice %arg3[%dma_start3A_1274, %dma_start3A_1275] : memref<1000000x64xf32, #tpu.memory_space<hbm>> -> memref<1000000x64xf32, #tpu.memory_space<hbm>>
      tpu.enqueue_indirect_dma source(%dma_start3A_1276 : memref<1000000x64xf32, #tpu.memory_space<hbm>>) target(%dma_start3A_1270 : memref<128x64xf32, #tpu.memory_space<vmem>>) offsets(%dma_start3A_1273 : memref<128xi32, #tpu.memory_space<vmem>>) semaphore(%arg9 : memref<!tpu.dma_semaphore, #tpu.memory_space<semaphore_mem>>)
      %dma_wait3A_1277 = arith.constant 6 : i32
      %dma_wait3A_1278 = arith.constant 0 : i32
      %dma_wait3A_1279 = arith.constant 0 : i32
      %dma_wait3A_1280 = tpu.memref_slice %arg6[%dma_wait3A_1277, %dma_wait3A_1278, %dma_wait3A_1279] : memref<8x128x64xf32, #tpu.memory_space<vmem>> -> memref<1x128x64xf32, #tpu.memory_space<vmem>>
      %dma_wait3A_1281 = tpu.memref_squeeze %dma_wait3A_1280 : memref<1x128x64xf32, #tpu.memory_space<vmem>> -> memref<128x64xf32, #tpu.memory_space<vmem>>
      %dma_wait3A_1282 = arith.constant 0 : i32
      %dma_wait3A_1283 = tpu.memref_slice %arg5[%add3A_1245, %dma_wait3A_1282] : memref<200x128xi32, #tpu.memory_space<vmem>> -> memref<1x128xi32, #tpu.memory_space<vmem>>
      %dma_wait3A_1284 = tpu.memref_squeeze %dma_wait3A_1283 : memref<1x128xi32, #tpu.memory_space<vmem>> -> memref<128xi32, #tpu.memory_space<vmem>>
      %dma_wait3A_1285 = arith.constant 0 : i32
      %dma_wait3A_1286 = arith.constant 0 : i32
      %dma_wait3A_1287 = tpu.memref_slice %arg3[%dma_wait3A_1285, %dma_wait3A_1286] : memref<1000000x64xf32, #tpu.memory_space<hbm>> -> memref<1000000x64xf32, #tpu.memory_space<hbm>>
      tpu.wait_indirect_dma semaphore(%arg13 : memref<!tpu.dma_semaphore, #tpu.memory_space<semaphore_mem>>) src(%dma_wait3A_1287 : memref<1000000x64xf32, #tpu.memory_space<hbm>>) dst(%dma_wait3A_1281 : memref<128x64xf32, #tpu.memory_space<vmem>>)
      %mul3A_1288 = arith.constant 128 : i32
      %mul3A_1289 = arith.muli %add3A_1245, %mul3A_1288 : i32
      %add3A_1290 = arith.addi %mul3A_2, %mul3A_1289 : i32
      %dma_start3A_1291 = arith.constant 6 : i32
      %dma_start3A_1292 = arith.constant 0 : i32
      %dma_start3A_1293 = arith.constant 0 : i32
      %dma_start3A_1294 = tpu.memref_slice %arg6[%dma_start3A_1291, %dma_start3A_1292, %dma_start3A_1293] : memref<8x128x64xf32, #tpu.memory_space<vmem>> -> memref<1x128x64xf32, #tpu.memory_space<vmem>>
      %dma_start3A_1295 = tpu.memref_squeeze %dma_start3A_1294 : memref<1x128x64xf32, #tpu.memory_space<vmem>> -> memref<128x64xf32, #tpu.memory_space<vmem>>
      %dma_start3A_1296 = arith.constant 0 : i32
      %dma_start3A_1297 = tpu.memref_slice %arg4[%add3A_1290, %dma_start3A_1296] : memref<819200x64xf32, #tpu.memory_space<hbm>> -> memref<128x64xf32, #tpu.memory_space<hbm>>
      %dma_start3A_1298 = arith.constant 0 : i32
      %dma_start3A_1299 = tpu.memref_slice %arg4[%add3A_1290, %dma_start3A_1298] : memref<819200x64xf32, #tpu.memory_space<hbm>> -> memref<128x64xf32, #tpu.memory_space<hbm>>
      %dma_start3A_1300 = arith.constant 0 : i32
      %dma_start3A_1301 = arith.constant 0 : i32
      %dma_start3A_1302 = tpu.memref_slice %arg6[%dma_start3A_1291, %dma_start3A_1300, %dma_start3A_1301] : memref<8x128x64xf32, #tpu.memory_space<vmem>> -> memref<1x128x64xf32, #tpu.memory_space<vmem>>
      %dma_start3A_1303 = tpu.memref_squeeze %dma_start3A_1302 : memref<1x128x64xf32, #tpu.memory_space<vmem>> -> memref<128x64xf32, #tpu.memory_space<vmem>>
      tpu.enqueue_dma source(%dma_start3A_1303 : memref<128x64xf32, #tpu.memory_space<vmem>>) target(%dma_start3A_1299 : memref<128x64xf32, #tpu.memory_space<hbm>>) target_semaphore(%arg21 : memref<!tpu.dma_semaphore, #tpu.memory_space<semaphore_mem>>)
      %mul3A_1304 = arith.constant 8 : i32
      %mul3A_1305 = arith.muli %scan3A_870, %mul3A_1304 : i32
      %add3A_1306 = arith.constant 7 : i32
      %add3A_1307 = arith.addi %mul3A_1305, %add3A_1306 : i32
      %add3A_1308 = arith.constant 4 : i32
      %add3A_1309 = arith.addi %add3A_1307, %add3A_1308 : i32
      %sub3A_1310 = arith.constant 8 : i32
      %sub3A_1311 = arith.subi %add3A_1309, %sub3A_1310 : i32
      %mul3A_1312 = arith.constant 128 : i32
      %mul3A_1313 = arith.muli %sub3A_1311, %mul3A_1312 : i32
      %add3A_1314 = arith.addi %mul3A_2, %mul3A_1313 : i32
      %dma_wait3A_1315 = arith.constant 3 : i32
      %dma_wait3A_1316 = arith.constant 0 : i32
      %dma_wait3A_1317 = arith.constant 0 : i32
      %dma_wait3A_1318 = tpu.memref_slice %arg6[%dma_wait3A_1315, %dma_wait3A_1316, %dma_wait3A_1317] : memref<8x128x64xf32, #tpu.memory_space<vmem>> -> memref<1x128x64xf32, #tpu.memory_space<vmem>>
      %dma_wait3A_1319 = tpu.memref_squeeze %dma_wait3A_1318 : memref<1x128x64xf32, #tpu.memory_space<vmem>> -> memref<128x64xf32, #tpu.memory_space<vmem>>
      %dma_wait3A_1320 = arith.constant 0 : i32
      %dma_wait3A_1321 = tpu.memref_slice %arg4[%add3A_1314, %dma_wait3A_1320] : memref<819200x64xf32, #tpu.memory_space<hbm>> -> memref<128x64xf32, #tpu.memory_space<hbm>>
      %dma_wait3A_1322 = arith.constant 0 : i32
      %dma_wait3A_1323 = tpu.memref_slice %arg4[%add3A_1314, %dma_wait3A_1322] : memref<819200x64xf32, #tpu.memory_space<hbm>> -> memref<128x64xf32, #tpu.memory_space<hbm>>
      %dma_wait3A_1324 = arith.constant 0 : i32
      %dma_wait3A_1325 = arith.constant 0 : i32
      %dma_wait3A_1326 = tpu.memref_slice %arg6[%dma_wait3A_1315, %dma_wait3A_1324, %dma_wait3A_1325] : memref<8x128x64xf32, #tpu.memory_space<vmem>> -> memref<1x128x64xf32, #tpu.memory_space<vmem>>
      %dma_wait3A_1327 = tpu.memref_squeeze %dma_wait3A_1326 : memref<1x128x64xf32, #tpu.memory_space<vmem>> -> memref<128x64xf32, #tpu.memory_space<vmem>>
      tpu.wait_dma2 semaphore(%arg18 : memref<!tpu.dma_semaphore, #tpu.memory_space<semaphore_mem>>) src(%dma_wait3A_1327 : memref<128x64xf32, #tpu.memory_space<vmem>>) dst(%dma_wait3A_1323 : memref<128x64xf32, #tpu.memory_space<hbm>>)
      %dma_start3A_1328 = arith.constant 3 : i32
      %dma_start3A_1329 = arith.constant 0 : i32
      %dma_start3A_1330 = arith.constant 0 : i32
      %dma_start3A_1331 = tpu.memref_slice %arg6[%dma_start3A_1328, %dma_start3A_1329, %dma_start3A_1330] : memref<8x128x64xf32, #tpu.memory_space<vmem>> -> memref<1x128x64xf32, #tpu.memory_space<vmem>>
      %dma_start3A_1332 = tpu.memref_squeeze %dma_start3A_1331 : memref<1x128x64xf32, #tpu.memory_space<vmem>> -> memref<128x64xf32, #tpu.memory_space<vmem>>
      %dma_start3A_1333 = arith.constant 0 : i32
      %dma_start3A_1334 = tpu.memref_slice %arg5[%add3A_1309, %dma_start3A_1333] : memref<200x128xi32, #tpu.memory_space<vmem>> -> memref<1x128xi32, #tpu.memory_space<vmem>>
      %dma_start3A_1335 = tpu.memref_squeeze %dma_start3A_1334 : memref<1x128xi32, #tpu.memory_space<vmem>> -> memref<128xi32, #tpu.memory_space<vmem>>
      %dma_start3A_1336 = arith.constant 0 : i32
      %dma_start3A_1337 = arith.constant 0 : i32
      %dma_start3A_1338 = tpu.memref_slice %arg3[%dma_start3A_1336, %dma_start3A_1337] : memref<1000000x64xf32, #tpu.memory_space<hbm>> -> memref<1000000x64xf32, #tpu.memory_space<hbm>>
      tpu.enqueue_indirect_dma source(%dma_start3A_1338 : memref<1000000x64xf32, #tpu.memory_space<hbm>>) target(%dma_start3A_1332 : memref<128x64xf32, #tpu.memory_space<vmem>>) offsets(%dma_start3A_1335 : memref<128xi32, #tpu.memory_space<vmem>>) semaphore(%arg10 : memref<!tpu.dma_semaphore, #tpu.memory_space<semaphore_mem>>)
      %dma_wait3A_1339 = arith.constant 7 : i32
      %dma_wait3A_1340 = arith.constant 0 : i32
      %dma_wait3A_1341 = arith.constant 0 : i32
      %dma_wait3A_1342 = tpu.memref_slice %arg6[%dma_wait3A_1339, %dma_wait3A_1340, %dma_wait3A_1341] : memref<8x128x64xf32, #tpu.memory_space<vmem>> -> memref<1x128x64xf32, #tpu.memory_space<vmem>>
      %dma_wait3A_1343 = tpu.memref_squeeze %dma_wait3A_1342 : memref<1x128x64xf32, #tpu.memory_space<vmem>> -> memref<128x64xf32, #tpu.memory_space<vmem>>
      %dma_wait3A_1344 = arith.constant 0 : i32
      %dma_wait3A_1345 = tpu.memref_slice %arg5[%add3A_1307, %dma_wait3A_1344] : memref<200x128xi32, #tpu.memory_space<vmem>> -> memref<1x128xi32, #tpu.memory_space<vmem>>
      %dma_wait3A_1346 = tpu.memref_squeeze %dma_wait3A_1345 : memref<1x128xi32, #tpu.memory_space<vmem>> -> memref<128xi32, #tpu.memory_space<vmem>>
      %dma_wait3A_1347 = arith.constant 0 : i32
      %dma_wait3A_1348 = arith.constant 0 : i32
      %dma_wait3A_1349 = tpu.memref_slice %arg3[%dma_wait3A_1347, %dma_wait3A_1348] : memref<1000000x64xf32, #tpu.memory_space<hbm>> -> memref<1000000x64xf32, #tpu.memory_space<hbm>>
      tpu.wait_indirect_dma semaphore(%arg14 : memref<!tpu.dma_semaphore, #tpu.memory_space<semaphore_mem>>) src(%dma_wait3A_1349 : memref<1000000x64xf32, #tpu.memory_space<hbm>>) dst(%dma_wait3A_1343 : memref<128x64xf32, #tpu.memory_space<vmem>>)
      %mul3A_1350 = arith.constant 128 : i32
      %mul3A_1351 = arith.muli %add3A_1307, %mul3A_1350 : i32
      %add3A_1352 = arith.addi %mul3A_2, %mul3A_1351 : i32
      %dma_start3A_1353 = arith.constant 7 : i32
      %dma_start3A_1354 = arith.constant 0 : i32
      %dma_start3A_1355 = arith.constant 0 : i32
      %dma_start3A_1356 = tpu.memref_slice %arg6[%dma_start3A_1353, %dma_start3A_1354, %dma_start3A_1355] : memref<8x128x64xf32, #tpu.memory_space<vmem>> -> memref<1x128x64xf32, #tpu.memory_space<vmem>>
      %dma_start3A_1357 = tpu.memref_squeeze %dma_start3A_1356 : memref<1x128x64xf32, #tpu.memory_space<vmem>> -> memref<128x64xf32, #tpu.memory_space<vmem>>
      %dma_start3A_1358 = arith.constant 0 : i32
      %dma_start3A_1359 = tpu.memref_slice %arg4[%add3A_1352, %dma_start3A_1358] : memref<819200x64xf32, #tpu.memory_space<hbm>> -> memref<128x64xf32, #tpu.memory_space<hbm>>
      %dma_start3A_1360 = arith.constant 0 : i32
      %dma_start3A_1361 = tpu.memref_slice %arg4[%add3A_1352, %dma_start3A_1360] : memref<819200x64xf32, #tpu.memory_space<hbm>> -> memref<128x64xf32, #tpu.memory_space<hbm>>
      %dma_start3A_1362 = arith.constant 0 : i32
      %dma_start3A_1363 = arith.constant 0 : i32
      %dma_start3A_1364 = tpu.memref_slice %arg6[%dma_start3A_1353, %dma_start3A_1362, %dma_start3A_1363] : memref<8x128x64xf32, #tpu.memory_space<vmem>> -> memref<1x128x64xf32, #tpu.memory_space<vmem>>
      %dma_start3A_1365 = tpu.memref_squeeze %dma_start3A_1364 : memref<1x128x64xf32, #tpu.memory_space<vmem>> -> memref<128x64xf32, #tpu.memory_space<vmem>>
      tpu.enqueue_dma source(%dma_start3A_1365 : memref<128x64xf32, #tpu.memory_space<vmem>>) target(%dma_start3A_1361 : memref<128x64xf32, #tpu.memory_space<hbm>>) target_semaphore(%arg22 : memref<!tpu.dma_semaphore, #tpu.memory_space<semaphore_mem>>)
    }
    %scan3A_425 = arith.constant 23 : i32
    %add3A_426 = arith.constant 24064 : i32
    %add3A_427 = arith.addi %mul3A_2, %add3A_426 : i32
    %dma_wait3A_428 = arith.constant 4 : i32
    %dma_wait3A_429 = arith.constant 0 : i32
    %dma_wait3A_430 = arith.constant 0 : i32
    %dma_wait3A_431 = tpu.memref_slice %arg6[%dma_wait3A_428, %dma_wait3A_429, %dma_wait3A_430] : memref<8x128x64xf32, #tpu.memory_space<vmem>> -> memref<1x128x64xf32, #tpu.memory_space<vmem>>
    %dma_wait3A_432 = tpu.memref_squeeze %dma_wait3A_431 : memref<1x128x64xf32, #tpu.memory_space<vmem>> -> memref<128x64xf32, #tpu.memory_space<vmem>>
    %dma_wait3A_433 = arith.constant 0 : i32
    %dma_wait3A_434 = tpu.memref_slice %arg4[%add3A_427, %dma_wait3A_433] : memref<819200x64xf32, #tpu.memory_space<hbm>> -> memref<128x64xf32, #tpu.memory_space<hbm>>
    %dma_wait3A_435 = arith.constant 0 : i32
    %dma_wait3A_436 = tpu.memref_slice %arg4[%add3A_427, %dma_wait3A_435] : memref<819200x64xf32, #tpu.memory_space<hbm>> -> memref<128x64xf32, #tpu.memory_space<hbm>>
    %dma_wait3A_437 = arith.constant 0 : i32
    %dma_wait3A_438 = arith.constant 0 : i32
    %dma_wait3A_439 = tpu.memref_slice %arg6[%dma_wait3A_428, %dma_wait3A_437, %dma_wait3A_438] : memref<8x128x64xf32, #tpu.memory_space<vmem>> -> memref<1x128x64xf32, #tpu.memory_space<vmem>>
    %dma_wait3A_440 = tpu.memref_squeeze %dma_wait3A_439 : memref<1x128x64xf32, #tpu.memory_space<vmem>> -> memref<128x64xf32, #tpu.memory_space<vmem>>
    tpu.wait_dma2 semaphore(%arg19 : memref<!tpu.dma_semaphore, #tpu.memory_space<semaphore_mem>>) src(%dma_wait3A_440 : memref<128x64xf32, #tpu.memory_space<vmem>>) dst(%dma_wait3A_436 : memref<128x64xf32, #tpu.memory_space<hbm>>)
    %dma_start3A_441 = arith.constant 196 : i32
    %dma_start3A_442 = arith.constant 4 : i32
    %dma_start3A_443 = arith.constant 0 : i32
    %dma_start3A_444 = arith.constant 0 : i32
    %dma_start3A_445 = tpu.memref_slice %arg6[%dma_start3A_442, %dma_start3A_443, %dma_start3A_444] : memref<8x128x64xf32, #tpu.memory_space<vmem>> -> memref<1x128x64xf32, #tpu.memory_space<vmem>>
    %dma_start3A_446 = tpu.memref_squeeze %dma_start3A_445 : memref<1x128x64xf32, #tpu.memory_space<vmem>> -> memref<128x64xf32, #tpu.memory_space<vmem>>
    %dma_start3A_447 = arith.constant 0 : i32
    %dma_start3A_448 = tpu.memref_slice %arg5[%dma_start3A_441, %dma_start3A_447] : memref<200x128xi32, #tpu.memory_space<vmem>> -> memref<1x128xi32, #tpu.memory_space<vmem>>
    %dma_start3A_449 = tpu.memref_squeeze %dma_start3A_448 : memref<1x128xi32, #tpu.memory_space<vmem>> -> memref<128xi32, #tpu.memory_space<vmem>>
    %dma_start3A_450 = arith.constant 0 : i32
    %dma_start3A_451 = arith.constant 0 : i32
    %dma_start3A_452 = tpu.memref_slice %arg3[%dma_start3A_450, %dma_start3A_451] : memref<1000000x64xf32, #tpu.memory_space<hbm>> -> memref<1000000x64xf32, #tpu.memory_space<hbm>>
    tpu.enqueue_indirect_dma source(%dma_start3A_452 : memref<1000000x64xf32, #tpu.memory_space<hbm>>) target(%dma_start3A_446 : memref<128x64xf32, #tpu.memory_space<vmem>>) offsets(%dma_start3A_449 : memref<128xi32, #tpu.memory_space<vmem>>) semaphore(%arg11 : memref<!tpu.dma_semaphore, #tpu.memory_space<semaphore_mem>>)
    %dma_wait3A_453 = arith.constant 192 : i32
    %dma_wait3A_454 = arith.constant 0 : i32
    %dma_wait3A_455 = arith.constant 0 : i32
    %dma_wait3A_456 = arith.constant 0 : i32
    %dma_wait3A_457 = tpu.memref_slice %arg6[%dma_wait3A_454, %dma_wait3A_455, %dma_wait3A_456] : memref<8x128x64xf32, #tpu.memory_space<vmem>> -> memref<1x128x64xf32, #tpu.memory_space<vmem>>
    %dma_wait3A_458 = tpu.memref_squeeze %dma_wait3A_457 : memref<1x128x64xf32, #tpu.memory_space<vmem>> -> memref<128x64xf32, #tpu.memory_space<vmem>>
    %dma_wait3A_459 = arith.constant 0 : i32
    %dma_wait3A_460 = tpu.memref_slice %arg5[%dma_wait3A_453, %dma_wait3A_459] : memref<200x128xi32, #tpu.memory_space<vmem>> -> memref<1x128xi32, #tpu.memory_space<vmem>>
    %dma_wait3A_461 = tpu.memref_squeeze %dma_wait3A_460 : memref<1x128xi32, #tpu.memory_space<vmem>> -> memref<128xi32, #tpu.memory_space<vmem>>
    %dma_wait3A_462 = arith.constant 0 : i32
    %dma_wait3A_463 = arith.constant 0 : i32
    %dma_wait3A_464 = tpu.memref_slice %arg3[%dma_wait3A_462, %dma_wait3A_463] : memref<1000000x64xf32, #tpu.memory_space<hbm>> -> memref<1000000x64xf32, #tpu.memory_space<hbm>>
    tpu.wait_indirect_dma semaphore(%arg7 : memref<!tpu.dma_semaphore, #tpu.memory_space<semaphore_mem>>) src(%dma_wait3A_464 : memref<1000000x64xf32, #tpu.memory_space<hbm>>) dst(%dma_wait3A_458 : memref<128x64xf32, #tpu.memory_space<vmem>>)
    %add3A_465 = arith.constant 24576 : i32
    %add3A_466 = arith.addi %mul3A_2, %add3A_465 : i32
    %dma_start3A_467 = arith.constant 0 : i32
    %dma_start3A_468 = arith.constant 0 : i32
    %dma_start3A_469 = arith.constant 0 : i32
    %dma_start3A_470 = tpu.memref_slice %arg6[%dma_start3A_467, %dma_start3A_468, %dma_start3A_469] : memref<8x128x64xf32, #tpu.memory_space<vmem>> -> memref<1x128x64xf32, #tpu.memory_space<vmem>>
    %dma_start3A_471 = tpu.memref_squeeze %dma_start3A_470 : memref<1x128x64xf32, #tpu.memory_space<vmem>> -> memref<128x64xf32, #tpu.memory_space<vmem>>
    %dma_start3A_472 = arith.constant 0 : i32
    %dma_start3A_473 = tpu.memref_slice %arg4[%add3A_466, %dma_start3A_472] : memref<819200x64xf32, #tpu.memory_space<hbm>> -> memref<128x64xf32, #tpu.memory_space<hbm>>
    %dma_start3A_474 = arith.constant 0 : i32
    %dma_start3A_475 = tpu.memref_slice %arg4[%add3A_466, %dma_start3A_474] : memref<819200x64xf32, #tpu.memory_space<hbm>> -> memref<128x64xf32, #tpu.memory_space<hbm>>
    %dma_start3A_476 = arith.constant 0 : i32
    %dma_start3A_477 = arith.constant 0 : i32
    %dma_start3A_478 = tpu.memref_slice %arg6[%dma_start3A_467, %dma_start3A_476, %dma_start3A_477] : memref<8x128x64xf32, #tpu.memory_space<vmem>> -> memref<1x128x64xf32, #tpu.memory_space<vmem>>
    %dma_start3A_479 = tpu.memref_squeeze %dma_start3A_478 : memref<1x128x64xf32, #tpu.memory_space<vmem>> -> memref<128x64xf32, #tpu.memory_space<vmem>>
    tpu.enqueue_dma source(%dma_start3A_479 : memref<128x64xf32, #tpu.memory_space<vmem>>) target(%dma_start3A_475 : memref<128x64xf32, #tpu.memory_space<hbm>>) target_semaphore(%arg15 : memref<!tpu.dma_semaphore, #tpu.memory_space<semaphore_mem>>)
    %add3A_480 = arith.constant 24192 : i32
    %add3A_481 = arith.addi %mul3A_2, %add3A_480 : i32
    %dma_wait3A_482 = arith.constant 5 : i32
    %dma_wait3A_483 = arith.constant 0 : i32
    %dma_wait3A_484 = arith.constant 0 : i32
    %dma_wait3A_485 = tpu.memref_slice %arg6[%dma_wait3A_482, %dma_wait3A_483, %dma_wait3A_484] : memref<8x128x64xf32, #tpu.memory_space<vmem>> -> memref<1x128x64xf32, #tpu.memory_space<vmem>>
    %dma_wait3A_486 = tpu.memref_squeeze %dma_wait3A_485 : memref<1x128x64xf32, #tpu.memory_space<vmem>> -> memref<128x64xf32, #tpu.memory_space<vmem>>
    %dma_wait3A_487 = arith.constant 0 : i32
    %dma_wait3A_488 = tpu.memref_slice %arg4[%add3A_481, %dma_wait3A_487] : memref<819200x64xf32, #tpu.memory_space<hbm>> -> memref<128x64xf32, #tpu.memory_space<hbm>>
    %dma_wait3A_489 = arith.constant 0 : i32
    %dma_wait3A_490 = tpu.memref_slice %arg4[%add3A_481, %dma_wait3A_489] : memref<819200x64xf32, #tpu.memory_space<hbm>> -> memref<128x64xf32, #tpu.memory_space<hbm>>
    %dma_wait3A_491 = arith.constant 0 : i32
    %dma_wait3A_492 = arith.constant 0 : i32
    %dma_wait3A_493 = tpu.memref_slice %arg6[%dma_wait3A_482, %dma_wait3A_491, %dma_wait3A_492] : memref<8x128x64xf32, #tpu.memory_space<vmem>> -> memref<1x128x64xf32, #tpu.memory_space<vmem>>
    %dma_wait3A_494 = tpu.memref_squeeze %dma_wait3A_493 : memref<1x128x64xf32, #tpu.memory_space<vmem>> -> memref<128x64xf32, #tpu.memory_space<vmem>>
    tpu.wait_dma2 semaphore(%arg20 : memref<!tpu.dma_semaphore, #tpu.memory_space<semaphore_mem>>) src(%dma_wait3A_494 : memref<128x64xf32, #tpu.memory_space<vmem>>) dst(%dma_wait3A_490 : memref<128x64xf32, #tpu.memory_space<hbm>>)
    %dma_start3A_495 = arith.constant 197 : i32
    %dma_start3A_496 = arith.constant 5 : i32
    %dma_start3A_497 = arith.constant 0 : i32
    %dma_start3A_498 = arith.constant 0 : i32
    %dma_start3A_499 = tpu.memref_slice %arg6[%dma_start3A_496, %dma_start3A_497, %dma_start3A_498] : memref<8x128x64xf32, #tpu.memory_space<vmem>> -> memref<1x128x64xf32, #tpu.memory_space<vmem>>
    %dma_start3A_500 = tpu.memref_squeeze %dma_start3A_499 : memref<1x128x64xf32, #tpu.memory_space<vmem>> -> memref<128x64xf32, #tpu.memory_space<vmem>>
    %dma_start3A_501 = arith.constant 0 : i32
    %dma_start3A_502 = tpu.memref_slice %arg5[%dma_start3A_495, %dma_start3A_501] : memref<200x128xi32, #tpu.memory_space<vmem>> -> memref<1x128xi32, #tpu.memory_space<vmem>>
    %dma_start3A_503 = tpu.memref_squeeze %dma_start3A_502 : memref<1x128xi32, #tpu.memory_space<vmem>> -> memref<128xi32, #tpu.memory_space<vmem>>
    %dma_start3A_504 = arith.constant 0 : i32
    %dma_start3A_505 = arith.constant 0 : i32
    %dma_start3A_506 = tpu.memref_slice %arg3[%dma_start3A_504, %dma_start3A_505] : memref<1000000x64xf32, #tpu.memory_space<hbm>> -> memref<1000000x64xf32, #tpu.memory_space<hbm>>
    tpu.enqueue_indirect_dma source(%dma_start3A_506 : memref<1000000x64xf32, #tpu.memory_space<hbm>>) target(%dma_start3A_500 : memref<128x64xf32, #tpu.memory_space<vmem>>) offsets(%dma_start3A_503 : memref<128xi32, #tpu.memory_space<vmem>>) semaphore(%arg12 : memref<!tpu.dma_semaphore, #tpu.memory_space<semaphore_mem>>)
    %dma_wait3A_507 = arith.constant 193 : i32
    %dma_wait3A_508 = arith.constant 1 : i32
    %dma_wait3A_509 = arith.constant 0 : i32
    %dma_wait3A_510 = arith.constant 0 : i32
    %dma_wait3A_511 = tpu.memref_slice %arg6[%dma_wait3A_508, %dma_wait3A_509, %dma_wait3A_510] : memref<8x128x64xf32, #tpu.memory_space<vmem>> -> memref<1x128x64xf32, #tpu.memory_space<vmem>>
    %dma_wait3A_512 = tpu.memref_squeeze %dma_wait3A_511 : memref<1x128x64xf32, #tpu.memory_space<vmem>> -> memref<128x64xf32, #tpu.memory_space<vmem>>
    %dma_wait3A_513 = arith.constant 0 : i32
    %dma_wait3A_514 = tpu.memref_slice %arg5[%dma_wait3A_507, %dma_wait3A_513] : memref<200x128xi32, #tpu.memory_space<vmem>> -> memref<1x128xi32, #tpu.memory_space<vmem>>
    %dma_wait3A_515 = tpu.memref_squeeze %dma_wait3A_514 : memref<1x128xi32, #tpu.memory_space<vmem>> -> memref<128xi32, #tpu.memory_space<vmem>>
    %dma_wait3A_516 = arith.constant 0 : i32
    %dma_wait3A_517 = arith.constant 0 : i32
    %dma_wait3A_518 = tpu.memref_slice %arg3[%dma_wait3A_516, %dma_wait3A_517] : memref<1000000x64xf32, #tpu.memory_space<hbm>> -> memref<1000000x64xf32, #tpu.memory_space<hbm>>
    tpu.wait_indirect_dma semaphore(%arg8 : memref<!tpu.dma_semaphore, #tpu.memory_space<semaphore_mem>>) src(%dma_wait3A_518 : memref<1000000x64xf32, #tpu.memory_space<hbm>>) dst(%dma_wait3A_512 : memref<128x64xf32, #tpu.memory_space<vmem>>)
    %add3A_519 = arith.constant 24704 : i32
    %add3A_520 = arith.addi %mul3A_2, %add3A_519 : i32
    %dma_start3A_521 = arith.constant 1 : i32
    %dma_start3A_522 = arith.constant 0 : i32
    %dma_start3A_523 = arith.constant 0 : i32
    %dma_start3A_524 = tpu.memref_slice %arg6[%dma_start3A_521, %dma_start3A_522, %dma_start3A_523] : memref<8x128x64xf32, #tpu.memory_space<vmem>> -> memref<1x128x64xf32, #tpu.memory_space<vmem>>
    %dma_start3A_525 = tpu.memref_squeeze %dma_start3A_524 : memref<1x128x64xf32, #tpu.memory_space<vmem>> -> memref<128x64xf32, #tpu.memory_space<vmem>>
    %dma_start3A_526 = arith.constant 0 : i32
    %dma_start3A_527 = tpu.memref_slice %arg4[%add3A_520, %dma_start3A_526] : memref<819200x64xf32, #tpu.memory_space<hbm>> -> memref<128x64xf32, #tpu.memory_space<hbm>>
    %dma_start3A_528 = arith.constant 0 : i32
    %dma_start3A_529 = tpu.memref_slice %arg4[%add3A_520, %dma_start3A_528] : memref<819200x64xf32, #tpu.memory_space<hbm>> -> memref<128x64xf32, #tpu.memory_space<hbm>>
    %dma_start3A_530 = arith.constant 0 : i32
    %dma_start3A_531 = arith.constant 0 : i32
    %dma_start3A_532 = tpu.memref_slice %arg6[%dma_start3A_521, %dma_start3A_530, %dma_start3A_531] : memref<8x128x64xf32, #tpu.memory_space<vmem>> -> memref<1x128x64xf32, #tpu.memory_space<vmem>>
    %dma_start3A_533 = tpu.memref_squeeze %dma_start3A_532 : memref<1x128x64xf32, #tpu.memory_space<vmem>> -> memref<128x64xf32, #tpu.memory_space<vmem>>
    tpu.enqueue_dma source(%dma_start3A_533 : memref<128x64xf32, #tpu.memory_space<vmem>>) target(%dma_start3A_529 : memref<128x64xf32, #tpu.memory_space<hbm>>) target_semaphore(%arg16 : memref<!tpu.dma_semaphore, #tpu.memory_space<semaphore_mem>>)
    %add3A_534 = arith.constant 24320 : i32
    %add3A_535 = arith.addi %mul3A_2, %add3A_534 : i32
    %dma_wait3A_536 = arith.constant 6 : i32
    %dma_wait3A_537 = arith.constant 0 : i32
    %dma_wait3A_538 = arith.constant 0 : i32
    %dma_wait3A_539 = tpu.memref_slice %arg6[%dma_wait3A_536, %dma_wait3A_537, %dma_wait3A_538] : memref<8x128x64xf32, #tpu.memory_space<vmem>> -> memref<1x128x64xf32, #tpu.memory_space<vmem>>
    %dma_wait3A_540 = tpu.memref_squeeze %dma_wait3A_539 : memref<1x128x64xf32, #tpu.memory_space<vmem>> -> memref<128x64xf32, #tpu.memory_space<vmem>>
    %dma_wait3A_541 = arith.constant 0 : i32
    %dma_wait3A_542 = tpu.memref_slice %arg4[%add3A_535, %dma_wait3A_541] : memref<819200x64xf32, #tpu.memory_space<hbm>> -> memref<128x64xf32, #tpu.memory_space<hbm>>
    %dma_wait3A_543 = arith.constant 0 : i32
    %dma_wait3A_544 = tpu.memref_slice %arg4[%add3A_535, %dma_wait3A_543] : memref<819200x64xf32, #tpu.memory_space<hbm>> -> memref<128x64xf32, #tpu.memory_space<hbm>>
    %dma_wait3A_545 = arith.constant 0 : i32
    %dma_wait3A_546 = arith.constant 0 : i32
    %dma_wait3A_547 = tpu.memref_slice %arg6[%dma_wait3A_536, %dma_wait3A_545, %dma_wait3A_546] : memref<8x128x64xf32, #tpu.memory_space<vmem>> -> memref<1x128x64xf32, #tpu.memory_space<vmem>>
    %dma_wait3A_548 = tpu.memref_squeeze %dma_wait3A_547 : memref<1x128x64xf32, #tpu.memory_space<vmem>> -> memref<128x64xf32, #tpu.memory_space<vmem>>
    tpu.wait_dma2 semaphore(%arg21 : memref<!tpu.dma_semaphore, #tpu.memory_space<semaphore_mem>>) src(%dma_wait3A_548 : memref<128x64xf32, #tpu.memory_space<vmem>>) dst(%dma_wait3A_544 : memref<128x64xf32, #tpu.memory_space<hbm>>)
    %dma_start3A_549 = arith.constant 198 : i32
    %dma_start3A_550 = arith.constant 6 : i32
    %dma_start3A_551 = arith.constant 0 : i32
    %dma_start3A_552 = arith.constant 0 : i32
    %dma_start3A_553 = tpu.memref_slice %arg6[%dma_start3A_550, %dma_start3A_551, %dma_start3A_552] : memref<8x128x64xf32, #tpu.memory_space<vmem>> -> memref<1x128x64xf32, #tpu.memory_space<vmem>>
    %dma_start3A_554 = tpu.memref_squeeze %dma_start3A_553 : memref<1x128x64xf32, #tpu.memory_space<vmem>> -> memref<128x64xf32, #tpu.memory_space<vmem>>
    %dma_start3A_555 = arith.constant 0 : i32
    %dma_start3A_556 = tpu.memref_slice %arg5[%dma_start3A_549, %dma_start3A_555] : memref<200x128xi32, #tpu.memory_space<vmem>> -> memref<1x128xi32, #tpu.memory_space<vmem>>
    %dma_start3A_557 = tpu.memref_squeeze %dma_start3A_556 : memref<1x128xi32, #tpu.memory_space<vmem>> -> memref<128xi32, #tpu.memory_space<vmem>>
    %dma_start3A_558 = arith.constant 0 : i32
    %dma_start3A_559 = arith.constant 0 : i32
    %dma_start3A_560 = tpu.memref_slice %arg3[%dma_start3A_558, %dma_start3A_559] : memref<1000000x64xf32, #tpu.memory_space<hbm>> -> memref<1000000x64xf32, #tpu.memory_space<hbm>>
    tpu.enqueue_indirect_dma source(%dma_start3A_560 : memref<1000000x64xf32, #tpu.memory_space<hbm>>) target(%dma_start3A_554 : memref<128x64xf32, #tpu.memory_space<vmem>>) offsets(%dma_start3A_557 : memref<128xi32, #tpu.memory_space<vmem>>) semaphore(%arg13 : memref<!tpu.dma_semaphore, #tpu.memory_space<semaphore_mem>>)
    %dma_wait3A_561 = arith.constant 194 : i32
    %dma_wait3A_562 = arith.constant 2 : i32
    %dma_wait3A_563 = arith.constant 0 : i32
    %dma_wait3A_564 = arith.constant 0 : i32
    %dma_wait3A_565 = tpu.memref_slice %arg6[%dma_wait3A_562, %dma_wait3A_563, %dma_wait3A_564] : memref<8x128x64xf32, #tpu.memory_space<vmem>> -> memref<1x128x64xf32, #tpu.memory_space<vmem>>
    %dma_wait3A_566 = tpu.memref_squeeze %dma_wait3A_565 : memref<1x128x64xf32, #tpu.memory_space<vmem>> -> memref<128x64xf32, #tpu.memory_space<vmem>>
    %dma_wait3A_567 = arith.constant 0 : i32
    %dma_wait3A_568 = tpu.memref_slice %arg5[%dma_wait3A_561, %dma_wait3A_567] : memref<200x128xi32, #tpu.memory_space<vmem>> -> memref<1x128xi32, #tpu.memory_space<vmem>>
    %dma_wait3A_569 = tpu.memref_squeeze %dma_wait3A_568 : memref<1x128xi32, #tpu.memory_space<vmem>> -> memref<128xi32, #tpu.memory_space<vmem>>
    %dma_wait3A_570 = arith.constant 0 : i32
    %dma_wait3A_571 = arith.constant 0 : i32
    %dma_wait3A_572 = tpu.memref_slice %arg3[%dma_wait3A_570, %dma_wait3A_571] : memref<1000000x64xf32, #tpu.memory_space<hbm>> -> memref<1000000x64xf32, #tpu.memory_space<hbm>>
    tpu.wait_indirect_dma semaphore(%arg9 : memref<!tpu.dma_semaphore, #tpu.memory_space<semaphore_mem>>) src(%dma_wait3A_572 : memref<1000000x64xf32, #tpu.memory_space<hbm>>) dst(%dma_wait3A_566 : memref<128x64xf32, #tpu.memory_space<vmem>>)
    %add3A_573 = arith.constant 24832 : i32
    %add3A_574 = arith.addi %mul3A_2, %add3A_573 : i32
    %dma_start3A_575 = arith.constant 2 : i32
    %dma_start3A_576 = arith.constant 0 : i32
    %dma_start3A_577 = arith.constant 0 : i32
    %dma_start3A_578 = tpu.memref_slice %arg6[%dma_start3A_575, %dma_start3A_576, %dma_start3A_577] : memref<8x128x64xf32, #tpu.memory_space<vmem>> -> memref<1x128x64xf32, #tpu.memory_space<vmem>>
    %dma_start3A_579 = tpu.memref_squeeze %dma_start3A_578 : memref<1x128x64xf32, #tpu.memory_space<vmem>> -> memref<128x64xf32, #tpu.memory_space<vmem>>
    %dma_start3A_580 = arith.constant 0 : i32
    %dma_start3A_581 = tpu.memref_slice %arg4[%add3A_574, %dma_start3A_580] : memref<819200x64xf32, #tpu.memory_space<hbm>> -> memref<128x64xf32, #tpu.memory_space<hbm>>
    %dma_start3A_582 = arith.constant 0 : i32
    %dma_start3A_583 = tpu.memref_slice %arg4[%add3A_574, %dma_start3A_582] : memref<819200x64xf32, #tpu.memory_space<hbm>> -> memref<128x64xf32, #tpu.memory_space<hbm>>
    %dma_start3A_584 = arith.constant 0 : i32
    %dma_start3A_585 = arith.constant 0 : i32
    %dma_start3A_586 = tpu.memref_slice %arg6[%dma_start3A_575, %dma_start3A_584, %dma_start3A_585] : memref<8x128x64xf32, #tpu.memory_space<vmem>> -> memref<1x128x64xf32, #tpu.memory_space<vmem>>
    %dma_start3A_587 = tpu.memref_squeeze %dma_start3A_586 : memref<1x128x64xf32, #tpu.memory_space<vmem>> -> memref<128x64xf32, #tpu.memory_space<vmem>>
    tpu.enqueue_dma source(%dma_start3A_587 : memref<128x64xf32, #tpu.memory_space<vmem>>) target(%dma_start3A_583 : memref<128x64xf32, #tpu.memory_space<hbm>>) target_semaphore(%arg17 : memref<!tpu.dma_semaphore, #tpu.memory_space<semaphore_mem>>)
    %add3A_588 = arith.constant 24448 : i32
    %add3A_589 = arith.addi %mul3A_2, %add3A_588 : i32
    %dma_wait3A_590 = arith.constant 7 : i32
    %dma_wait3A_591 = arith.constant 0 : i32
    %dma_wait3A_592 = arith.constant 0 : i32
    %dma_wait3A_593 = tpu.memref_slice %arg6[%dma_wait3A_590, %dma_wait3A_591, %dma_wait3A_592] : memref<8x128x64xf32, #tpu.memory_space<vmem>> -> memref<1x128x64xf32, #tpu.memory_space<vmem>>
    %dma_wait3A_594 = tpu.memref_squeeze %dma_wait3A_593 : memref<1x128x64xf32, #tpu.memory_space<vmem>> -> memref<128x64xf32, #tpu.memory_space<vmem>>
    %dma_wait3A_595 = arith.constant 0 : i32
    %dma_wait3A_596 = tpu.memref_slice %arg4[%add3A_589, %dma_wait3A_595] : memref<819200x64xf32, #tpu.memory_space<hbm>> -> memref<128x64xf32, #tpu.memory_space<hbm>>
    %dma_wait3A_597 = arith.constant 0 : i32
    %dma_wait3A_598 = tpu.memref_slice %arg4[%add3A_589, %dma_wait3A_597] : memref<819200x64xf32, #tpu.memory_space<hbm>> -> memref<128x64xf32, #tpu.memory_space<hbm>>
    %dma_wait3A_599 = arith.constant 0 : i32
    %dma_wait3A_600 = arith.constant 0 : i32
    %dma_wait3A_601 = tpu.memref_slice %arg6[%dma_wait3A_590, %dma_wait3A_599, %dma_wait3A_600] : memref<8x128x64xf32, #tpu.memory_space<vmem>> -> memref<1x128x64xf32, #tpu.memory_space<vmem>>
    %dma_wait3A_602 = tpu.memref_squeeze %dma_wait3A_601 : memref<1x128x64xf32, #tpu.memory_space<vmem>> -> memref<128x64xf32, #tpu.memory_space<vmem>>
    tpu.wait_dma2 semaphore(%arg22 : memref<!tpu.dma_semaphore, #tpu.memory_space<semaphore_mem>>) src(%dma_wait3A_602 : memref<128x64xf32, #tpu.memory_space<vmem>>) dst(%dma_wait3A_598 : memref<128x64xf32, #tpu.memory_space<hbm>>)
    %dma_start3A_603 = arith.constant 199 : i32
    %dma_start3A_604 = arith.constant 7 : i32
    %dma_start3A_605 = arith.constant 0 : i32
    %dma_start3A_606 = arith.constant 0 : i32
    %dma_start3A_607 = tpu.memref_slice %arg6[%dma_start3A_604, %dma_start3A_605, %dma_start3A_606] : memref<8x128x64xf32, #tpu.memory_space<vmem>> -> memref<1x128x64xf32, #tpu.memory_space<vmem>>
    %dma_start3A_608 = tpu.memref_squeeze %dma_start3A_607 : memref<1x128x64xf32, #tpu.memory_space<vmem>> -> memref<128x64xf32, #tpu.memory_space<vmem>>
    %dma_start3A_609 = arith.constant 0 : i32
    %dma_start3A_610 = tpu.memref_slice %arg5[%dma_start3A_603, %dma_start3A_609] : memref<200x128xi32, #tpu.memory_space<vmem>> -> memref<1x128xi32, #tpu.memory_space<vmem>>
    %dma_start3A_611 = tpu.memref_squeeze %dma_start3A_610 : memref<1x128xi32, #tpu.memory_space<vmem>> -> memref<128xi32, #tpu.memory_space<vmem>>
    %dma_start3A_612 = arith.constant 0 : i32
    %dma_start3A_613 = arith.constant 0 : i32
    %dma_start3A_614 = tpu.memref_slice %arg3[%dma_start3A_612, %dma_start3A_613] : memref<1000000x64xf32, #tpu.memory_space<hbm>> -> memref<1000000x64xf32, #tpu.memory_space<hbm>>
    tpu.enqueue_indirect_dma source(%dma_start3A_614 : memref<1000000x64xf32, #tpu.memory_space<hbm>>) target(%dma_start3A_608 : memref<128x64xf32, #tpu.memory_space<vmem>>) offsets(%dma_start3A_611 : memref<128xi32, #tpu.memory_space<vmem>>) semaphore(%arg14 : memref<!tpu.dma_semaphore, #tpu.memory_space<semaphore_mem>>)
    %dma_wait3A_615 = arith.constant 195 : i32
    %dma_wait3A_616 = arith.constant 3 : i32
    %dma_wait3A_617 = arith.constant 0 : i32
    %dma_wait3A_618 = arith.constant 0 : i32
    %dma_wait3A_619 = tpu.memref_slice %arg6[%dma_wait3A_616, %dma_wait3A_617, %dma_wait3A_618] : memref<8x128x64xf32, #tpu.memory_space<vmem>> -> memref<1x128x64xf32, #tpu.memory_space<vmem>>
    %dma_wait3A_620 = tpu.memref_squeeze %dma_wait3A_619 : memref<1x128x64xf32, #tpu.memory_space<vmem>> -> memref<128x64xf32, #tpu.memory_space<vmem>>
    %dma_wait3A_621 = arith.constant 0 : i32
    %dma_wait3A_622 = tpu.memref_slice %arg5[%dma_wait3A_615, %dma_wait3A_621] : memref<200x128xi32, #tpu.memory_space<vmem>> -> memref<1x128xi32, #tpu.memory_space<vmem>>
    %dma_wait3A_623 = tpu.memref_squeeze %dma_wait3A_622 : memref<1x128xi32, #tpu.memory_space<vmem>> -> memref<128xi32, #tpu.memory_space<vmem>>
    %dma_wait3A_624 = arith.constant 0 : i32
    %dma_wait3A_625 = arith.constant 0 : i32
    %dma_wait3A_626 = tpu.memref_slice %arg3[%dma_wait3A_624, %dma_wait3A_625] : memref<1000000x64xf32, #tpu.memory_space<hbm>> -> memref<1000000x64xf32, #tpu.memory_space<hbm>>
    tpu.wait_indirect_dma semaphore(%arg10 : memref<!tpu.dma_semaphore, #tpu.memory_space<semaphore_mem>>) src(%dma_wait3A_626 : memref<1000000x64xf32, #tpu.memory_space<hbm>>) dst(%dma_wait3A_620 : memref<128x64xf32, #tpu.memory_space<vmem>>)
    %add3A_627 = arith.constant 24960 : i32
    %add3A_628 = arith.addi %mul3A_2, %add3A_627 : i32
    %dma_start3A_629 = arith.constant 3 : i32
    %dma_start3A_630 = arith.constant 0 : i32
    %dma_start3A_631 = arith.constant 0 : i32
    %dma_start3A_632 = tpu.memref_slice %arg6[%dma_start3A_629, %dma_start3A_630, %dma_start3A_631] : memref<8x128x64xf32, #tpu.memory_space<vmem>> -> memref<1x128x64xf32, #tpu.memory_space<vmem>>
    %dma_start3A_633 = tpu.memref_squeeze %dma_start3A_632 : memref<1x128x64xf32, #tpu.memory_space<vmem>> -> memref<128x64xf32, #tpu.memory_space<vmem>>
    %dma_start3A_634 = arith.constant 0 : i32
    %dma_start3A_635 = tpu.memref_slice %arg4[%add3A_628, %dma_start3A_634] : memref<819200x64xf32, #tpu.memory_space<hbm>> -> memref<128x64xf32, #tpu.memory_space<hbm>>
    %dma_start3A_636 = arith.constant 0 : i32
    %dma_start3A_637 = tpu.memref_slice %arg4[%add3A_628, %dma_start3A_636] : memref<819200x64xf32, #tpu.memory_space<hbm>> -> memref<128x64xf32, #tpu.memory_space<hbm>>
    %dma_start3A_638 = arith.constant 0 : i32
    %dma_start3A_639 = arith.constant 0 : i32
    %dma_start3A_640 = tpu.memref_slice %arg6[%dma_start3A_629, %dma_start3A_638, %dma_start3A_639] : memref<8x128x64xf32, #tpu.memory_space<vmem>> -> memref<1x128x64xf32, #tpu.memory_space<vmem>>
    %dma_start3A_641 = tpu.memref_squeeze %dma_start3A_640 : memref<1x128x64xf32, #tpu.memory_space<vmem>> -> memref<128x64xf32, #tpu.memory_space<vmem>>
    tpu.enqueue_dma source(%dma_start3A_641 : memref<128x64xf32, #tpu.memory_space<vmem>>) target(%dma_start3A_637 : memref<128x64xf32, #tpu.memory_space<hbm>>) target_semaphore(%arg18 : memref<!tpu.dma_semaphore, #tpu.memory_space<semaphore_mem>>)
    %dma_wait3A_642 = arith.constant 196 : i32
    %dma_wait3A_643 = arith.constant 4 : i32
    %dma_wait3A_644 = arith.constant 0 : i32
    %dma_wait3A_645 = arith.constant 0 : i32
    %dma_wait3A_646 = tpu.memref_slice %arg6[%dma_wait3A_643, %dma_wait3A_644, %dma_wait3A_645] : memref<8x128x64xf32, #tpu.memory_space<vmem>> -> memref<1x128x64xf32, #tpu.memory_space<vmem>>
    %dma_wait3A_647 = tpu.memref_squeeze %dma_wait3A_646 : memref<1x128x64xf32, #tpu.memory_space<vmem>> -> memref<128x64xf32, #tpu.memory_space<vmem>>
    %dma_wait3A_648 = arith.constant 0 : i32
    %dma_wait3A_649 = tpu.memref_slice %arg5[%dma_wait3A_642, %dma_wait3A_648] : memref<200x128xi32, #tpu.memory_space<vmem>> -> memref<1x128xi32, #tpu.memory_space<vmem>>
    %dma_wait3A_650 = tpu.memref_squeeze %dma_wait3A_649 : memref<1x128xi32, #tpu.memory_space<vmem>> -> memref<128xi32, #tpu.memory_space<vmem>>
    %dma_wait3A_651 = arith.constant 0 : i32
    %dma_wait3A_652 = arith.constant 0 : i32
    %dma_wait3A_653 = tpu.memref_slice %arg3[%dma_wait3A_651, %dma_wait3A_652] : memref<1000000x64xf32, #tpu.memory_space<hbm>> -> memref<1000000x64xf32, #tpu.memory_space<hbm>>
    tpu.wait_indirect_dma semaphore(%arg11 : memref<!tpu.dma_semaphore, #tpu.memory_space<semaphore_mem>>) src(%dma_wait3A_653 : memref<1000000x64xf32, #tpu.memory_space<hbm>>) dst(%dma_wait3A_647 : memref<128x64xf32, #tpu.memory_space<vmem>>)
    %add3A_654 = arith.constant 25088 : i32
    %add3A_655 = arith.addi %mul3A_2, %add3A_654 : i32
    %dma_start3A_656 = arith.constant 4 : i32
    %dma_start3A_657 = arith.constant 0 : i32
    %dma_start3A_658 = arith.constant 0 : i32
    %dma_start3A_659 = tpu.memref_slice %arg6[%dma_start3A_656, %dma_start3A_657, %dma_start3A_658] : memref<8x128x64xf32, #tpu.memory_space<vmem>> -> memref<1x128x64xf32, #tpu.memory_space<vmem>>
    %dma_start3A_660 = tpu.memref_squeeze %dma_start3A_659 : memref<1x128x64xf32, #tpu.memory_space<vmem>> -> memref<128x64xf32, #tpu.memory_space<vmem>>
    %dma_start3A_661 = arith.constant 0 : i32
    %dma_start3A_662 = tpu.memref_slice %arg4[%add3A_655, %dma_start3A_661] : memref<819200x64xf32, #tpu.memory_space<hbm>> -> memref<128x64xf32, #tpu.memory_space<hbm>>
    %dma_start3A_663 = arith.constant 0 : i32
    %dma_start3A_664 = tpu.memref_slice %arg4[%add3A_655, %dma_start3A_663] : memref<819200x64xf32, #tpu.memory_space<hbm>> -> memref<128x64xf32, #tpu.memory_space<hbm>>
    %dma_start3A_665 = arith.constant 0 : i32
    %dma_start3A_666 = arith.constant 0 : i32
    %dma_start3A_667 = tpu.memref_slice %arg6[%dma_start3A_656, %dma_start3A_665, %dma_start3A_666] : memref<8x128x64xf32, #tpu.memory_space<vmem>> -> memref<1x128x64xf32, #tpu.memory_space<vmem>>
    %dma_start3A_668 = tpu.memref_squeeze %dma_start3A_667 : memref<1x128x64xf32, #tpu.memory_space<vmem>> -> memref<128x64xf32, #tpu.memory_space<vmem>>
    tpu.enqueue_dma source(%dma_start3A_668 : memref<128x64xf32, #tpu.memory_space<vmem>>) target(%dma_start3A_664 : memref<128x64xf32, #tpu.memory_space<hbm>>) target_semaphore(%arg19 : memref<!tpu.dma_semaphore, #tpu.memory_space<semaphore_mem>>)
    %dma_wait3A_669 = arith.constant 197 : i32
    %dma_wait3A_670 = arith.constant 5 : i32
    %dma_wait3A_671 = arith.constant 0 : i32
    %dma_wait3A_672 = arith.constant 0 : i32
    %dma_wait3A_673 = tpu.memref_slice %arg6[%dma_wait3A_670, %dma_wait3A_671, %dma_wait3A_672] : memref<8x128x64xf32, #tpu.memory_space<vmem>> -> memref<1x128x64xf32, #tpu.memory_space<vmem>>
    %dma_wait3A_674 = tpu.memref_squeeze %dma_wait3A_673 : memref<1x128x64xf32, #tpu.memory_space<vmem>> -> memref<128x64xf32, #tpu.memory_space<vmem>>
    %dma_wait3A_675 = arith.constant 0 : i32
    %dma_wait3A_676 = tpu.memref_slice %arg5[%dma_wait3A_669, %dma_wait3A_675] : memref<200x128xi32, #tpu.memory_space<vmem>> -> memref<1x128xi32, #tpu.memory_space<vmem>>
    %dma_wait3A_677 = tpu.memref_squeeze %dma_wait3A_676 : memref<1x128xi32, #tpu.memory_space<vmem>> -> memref<128xi32, #tpu.memory_space<vmem>>
    %dma_wait3A_678 = arith.constant 0 : i32
    %dma_wait3A_679 = arith.constant 0 : i32
    %dma_wait3A_680 = tpu.memref_slice %arg3[%dma_wait3A_678, %dma_wait3A_679] : memref<1000000x64xf32, #tpu.memory_space<hbm>> -> memref<1000000x64xf32, #tpu.memory_space<hbm>>
    tpu.wait_indirect_dma semaphore(%arg12 : memref<!tpu.dma_semaphore, #tpu.memory_space<semaphore_mem>>) src(%dma_wait3A_680 : memref<1000000x64xf32, #tpu.memory_space<hbm>>) dst(%dma_wait3A_674 : memref<128x64xf32, #tpu.memory_space<vmem>>)
    %add3A_681 = arith.constant 25216 : i32
    %add3A_682 = arith.addi %mul3A_2, %add3A_681 : i32
    %dma_start3A_683 = arith.constant 5 : i32
    %dma_start3A_684 = arith.constant 0 : i32
    %dma_start3A_685 = arith.constant 0 : i32
    %dma_start3A_686 = tpu.memref_slice %arg6[%dma_start3A_683, %dma_start3A_684, %dma_start3A_685] : memref<8x128x64xf32, #tpu.memory_space<vmem>> -> memref<1x128x64xf32, #tpu.memory_space<vmem>>
    %dma_start3A_687 = tpu.memref_squeeze %dma_start3A_686 : memref<1x128x64xf32, #tpu.memory_space<vmem>> -> memref<128x64xf32, #tpu.memory_space<vmem>>
    %dma_start3A_688 = arith.constant 0 : i32
    %dma_start3A_689 = tpu.memref_slice %arg4[%add3A_682, %dma_start3A_688] : memref<819200x64xf32, #tpu.memory_space<hbm>> -> memref<128x64xf32, #tpu.memory_space<hbm>>
    %dma_start3A_690 = arith.constant 0 : i32
    %dma_start3A_691 = tpu.memref_slice %arg4[%add3A_682, %dma_start3A_690] : memref<819200x64xf32, #tpu.memory_space<hbm>> -> memref<128x64xf32, #tpu.memory_space<hbm>>
    %dma_start3A_692 = arith.constant 0 : i32
    %dma_start3A_693 = arith.constant 0 : i32
    %dma_start3A_694 = tpu.memref_slice %arg6[%dma_start3A_683, %dma_start3A_692, %dma_start3A_693] : memref<8x128x64xf32, #tpu.memory_space<vmem>> -> memref<1x128x64xf32, #tpu.memory_space<vmem>>
    %dma_start3A_695 = tpu.memref_squeeze %dma_start3A_694 : memref<1x128x64xf32, #tpu.memory_space<vmem>> -> memref<128x64xf32, #tpu.memory_space<vmem>>
    tpu.enqueue_dma source(%dma_start3A_695 : memref<128x64xf32, #tpu.memory_space<vmem>>) target(%dma_start3A_691 : memref<128x64xf32, #tpu.memory_space<hbm>>) target_semaphore(%arg20 : memref<!tpu.dma_semaphore, #tpu.memory_space<semaphore_mem>>)
    %dma_wait3A_696 = arith.constant 198 : i32
    %dma_wait3A_697 = arith.constant 6 : i32
    %dma_wait3A_698 = arith.constant 0 : i32
    %dma_wait3A_699 = arith.constant 0 : i32
    %dma_wait3A_700 = tpu.memref_slice %arg6[%dma_wait3A_697, %dma_wait3A_698, %dma_wait3A_699] : memref<8x128x64xf32, #tpu.memory_space<vmem>> -> memref<1x128x64xf32, #tpu.memory_space<vmem>>
    %dma_wait3A_701 = tpu.memref_squeeze %dma_wait3A_700 : memref<1x128x64xf32, #tpu.memory_space<vmem>> -> memref<128x64xf32, #tpu.memory_space<vmem>>
    %dma_wait3A_702 = arith.constant 0 : i32
    %dma_wait3A_703 = tpu.memref_slice %arg5[%dma_wait3A_696, %dma_wait3A_702] : memref<200x128xi32, #tpu.memory_space<vmem>> -> memref<1x128xi32, #tpu.memory_space<vmem>>
    %dma_wait3A_704 = tpu.memref_squeeze %dma_wait3A_703 : memref<1x128xi32, #tpu.memory_space<vmem>> -> memref<128xi32, #tpu.memory_space<vmem>>
    %dma_wait3A_705 = arith.constant 0 : i32
    %dma_wait3A_706 = arith.constant 0 : i32
    %dma_wait3A_707 = tpu.memref_slice %arg3[%dma_wait3A_705, %dma_wait3A_706] : memref<1000000x64xf32, #tpu.memory_space<hbm>> -> memref<1000000x64xf32, #tpu.memory_space<hbm>>
    tpu.wait_indirect_dma semaphore(%arg13 : memref<!tpu.dma_semaphore, #tpu.memory_space<semaphore_mem>>) src(%dma_wait3A_707 : memref<1000000x64xf32, #tpu.memory_space<hbm>>) dst(%dma_wait3A_701 : memref<128x64xf32, #tpu.memory_space<vmem>>)
    %add3A_708 = arith.constant 25344 : i32
    %add3A_709 = arith.addi %mul3A_2, %add3A_708 : i32
    %dma_start3A_710 = arith.constant 6 : i32
    %dma_start3A_711 = arith.constant 0 : i32
    %dma_start3A_712 = arith.constant 0 : i32
    %dma_start3A_713 = tpu.memref_slice %arg6[%dma_start3A_710, %dma_start3A_711, %dma_start3A_712] : memref<8x128x64xf32, #tpu.memory_space<vmem>> -> memref<1x128x64xf32, #tpu.memory_space<vmem>>
    %dma_start3A_714 = tpu.memref_squeeze %dma_start3A_713 : memref<1x128x64xf32, #tpu.memory_space<vmem>> -> memref<128x64xf32, #tpu.memory_space<vmem>>
    %dma_start3A_715 = arith.constant 0 : i32
    %dma_start3A_716 = tpu.memref_slice %arg4[%add3A_709, %dma_start3A_715] : memref<819200x64xf32, #tpu.memory_space<hbm>> -> memref<128x64xf32, #tpu.memory_space<hbm>>
    %dma_start3A_717 = arith.constant 0 : i32
    %dma_start3A_718 = tpu.memref_slice %arg4[%add3A_709, %dma_start3A_717] : memref<819200x64xf32, #tpu.memory_space<hbm>> -> memref<128x64xf32, #tpu.memory_space<hbm>>
    %dma_start3A_719 = arith.constant 0 : i32
    %dma_start3A_720 = arith.constant 0 : i32
    %dma_start3A_721 = tpu.memref_slice %arg6[%dma_start3A_710, %dma_start3A_719, %dma_start3A_720] : memref<8x128x64xf32, #tpu.memory_space<vmem>> -> memref<1x128x64xf32, #tpu.memory_space<vmem>>
    %dma_start3A_722 = tpu.memref_squeeze %dma_start3A_721 : memref<1x128x64xf32, #tpu.memory_space<vmem>> -> memref<128x64xf32, #tpu.memory_space<vmem>>
    tpu.enqueue_dma source(%dma_start3A_722 : memref<128x64xf32, #tpu.memory_space<vmem>>) target(%dma_start3A_718 : memref<128x64xf32, #tpu.memory_space<hbm>>) target_semaphore(%arg21 : memref<!tpu.dma_semaphore, #tpu.memory_space<semaphore_mem>>)
    %dma_wait3A_723 = arith.constant 199 : i32
    %dma_wait3A_724 = arith.constant 7 : i32
    %dma_wait3A_725 = arith.constant 0 : i32
    %dma_wait3A_726 = arith.constant 0 : i32
    %dma_wait3A_727 = tpu.memref_slice %arg6[%dma_wait3A_724, %dma_wait3A_725, %dma_wait3A_726] : memref<8x128x64xf32, #tpu.memory_space<vmem>> -> memref<1x128x64xf32, #tpu.memory_space<vmem>>
    %dma_wait3A_728 = tpu.memref_squeeze %dma_wait3A_727 : memref<1x128x64xf32, #tpu.memory_space<vmem>> -> memref<128x64xf32, #tpu.memory_space<vmem>>
    %dma_wait3A_729 = arith.constant 0 : i32
    %dma_wait3A_730 = tpu.memref_slice %arg5[%dma_wait3A_723, %dma_wait3A_729] : memref<200x128xi32, #tpu.memory_space<vmem>> -> memref<1x128xi32, #tpu.memory_space<vmem>>
    %dma_wait3A_731 = tpu.memref_squeeze %dma_wait3A_730 : memref<1x128xi32, #tpu.memory_space<vmem>> -> memref<128xi32, #tpu.memory_space<vmem>>
    %dma_wait3A_732 = arith.constant 0 : i32
    %dma_wait3A_733 = arith.constant 0 : i32
    %dma_wait3A_734 = tpu.memref_slice %arg3[%dma_wait3A_732, %dma_wait3A_733] : memref<1000000x64xf32, #tpu.memory_space<hbm>> -> memref<1000000x64xf32, #tpu.memory_space<hbm>>
    tpu.wait_indirect_dma semaphore(%arg14 : memref<!tpu.dma_semaphore, #tpu.memory_space<semaphore_mem>>) src(%dma_wait3A_734 : memref<1000000x64xf32, #tpu.memory_space<hbm>>) dst(%dma_wait3A_728 : memref<128x64xf32, #tpu.memory_space<vmem>>)
    %add3A_735 = arith.constant 25472 : i32
    %add3A_736 = arith.addi %mul3A_2, %add3A_735 : i32
    %dma_start3A_737 = arith.constant 7 : i32
    %dma_start3A_738 = arith.constant 0 : i32
    %dma_start3A_739 = arith.constant 0 : i32
    %dma_start3A_740 = tpu.memref_slice %arg6[%dma_start3A_737, %dma_start3A_738, %dma_start3A_739] : memref<8x128x64xf32, #tpu.memory_space<vmem>> -> memref<1x128x64xf32, #tpu.memory_space<vmem>>
    %dma_start3A_741 = tpu.memref_squeeze %dma_start3A_740 : memref<1x128x64xf32, #tpu.memory_space<vmem>> -> memref<128x64xf32, #tpu.memory_space<vmem>>
    %dma_start3A_742 = arith.constant 0 : i32
    %dma_start3A_743 = tpu.memref_slice %arg4[%add3A_736, %dma_start3A_742] : memref<819200x64xf32, #tpu.memory_space<hbm>> -> memref<128x64xf32, #tpu.memory_space<hbm>>
    %dma_start3A_744 = arith.constant 0 : i32
    %dma_start3A_745 = tpu.memref_slice %arg4[%add3A_736, %dma_start3A_744] : memref<819200x64xf32, #tpu.memory_space<hbm>> -> memref<128x64xf32, #tpu.memory_space<hbm>>
    %dma_start3A_746 = arith.constant 0 : i32
    %dma_start3A_747 = arith.constant 0 : i32
    %dma_start3A_748 = tpu.memref_slice %arg6[%dma_start3A_737, %dma_start3A_746, %dma_start3A_747] : memref<8x128x64xf32, #tpu.memory_space<vmem>> -> memref<1x128x64xf32, #tpu.memory_space<vmem>>
    %dma_start3A_749 = tpu.memref_squeeze %dma_start3A_748 : memref<1x128x64xf32, #tpu.memory_space<vmem>> -> memref<128x64xf32, #tpu.memory_space<vmem>>
    tpu.enqueue_dma source(%dma_start3A_749 : memref<128x64xf32, #tpu.memory_space<vmem>>) target(%dma_start3A_745 : memref<128x64xf32, #tpu.memory_space<hbm>>) target_semaphore(%arg22 : memref<!tpu.dma_semaphore, #tpu.memory_space<semaphore_mem>>)
    %add3A_750 = arith.constant 24576 : i32
    %add3A_751 = arith.addi %mul3A_2, %add3A_750 : i32
    %dma_wait3A_752 = arith.constant 0 : i32
    %dma_wait3A_753 = arith.constant 0 : i32
    %dma_wait3A_754 = arith.constant 0 : i32
    %dma_wait3A_755 = tpu.memref_slice %arg6[%dma_wait3A_752, %dma_wait3A_753, %dma_wait3A_754] : memref<8x128x64xf32, #tpu.memory_space<vmem>> -> memref<1x128x64xf32, #tpu.memory_space<vmem>>
    %dma_wait3A_756 = tpu.memref_squeeze %dma_wait3A_755 : memref<1x128x64xf32, #tpu.memory_space<vmem>> -> memref<128x64xf32, #tpu.memory_space<vmem>>
    %dma_wait3A_757 = arith.constant 0 : i32
    %dma_wait3A_758 = tpu.memref_slice %arg4[%add3A_751, %dma_wait3A_757] : memref<819200x64xf32, #tpu.memory_space<hbm>> -> memref<128x64xf32, #tpu.memory_space<hbm>>
    %dma_wait3A_759 = arith.constant 0 : i32
    %dma_wait3A_760 = tpu.memref_slice %arg4[%add3A_751, %dma_wait3A_759] : memref<819200x64xf32, #tpu.memory_space<hbm>> -> memref<128x64xf32, #tpu.memory_space<hbm>>
    %dma_wait3A_761 = arith.constant 0 : i32
    %dma_wait3A_762 = arith.constant 0 : i32
    %dma_wait3A_763 = tpu.memref_slice %arg6[%dma_wait3A_752, %dma_wait3A_761, %dma_wait3A_762] : memref<8x128x64xf32, #tpu.memory_space<vmem>> -> memref<1x128x64xf32, #tpu.memory_space<vmem>>
    %dma_wait3A_764 = tpu.memref_squeeze %dma_wait3A_763 : memref<1x128x64xf32, #tpu.memory_space<vmem>> -> memref<128x64xf32, #tpu.memory_space<vmem>>
    tpu.wait_dma2 semaphore(%arg15 : memref<!tpu.dma_semaphore, #tpu.memory_space<semaphore_mem>>) src(%dma_wait3A_764 : memref<128x64xf32, #tpu.memory_space<vmem>>) dst(%dma_wait3A_760 : memref<128x64xf32, #tpu.memory_space<hbm>>)
    %add3A_765 = arith.constant 24704 : i32
    %add3A_766 = arith.addi %mul3A_2, %add3A_765 : i32
    %dma_wait3A_767 = arith.constant 1 : i32
    %dma_wait3A_768 = arith.constant 0 : i32
    %dma_wait3A_769 = arith.constant 0 : i32
    %dma_wait3A_770 = tpu.memref_slice %arg6[%dma_wait3A_767, %dma_wait3A_768, %dma_wait3A_769] : memref<8x128x64xf32, #tpu.memory_space<vmem>> -> memref<1x128x64xf32, #tpu.memory_space<vmem>>
    %dma_wait3A_771 = tpu.memref_squeeze %dma_wait3A_770 : memref<1x128x64xf32, #tpu.memory_space<vmem>> -> memref<128x64xf32, #tpu.memory_space<vmem>>
    %dma_wait3A_772 = arith.constant 0 : i32
    %dma_wait3A_773 = tpu.memref_slice %arg4[%add3A_766, %dma_wait3A_772] : memref<819200x64xf32, #tpu.memory_space<hbm>> -> memref<128x64xf32, #tpu.memory_space<hbm>>
    %dma_wait3A_774 = arith.constant 0 : i32
    %dma_wait3A_775 = tpu.memref_slice %arg4[%add3A_766, %dma_wait3A_774] : memref<819200x64xf32, #tpu.memory_space<hbm>> -> memref<128x64xf32, #tpu.memory_space<hbm>>
    %dma_wait3A_776 = arith.constant 0 : i32
    %dma_wait3A_777 = arith.constant 0 : i32
    %dma_wait3A_778 = tpu.memref_slice %arg6[%dma_wait3A_767, %dma_wait3A_776, %dma_wait3A_777] : memref<8x128x64xf32, #tpu.memory_space<vmem>> -> memref<1x128x64xf32, #tpu.memory_space<vmem>>
    %dma_wait3A_779 = tpu.memref_squeeze %dma_wait3A_778 : memref<1x128x64xf32, #tpu.memory_space<vmem>> -> memref<128x64xf32, #tpu.memory_space<vmem>>
    tpu.wait_dma2 semaphore(%arg16 : memref<!tpu.dma_semaphore, #tpu.memory_space<semaphore_mem>>) src(%dma_wait3A_779 : memref<128x64xf32, #tpu.memory_space<vmem>>) dst(%dma_wait3A_775 : memref<128x64xf32, #tpu.memory_space<hbm>>)
    %add3A_780 = arith.constant 24832 : i32
    %add3A_781 = arith.addi %mul3A_2, %add3A_780 : i32
    %dma_wait3A_782 = arith.constant 2 : i32
    %dma_wait3A_783 = arith.constant 0 : i32
    %dma_wait3A_784 = arith.constant 0 : i32
    %dma_wait3A_785 = tpu.memref_slice %arg6[%dma_wait3A_782, %dma_wait3A_783, %dma_wait3A_784] : memref<8x128x64xf32, #tpu.memory_space<vmem>> -> memref<1x128x64xf32, #tpu.memory_space<vmem>>
    %dma_wait3A_786 = tpu.memref_squeeze %dma_wait3A_785 : memref<1x128x64xf32, #tpu.memory_space<vmem>> -> memref<128x64xf32, #tpu.memory_space<vmem>>
    %dma_wait3A_787 = arith.constant 0 : i32
    %dma_wait3A_788 = tpu.memref_slice %arg4[%add3A_781, %dma_wait3A_787] : memref<819200x64xf32, #tpu.memory_space<hbm>> -> memref<128x64xf32, #tpu.memory_space<hbm>>
    %dma_wait3A_789 = arith.constant 0 : i32
    %dma_wait3A_790 = tpu.memref_slice %arg4[%add3A_781, %dma_wait3A_789] : memref<819200x64xf32, #tpu.memory_space<hbm>> -> memref<128x64xf32, #tpu.memory_space<hbm>>
    %dma_wait3A_791 = arith.constant 0 : i32
    %dma_wait3A_792 = arith.constant 0 : i32
    %dma_wait3A_793 = tpu.memref_slice %arg6[%dma_wait3A_782, %dma_wait3A_791, %dma_wait3A_792] : memref<8x128x64xf32, #tpu.memory_space<vmem>> -> memref<1x128x64xf32, #tpu.memory_space<vmem>>
    %dma_wait3A_794 = tpu.memref_squeeze %dma_wait3A_793 : memref<1x128x64xf32, #tpu.memory_space<vmem>> -> memref<128x64xf32, #tpu.memory_space<vmem>>
    tpu.wait_dma2 semaphore(%arg17 : memref<!tpu.dma_semaphore, #tpu.memory_space<semaphore_mem>>) src(%dma_wait3A_794 : memref<128x64xf32, #tpu.memory_space<vmem>>) dst(%dma_wait3A_790 : memref<128x64xf32, #tpu.memory_space<hbm>>)
    %add3A_795 = arith.constant 24960 : i32
    %add3A_796 = arith.addi %mul3A_2, %add3A_795 : i32
    %dma_wait3A_797 = arith.constant 3 : i32
    %dma_wait3A_798 = arith.constant 0 : i32
    %dma_wait3A_799 = arith.constant 0 : i32
    %dma_wait3A_800 = tpu.memref_slice %arg6[%dma_wait3A_797, %dma_wait3A_798, %dma_wait3A_799] : memref<8x128x64xf32, #tpu.memory_space<vmem>> -> memref<1x128x64xf32, #tpu.memory_space<vmem>>
    %dma_wait3A_801 = tpu.memref_squeeze %dma_wait3A_800 : memref<1x128x64xf32, #tpu.memory_space<vmem>> -> memref<128x64xf32, #tpu.memory_space<vmem>>
    %dma_wait3A_802 = arith.constant 0 : i32
    %dma_wait3A_803 = tpu.memref_slice %arg4[%add3A_796, %dma_wait3A_802] : memref<819200x64xf32, #tpu.memory_space<hbm>> -> memref<128x64xf32, #tpu.memory_space<hbm>>
    %dma_wait3A_804 = arith.constant 0 : i32
    %dma_wait3A_805 = tpu.memref_slice %arg4[%add3A_796, %dma_wait3A_804] : memref<819200x64xf32, #tpu.memory_space<hbm>> -> memref<128x64xf32, #tpu.memory_space<hbm>>
    %dma_wait3A_806 = arith.constant 0 : i32
    %dma_wait3A_807 = arith.constant 0 : i32
    %dma_wait3A_808 = tpu.memref_slice %arg6[%dma_wait3A_797, %dma_wait3A_806, %dma_wait3A_807] : memref<8x128x64xf32, #tpu.memory_space<vmem>> -> memref<1x128x64xf32, #tpu.memory_space<vmem>>
    %dma_wait3A_809 = tpu.memref_squeeze %dma_wait3A_808 : memref<1x128x64xf32, #tpu.memory_space<vmem>> -> memref<128x64xf32, #tpu.memory_space<vmem>>
    tpu.wait_dma2 semaphore(%arg18 : memref<!tpu.dma_semaphore, #tpu.memory_space<semaphore_mem>>) src(%dma_wait3A_809 : memref<128x64xf32, #tpu.memory_space<vmem>>) dst(%dma_wait3A_805 : memref<128x64xf32, #tpu.memory_space<hbm>>)
    %add3A_810 = arith.constant 25088 : i32
    %add3A_811 = arith.addi %mul3A_2, %add3A_810 : i32
    %dma_wait3A_812 = arith.constant 4 : i32
    %dma_wait3A_813 = arith.constant 0 : i32
    %dma_wait3A_814 = arith.constant 0 : i32
    %dma_wait3A_815 = tpu.memref_slice %arg6[%dma_wait3A_812, %dma_wait3A_813, %dma_wait3A_814] : memref<8x128x64xf32, #tpu.memory_space<vmem>> -> memref<1x128x64xf32, #tpu.memory_space<vmem>>
    %dma_wait3A_816 = tpu.memref_squeeze %dma_wait3A_815 : memref<1x128x64xf32, #tpu.memory_space<vmem>> -> memref<128x64xf32, #tpu.memory_space<vmem>>
    %dma_wait3A_817 = arith.constant 0 : i32
    %dma_wait3A_818 = tpu.memref_slice %arg4[%add3A_811, %dma_wait3A_817] : memref<819200x64xf32, #tpu.memory_space<hbm>> -> memref<128x64xf32, #tpu.memory_space<hbm>>
    %dma_wait3A_819 = arith.constant 0 : i32
    %dma_wait3A_820 = tpu.memref_slice %arg4[%add3A_811, %dma_wait3A_819] : memref<819200x64xf32, #tpu.memory_space<hbm>> -> memref<128x64xf32, #tpu.memory_space<hbm>>
    %dma_wait3A_821 = arith.constant 0 : i32
    %dma_wait3A_822 = arith.constant 0 : i32
    %dma_wait3A_823 = tpu.memref_slice %arg6[%dma_wait3A_812, %dma_wait3A_821, %dma_wait3A_822] : memref<8x128x64xf32, #tpu.memory_space<vmem>> -> memref<1x128x64xf32, #tpu.memory_space<vmem>>
    %dma_wait3A_824 = tpu.memref_squeeze %dma_wait3A_823 : memref<1x128x64xf32, #tpu.memory_space<vmem>> -> memref<128x64xf32, #tpu.memory_space<vmem>>
    tpu.wait_dma2 semaphore(%arg19 : memref<!tpu.dma_semaphore, #tpu.memory_space<semaphore_mem>>) src(%dma_wait3A_824 : memref<128x64xf32, #tpu.memory_space<vmem>>) dst(%dma_wait3A_820 : memref<128x64xf32, #tpu.memory_space<hbm>>)
    %add3A_825 = arith.constant 25216 : i32
    %add3A_826 = arith.addi %mul3A_2, %add3A_825 : i32
    %dma_wait3A_827 = arith.constant 5 : i32
    %dma_wait3A_828 = arith.constant 0 : i32
    %dma_wait3A_829 = arith.constant 0 : i32
    %dma_wait3A_830 = tpu.memref_slice %arg6[%dma_wait3A_827, %dma_wait3A_828, %dma_wait3A_829] : memref<8x128x64xf32, #tpu.memory_space<vmem>> -> memref<1x128x64xf32, #tpu.memory_space<vmem>>
    %dma_wait3A_831 = tpu.memref_squeeze %dma_wait3A_830 : memref<1x128x64xf32, #tpu.memory_space<vmem>> -> memref<128x64xf32, #tpu.memory_space<vmem>>
    %dma_wait3A_832 = arith.constant 0 : i32
    %dma_wait3A_833 = tpu.memref_slice %arg4[%add3A_826, %dma_wait3A_832] : memref<819200x64xf32, #tpu.memory_space<hbm>> -> memref<128x64xf32, #tpu.memory_space<hbm>>
    %dma_wait3A_834 = arith.constant 0 : i32
    %dma_wait3A_835 = tpu.memref_slice %arg4[%add3A_826, %dma_wait3A_834] : memref<819200x64xf32, #tpu.memory_space<hbm>> -> memref<128x64xf32, #tpu.memory_space<hbm>>
    %dma_wait3A_836 = arith.constant 0 : i32
    %dma_wait3A_837 = arith.constant 0 : i32
    %dma_wait3A_838 = tpu.memref_slice %arg6[%dma_wait3A_827, %dma_wait3A_836, %dma_wait3A_837] : memref<8x128x64xf32, #tpu.memory_space<vmem>> -> memref<1x128x64xf32, #tpu.memory_space<vmem>>
    %dma_wait3A_839 = tpu.memref_squeeze %dma_wait3A_838 : memref<1x128x64xf32, #tpu.memory_space<vmem>> -> memref<128x64xf32, #tpu.memory_space<vmem>>
    tpu.wait_dma2 semaphore(%arg20 : memref<!tpu.dma_semaphore, #tpu.memory_space<semaphore_mem>>) src(%dma_wait3A_839 : memref<128x64xf32, #tpu.memory_space<vmem>>) dst(%dma_wait3A_835 : memref<128x64xf32, #tpu.memory_space<hbm>>)
    %add3A_840 = arith.constant 25344 : i32
    %add3A_841 = arith.addi %mul3A_2, %add3A_840 : i32
    %dma_wait3A_842 = arith.constant 6 : i32
    %dma_wait3A_843 = arith.constant 0 : i32
    %dma_wait3A_844 = arith.constant 0 : i32
    %dma_wait3A_845 = tpu.memref_slice %arg6[%dma_wait3A_842, %dma_wait3A_843, %dma_wait3A_844] : memref<8x128x64xf32, #tpu.memory_space<vmem>> -> memref<1x128x64xf32, #tpu.memory_space<vmem>>
    %dma_wait3A_846 = tpu.memref_squeeze %dma_wait3A_845 : memref<1x128x64xf32, #tpu.memory_space<vmem>> -> memref<128x64xf32, #tpu.memory_space<vmem>>
    %dma_wait3A_847 = arith.constant 0 : i32
    %dma_wait3A_848 = tpu.memref_slice %arg4[%add3A_841, %dma_wait3A_847] : memref<819200x64xf32, #tpu.memory_space<hbm>> -> memref<128x64xf32, #tpu.memory_space<hbm>>
    %dma_wait3A_849 = arith.constant 0 : i32
    %dma_wait3A_850 = tpu.memref_slice %arg4[%add3A_841, %dma_wait3A_849] : memref<819200x64xf32, #tpu.memory_space<hbm>> -> memref<128x64xf32, #tpu.memory_space<hbm>>
    %dma_wait3A_851 = arith.constant 0 : i32
    %dma_wait3A_852 = arith.constant 0 : i32
    %dma_wait3A_853 = tpu.memref_slice %arg6[%dma_wait3A_842, %dma_wait3A_851, %dma_wait3A_852] : memref<8x128x64xf32, #tpu.memory_space<vmem>> -> memref<1x128x64xf32, #tpu.memory_space<vmem>>
    %dma_wait3A_854 = tpu.memref_squeeze %dma_wait3A_853 : memref<1x128x64xf32, #tpu.memory_space<vmem>> -> memref<128x64xf32, #tpu.memory_space<vmem>>
    tpu.wait_dma2 semaphore(%arg21 : memref<!tpu.dma_semaphore, #tpu.memory_space<semaphore_mem>>) src(%dma_wait3A_854 : memref<128x64xf32, #tpu.memory_space<vmem>>) dst(%dma_wait3A_850 : memref<128x64xf32, #tpu.memory_space<hbm>>)
    %add3A_855 = arith.constant 25472 : i32
    %add3A_856 = arith.addi %mul3A_2, %add3A_855 : i32
    %dma_wait3A_857 = arith.constant 7 : i32
    %dma_wait3A_858 = arith.constant 0 : i32
    %dma_wait3A_859 = arith.constant 0 : i32
    %dma_wait3A_860 = tpu.memref_slice %arg6[%dma_wait3A_857, %dma_wait3A_858, %dma_wait3A_859] : memref<8x128x64xf32, #tpu.memory_space<vmem>> -> memref<1x128x64xf32, #tpu.memory_space<vmem>>
    %dma_wait3A_861 = tpu.memref_squeeze %dma_wait3A_860 : memref<1x128x64xf32, #tpu.memory_space<vmem>> -> memref<128x64xf32, #tpu.memory_space<vmem>>
    %dma_wait3A_862 = arith.constant 0 : i32
    %dma_wait3A_863 = tpu.memref_slice %arg4[%add3A_856, %dma_wait3A_862] : memref<819200x64xf32, #tpu.memory_space<hbm>> -> memref<128x64xf32, #tpu.memory_space<hbm>>
    %dma_wait3A_864 = arith.constant 0 : i32
    %dma_wait3A_865 = tpu.memref_slice %arg4[%add3A_856, %dma_wait3A_864] : memref<819200x64xf32, #tpu.memory_space<hbm>> -> memref<128x64xf32, #tpu.memory_space<hbm>>
    %dma_wait3A_866 = arith.constant 0 : i32
    %dma_wait3A_867 = arith.constant 0 : i32
    %dma_wait3A_868 = tpu.memref_slice %arg6[%dma_wait3A_857, %dma_wait3A_866, %dma_wait3A_867] : memref<8x128x64xf32, #tpu.memory_space<vmem>> -> memref<1x128x64xf32, #tpu.memory_space<vmem>>
    %dma_wait3A_869 = tpu.memref_squeeze %dma_wait3A_868 : memref<1x128x64xf32, #tpu.memory_space<vmem>> -> memref<128x64xf32, #tpu.memory_space<vmem>>
    tpu.wait_dma2 semaphore(%arg22 : memref<!tpu.dma_semaphore, #tpu.memory_space<semaphore_mem>>) src(%dma_wait3A_869 : memref<128x64xf32, #tpu.memory_space<vmem>>) dst(%dma_wait3A_865 : memref<128x64xf32, #tpu.memory_space<hbm>>)
    return
  }
}

</mosaic_0001>

<sc_bundles>
// kernel: kernel.3.cloned.1.call-start
scs
__scs_entry_jumppad:
0x0: {  	(pc) =	sbr.rel $0x88, $3  }
0x1: {  	(tag) =	ssettag $0x0;
	lr =	simm.s32 $0x1  }
0x2: {  	[smem:$0x3F9F] =	sst lr;
	_ =	strace $0xD0000000  }
0x3: {  	_ = 	snop  }
0x4: {  	_ = 	snop  }
0x5: {  	_ = 	snop  }
0x6: {  	_ = 	snop  }
0x7: {  	_ = 	snop  }
__scs_overlays_trampoline_lowered:
0x8: {  	[smem:$0x3FAE] =	sst s0  }
0x9: {  	[smem:$0x3FAF] =	sst s1  }
0xa: {  	[smem:$0x3FB0] =	sst s2  }
0xb: {  	[smem:$0x3FB1] =	sst s3  }
0xc: {  	[smem:$0x3FB2] =	sst s4  }
0xd: {  	[smem:$0x3FB3] =	sst s5  }
0xe: {  	[smem:$0x3FB4] =	sst s6  }
0xf: {  	[smem:$0x3FB5] =	sst s7  }
0x10: {  	[smem:$0x3FB6] =	sst s8  }
0x11: {  	[smem:$0x3FB7] =	sst s9;
	s0 =	simm.s32 @!p0 $0x0  }
0x12: {  	s1 =	sld [smem:$0x3F9D];
	s0 =	simm.s32 @p0 $0x1  }
0x13: {  	[smem:$0x3FB8] =	sst s0;
	s0 =	simm.s32 @!p1 $0x0  }
0x14: {  	s2 =	sld [smem:$0x3F9C];
	s0 =	simm.s32 @p1 $0x1  }
0x15: {  	[smem:$0x3FB9] =	sst s0;
	s0 =	simm.s32 @!p2 $0x0  }
0x16: {  	s3 =	sld [smem:$0x3FDB];
	s0 =	simm.s32 @p2 $0x1  }
0x17: {  	s4 =	simm.s32 $0x1BF5;
	[smem:$0x3FBB] =	sst s0  }
0x18: {  	s0 =	sld [smem:$0x3F9E];
	_ =	swait.ge [sflag:s4], $0x0  }
0x19: {  	s7 =	sld [smem:$0x3F9F]  }
0x1a: {  	s8 =	sadd.s32 $0xFFFFE003, lr  }
0x1b: {  	s9 =	sadd.s32 $0xFFFFFEF7, lr;
	s5 =	simm.s32 $0xFFFFFFFF;
	p2 =	slt.u32 s8, $0xFFFFF086  }
0x1c: {  	p1 =	slt.u32 s9, $0xF7A;
	s5 =	simm.s32 @!p2 $0x0  }
0x1d: {  	s5 =	simm.s32 @p1 $0x1;
	p0 =	seq.s32 s7, s2  }
0x1e: {  	s7 =	smul.u32 @!p0 $0xF7A, s2;
	p2 =	seq.s32 @!p0 s5, $0x0  }
0x1f: {  	s9 =	smul.u32 $0xF7A, s1;
	s8 =	simm.s32 @!p0 $0x1BF5;
	p2 =	por !p2, p0  }
0x20: {  	[sflag:s8] =	ssyncset.s32 @!p0 $0xFFFFF086;
	s6 =	sadd.s32 @!p0 s3, s7;
	s7 =	simm.s32 @!p0 $0x108  }
0x21: {  	s3 =	sadd.s32 s3, s9;
	s6 =	sadd.s32 @!p0 $0x88, s6;
	s7 =	simm.s32 @p2 $0x1082  }
0x22: {  	[simem:s7], [sflag:s8] =	dma.local @!p0 [hbm:s6], $0xF7A  }
0x23: {  	s9 =	sor.u32 $0xD0000000, s2;
	s6 =	simm.s32 $0x108;
	_ =	swait.ge @!p0 [sflag:s8], $0x0  }
0x24: {  	s3 =	sadd.s32 $0x88, s3;
	s6 =	simm.s32 @!p1 $0x1082;
	[sflag:s4] =	ssyncset.s32 $0xFFFFF086  }
0x25: {  	[simem:s6], [sflag:s4] =	dma.local [hbm:s3], $0xF7A  }
0x26: {  	[smem:$0x3F9F] =	sst s1;
	(tag) =	ssettag s2;
	_ =	strace s9  }
0x27: {  	s1 =	sld [smem:$0x3FAF]  }
0x28: {  	s2 =	sld [smem:$0x3FB0]  }
0x29: {  	s4 =	sld [smem:$0x3FB2]  }
0x2a: {  	p0 =	seq.s32 s5, $0x0;
	s5 =	sld [smem:$0x3FB3]  }
0x2b: {  	s6 =	sld [smem:$0x3FB4]  }
0x2c: {  	s7 =	sld [smem:$0x3FB5]  }
0x2d: {  	s3 =	simm.s32 $0x108;
	s8 =	sld [smem:$0x3FB6]  }
0x2e: {  	s3 =	simm.s32 @!p0 $0x1082;
	s9 =	sld [smem:$0x3FB7]  }
0x2f: {  	lr =	sadd.s32 s0, s3;
	s0 =	sld [smem:$0x3FAE]  }
0x30: {  	s3 =	sld [smem:$0x3FB1]  }
0x31: {  	[smem:$0x3FBA] =	sst s10  }
0x32: {  	s10 =	sld [smem:$0x3FB8];
	_ =	sdelay $0x3  }
0x33: {  	p0 =	seq.s32 s10, $0x1;
	s10 =	sld [smem:$0x3FBA];
	_ =	sdelay $0x3  }
0x34: {  	[smem:$0x3FBA] =	sst s10  }
0x35: {  	s10 =	sld [smem:$0x3FB9];
	_ =	sdelay $0x3  }
0x36: {  	p1 =	seq.s32 s10, $0x1;
	s10 =	sld [smem:$0x3FBA];
	_ =	sdelay $0x3  }
0x37: {  	[smem:$0x3FBA] =	sst s10  }
0x38: {  	s10 =	sld [smem:$0x3FBB]  }
0x39: {  	_ = 	snop;
	(pc) =	sbr.ind lr, $3  }
0x3a: {  	_ = 	snop  }
0x3b: {  	_ = 	snop  }
0x3c: {  	p2 =	seq.s32 s10, $0x1;
	s10 =	sld [smem:$0x3FBA]  }
0x3d: {  	_ =	shalt  }
0x3e: {  	_ =	shalt  }
0x3f: {  	_ =	shalt  }
0x40: {  	_ =	shalt  }
0x41: {  	_ =	shalt  }
0x42: {  	_ =	shalt  }
0x43: {  	_ =	shalt  }
0x44: {  	_ =	shalt  }
0x45: {  	_ =	shalt  }
0x46: {  	_ =	shalt  }
0x47: {  	_ =	shalt  }
0x48: {  	_ =	shalt  }
0x49: {  	_ =	shalt  }
0x4a: {  	_ =	shalt  }
0x4b: {  	_ =	shalt  }
0x4c: {  	_ =	shalt  }
0x4d: {  	_ =	shalt  }
0x4e: {  	_ =	shalt  }
0x4f: {  	_ =	shalt  }
0x50: {  	_ =	shalt  }
0x51: {  	_ =	shalt  }
0x52: {  	_ =	shalt  }
0x53: {  	_ =	shalt  }
0x54: {  	_ =	shalt  }
0x55: {  	_ =	shalt  }
0x56: {  	_ =	shalt  }
0x57: {  	_ =	shalt  }
0x58: {  	_ =	shalt  }
0x59: {  	_ =	shalt  }
0x5a: {  	_ =	shalt  }
0x5b: {  	_ =	shalt  }
0x5c: {  	_ =	shalt  }
0x5d: {  	_ =	shalt  }
0x5e: {  	_ =	shalt  }
0x5f: {  	_ =	shalt  }
0x60: {  	_ =	shalt  }
0x61: {  	_ =	shalt  }
0x62: {  	_ =	shalt  }
0x63: {  	_ =	shalt  }
0x64: {  	_ =	shalt  }
0x65: {  	_ =	shalt  }
0x66: {  	_ =	shalt  }
0x67: {  	_ =	shalt  }
0x68: {  	_ =	shalt  }
0x69: {  	_ =	shalt  }
0x6a: {  	_ =	shalt  }
0x6b: {  	_ =	shalt  }
0x6c: {  	_ =	shalt  }
0x6d: {  	_ =	shalt  }
0x6e: {  	_ =	shalt  }
0x6f: {  	_ =	shalt  }
0x70: {  	_ =	shalt  }
0x71: {  	_ =	shalt  }
0x72: {  	_ =	shalt  }
0x73: {  	_ =	shalt  }
0x74: {  	_ =	shalt  }
0x75: {  	_ =	shalt  }
0x76: {  	_ =	shalt  }
0x77: {  	_ =	shalt  }
0x78: {  	_ =	shalt  }
0x79: {  	_ =	shalt  }
0x7a: {  	_ =	shalt  }
0x7b: {  	_ =	shalt  }
0x7c: {  	_ =	shalt  }
0x7d: {  	_ =	shalt  }
0x7e: {  	_ =	shalt  }
0x7f: {  	_ =	shalt  }
0x80: {  	_ =	shalt  }
0x81: {  	_ =	shalt  }
0x82: {  	_ =	shalt  }
0x83: {  	_ =	shalt  }
0x84: {  	_ =	shalt  }
0x85: {  	_ =	shalt  }
0x86: {  	_ =	shalt  }
0x87: {  	_ =	shalt  }
.Lfunc_end0:
.L_simem_size_0:
called_computation.1_lowered:
.L_overlay_start_0:
0x88: {  	s2 =	sld [smem:$0x3FD9]  }
0x89: {  	s3 =	sld [smem:$0x3FFE];
	_ =	sdelay $0x1  }
0x8a: {  	s1 =	srdreg.scid  }
0x8b: {  	s0 =	sand.u32 $0x1, s1  }
0x8c: {  	s17 =	sshll.u32 s0, $0xA;
	s2 =	sadd.s32 s3, s2  }
0x8d: {  	s2 =	sadd.s32 s2, s17  }
0x8e: {  	[smem:$0x3FC6] =	sst s2  }
0x8f: {  	_ = 	snop  }
0x90: {  	s2 =	sld [smem:$0x3FD0];
	(tm) =	ssettm $0x1  }
0x91: {  	s18 =	sld [smem:$0x3FFB];
	_ =	sdelay $0x3  }
0x92: {  	_ =	strace s18  }
0x93: {  	s3 =	sld [smem:$0x3FFC];
	_ =	sdelay $0x3  }
0x94: {  	_ =	strace s3  }
0x95: {  	s3 =	sld [smem:$0x3FFD];
	_ =	sdelay $0x3  }
0x96: {  	_ =	strace s3  }
0x97: {  	_ =	strace $0x8FFFFFFF  }
0x98: {  	s19 =	sld [smem:$0x3FDB];
	_ =	sdelay $0x1  }
0x99: {  	s4 =	simm.s32 $_scs_section_size  }
0x9a: {  	s5 =	simm.s32 $_size__tile_overlayer_lowered;
	s6 =	simm.s32 $_tile_overlayer_lowered  }
0x9b: {  	s22 =	simm.s32 $0x1BFF;
	s21 =	sshll.u32 s6, $0x1;
	s3 =	sadd.s32 s4, s19  }
0x9c: {  	s7 =	simm.s32 $0x0;
	s20 =	sshll.u32 s5, $0x1;
	s5 =	sadd.s32 s21, s3  }
0x9d: {  	[timem:s7], [sflag:s22] =	dma.local [hbm:s5], s20  }
0x9e: {  	_ =	swait.ge [sflag:s22], s20  }
0x9f: {  	s4 =	ssub.s32 $0x0, s20;
	[sflag:s22] =	ssyncset.done $0x0  }
0xa0: {  	[sflag:s22] =	ssyncadd.s32 s4;
	_ =	sdelay $0x1  }
0xa1: {  	s23 =	simm.s32 $0x1B8B  }
0xa2: {  	_ =	swait.ge [sflag:s23], $0x1  }
0xa3: {  	[sflag:s23] =	ssyncset.done $0x0  }
0xa4: {  	s25 =	simm.s32 $0x1B8E;
	s24 =	sld [smem:$0x3FFE];
	[sflag:s23] =	ssyncadd.s32 $0xFFFFFFFF  }
0xa5: {  	s26 =	simm.s32 $execute0_lowered;
	[smem:$0x3FD2] =	sst s25  }
0xa6: {  	s5 =	sshll.u32 s26, $0x1;
	_ =	strace $0x80000046;
	[dreg:$0x1] =	wrdreg $0xFFFFFFFF  }
0xa7: {  	s28 =	simm.s32 $_size_execute0_lowered;
	s3 =	sadd.s32 s3, s5;
	[dreg:$0x0] =	wrdreg $0x0  }
0xa8: {  	s5 =	sshll.u32 s28, $0x1;
	[dreg:$0x2] =	wrdreg s3  }
0xa9: {  	[dreg:$0x3] =	wrdreg s5  }
0xaa: {  	[dreg:$0x4] =	wrdreg $0xC0  }
0xab: {  	_ =	task [dreg:s7], $0x5FFFF  }
0xac: {  	[dreg:$0x1] =	wrdreg $0xFFFFFFFF  }
0xad: {  	[dreg:$0x0] =	wrdreg $0x60  }
0xae: {  	[dreg:$0x2] =	wrdreg s2  }
0xaf: {  	[dreg:$0x3] =	wrdreg s24  }
0xb0: {  	[dreg:$0x4] =	wrdreg $0x9  }
0xb1: {  	_ =	task.clear_ibuf [dreg:s7], $0x5FFFF;
	_ =	strace $0x90000046  }
0xb2: {  	s29 =	simm.s32 $0x9;
	_ =	strace $0x80000048  }
0xb3: {  	_ =	swait.ge [sflag:s29], $0x1  }
0xb4: {  	[sflag:s29] =	ssyncadd.s32 $0xFFFFFFFF  }
0xb5: {  	_ =	strace $0x90000048  }
0xb6: {  	_ =	sfence  }
0xb7: {  	s30 =	sld [smem:$0x0];
	_ =	sdelay $0x2  }
0xb8: {  	s31 =	sshll.u32 s1, $0xD;
	s1 =	sshrl.u32 s1, $0x2  }
0xb9: {  	s3 =	sand.u32 $0x4000, s31;
	s1 =	sadd.s32 s1, s30  }
0xba: {  	s0 =	sor.u32 s3, s0;
	s1 =	sshll.u32 s1, $0x11  }
0xbb: {  	s0 =	sor.u32 s1, s0  }
0xbc: {  	s0 =	sadd.s32 $0x8F2B, s0  }
0xbd: {  	[sflag:s0] =	ssyncadd.remote.s32 $0x1  }
0xbe: {  	_ =	sfence.sel $0xFFFF  }
0xbf: {  	[dreg:$0x0] =	wrdreg $0xFFFFFFFF;
	(pc) =	sbr.abs _section_cstart, $3  }
0xc0: {  	[dreg:$0x1] =	wrdreg $0xFFFFFFFF  }
0xc1: {  	_ =	task.clear_ibuf [dreg:s7], $0x2FFFF;
	_ =	strace $0x9FFFFFFF  }
0xc2: {  	(tm) =	ssettm $0x7FFFFFFF  }
0xc3: {  	_ =	shalt  }
tec
execute0_lowered:
.L_overlay_start_1:
0x0: {  	(tag) =	ssettag $0x1  }
0x1: {  	s0 =	rddreg [dreg:$0x0]  }
0x2: {  	s1 =	rddreg [dreg:$0x1]  }
0x3: {  	s3 =	srdreg.scid;
	s10 =	stileid.u32  }
0x4: {  	s2 =	simm.s32 $0x0;
	s4 =	sand.u32 $0x1, s3;
	s24 =	sshll.u32 s10, $0x1  }
0x5: {  	[smem:$0x7FF] =	sst s2;
	s5 =	sor.u32 s4, s24  }
0x6: {  	s3 =	sadd.s32 $0xF42E00, s1;
	s6 =	ssub.s32 $0x2, s4;
	s9 =	smul.u32 $0x32000, s5  }
0x7: {  	s28 =	sadd.s32 $0xA00, s1;
	s7 =	smul.u32 $0x6400, s5;
	s8 =	sshrl.u32 s6, $0x1  }
0x8: {  	_ =	strace $0x80000047;
	s1 =	ssub.s32 s6, s8;
	s26 =	sadd.s32 s28, s9  }
0x9: {  	s25 =	sshrl.u32 s7, $0x3;
	s1 =	smax.u32 s1, $0x1;
	[dreg:$0xb] =	wrdreg s26  }
0xa: {  	s0 =	sadd.s32 s0, s25;
	[dreg:$0x1b] =	wrdreg s1  }
0xb: {  	s30 =	sadd.s32 $0x400, s26;
	[dreg:$0xa] =	wrdreg s0  }
0xc: {  	s18 =	smul.u32 $0x320000, s10;
	s31 =	sadd.s32 $0x800, s26;
	[dreg:$0xc] =	wrdreg s30  }
0xd: {  	s12 =	smul.u32 $0x6400, s4;
	s6 =	sadd.s32 $0xC00, s26;
	[dreg:$0xd] =	wrdreg s31  }
0xe: {  	s4 =	smul.u32 $0x190000, s4;
	s8 =	sadd.s32 $0x1000, s26;
	[dreg:$0xe] =	wrdreg s6  }
0xf: {  	s29 =	smul.u32 $0x190000, s5;
	s11 =	sadd.s32 $0x1400, s26;
	[dreg:$0xf] =	wrdreg s8  }
0x10: {  	s4 =	sadd.s32 s4, s18;
	s13 =	sadd.s32 $0x1800, s26;
	[dreg:$0x10] =	wrdreg s11  }
0x11: {  	s7 =	sadd.s32 $0x1C00, s26;
	s0 =	sshrl.u32 s29, $0x3;
	[dreg:$0x11] =	wrdreg s13  }
0x12: {  	[dreg:$0x12] =	wrdreg s7;
	s30 =	sadd.s32 $0x10000, s4;
	s0 =	sadd.s32 s28, s0  }
0x13: {  	[dreg:$0x1c] =	wrdreg s30;
	s14 =	sadd.s32 $0x30000, s0  }
0x14: {  	s15 =	sadd.s32 $0x30400, s0;
	[dreg:$0x13] =	wrdreg s14  }
0x15: {  	s9 =	smul.u32 $0xC800, s10;
	s16 =	sadd.s32 $0x30800, s0;
	[dreg:$0x14] =	wrdreg s15  }
0x16: {  	s17 =	sadd.s32 $0x30C00, s0;
	[dreg:$0x15] =	wrdreg s16  }
0x17: {  	s5 =	sadd.s32 s12, s9;
	s19 =	sadd.s32 $0x31000, s0;
	[dreg:$0x16] =	wrdreg s17  }
0x18: {  	s5 =	sshll.u32 s5, $0x3;
	s21 =	sadd.s32 $0x31400, s0;
	[dreg:$0x17] =	wrdreg s19  }
0x19: {  	s20 =	sadd.s32 $0x2C00, s5;
	[dreg:$0x18] =	wrdreg s21  }
0x1a: {  	s22 =	sadd.s32 $0x2800, s5;
	[dreg:$0x3] =	wrdreg s20  }
0x1b: {  	s24 =	sadd.s32 $0x31800, s0;
	[dreg:$0x4] =	wrdreg s22  }
0x1c: {  	s23 =	sadd.s32 $0x2400, s5;
	[dreg:$0x19] =	wrdreg s24  }
0x1d: {  	s18 =	simm.s32 $0x8;
	s0 =	sadd.s32 $0x31C00, s0;
	[dreg:$0x5] =	wrdreg s23  }
0x1e: {  	s10 =	simm.s32 $0x4;
	s25 =	sadd.s32 $0x3C00, s5;
	[dreg:$0x1a] =	wrdreg s0  }
0x1f: {  	s8 =	simm.s32 $0x3;
	s26 =	sadd.s32 $0x3800, s5;
	[dreg:$0x6] =	wrdreg s25  }
0x20: {  	s11 =	simm.s32 $0x9;
	s29 =	sadd.s32 $0x3400, s5;
	[dreg:$0x7] =	wrdreg s26  }
0x21: {  	s12 =	simm.s32 $0x5;
	s31 =	sadd.s32 $0x3000, s5;
	[dreg:$0x8] =	wrdreg s29  }
0x22: {  	s13 =	simm.s32 $0xA;
	[dreg:$0x9] =	wrdreg s31;
	s25 =	simm.s32 $0x80  }
0x23: {  	s14 =	simm.s32 $0x6;
	s15 =	simm.s32 $0xB;
	s16 =	simm.s32 $0x7  }
0x24: {  	s17 =	simm.s32 $0xC;
	s19 =	simm.s32 $0xD;
	s20 =	simm.s32 $0xE  }
0x25: {  	s21 =	simm.s32 $0xF;
	s22 =	simm.s32 $0x10;
	s0 =	simm.s32 $0x0  }
.LBB2_1:
0x26: {  	[dreg:$0x1d] =	wrdreg s0  }
0x27: {  	s4 =	rddreg [dreg:$0xa];
	s0 =	simm.s32 $0x11  }
0x28: {  	[tilespmem:s2], [sflag:$0x11] =	stream.linear.gather [hbm4b:s4+s2], $0x6400, $0x38;
	[tilespmem:$0x16400] =	vst v63  }
0x29: {  	_ =	swait.ge [sflag:s0], $0x6400  }
0x2a: {  	[sflag:s0] =	ssyncset.done $0x0  }
0x2b: {  	s23 =	simm.s32 $0x6400;
	[sflag:s0] =	ssyncadd.s32 $0xFFFF9C00  }
0x2c: {  	[tilespmem:s23], [sflag:$0x1] =	stream.indirect.gather [hbm4b:s3+s25], $0x40, s2, s25, $0xb8;
	[tilespmem:$0x16400] =	vst v63  }
0x2d: {  	s0 =	simm.s32 $0x8400  }
0x2e: {  	[tilespmem:s0], [sflag:$0x2] =	stream.indirect.gather [hbm4b:s3+s25], $0x40, s25, s25, $0xb8;
	[tilespmem:$0x16400] =	vst v63  }
0x2f: {  	s1 =	simm.s32 $0x100;
	s24 =	simm.s32 $0xA400  }
0x30: {  	[tilespmem:s24], [sflag:$0x3] =	stream.indirect.gather [hbm4b:s3+s25], $0x40, s1, s25, $0xb8;
	[tilespmem:$0x16400] =	vst v63  }
0x31: {  	s26 =	simm.s32 $0xC400;
	s1 =	simm.s32 $0x180  }
0x32: {  	[tilespmem:s26], [sflag:$0x4] =	stream.indirect.gather [hbm4b:s3+s25], $0x40, s1, s25, $0xb8;
	[tilespmem:$0x16400] =	vst v63  }
0x33: {  	s7 =	simm.s32 $0xE400;
	s29 =	simm.s32 $0x1;
	s4 =	simm.s32 $0x200  }
0x34: {  	[tilespmem:s7], [sflag:$0x5] =	stream.indirect.gather [hbm4b:s3+s25], $0x40, s4, s25, $0xb8;
	[tilespmem:$0x16400] =	vst v63  }
0x35: {  	_ =	swait.ge [sflag:s29], $0x2000  }
0x36: {  	[sflag:s29] =	ssyncset.done $0x0  }
0x37: {  	s5 =	rddreg [dreg:$0xb];
	[sflag:s29] =	ssyncadd.s32 $0xFFFFE000  }
0x38: {  	[hbm4b:s5+s2] =	stream.linear.scatter [tilespmem:s23], [sflag:$0x9], $0x2000, $0x38;
	[tilespmem:$0x16400] =	vst v63  }
0x39: {  	s6 =	simm.s32 $0x280;
	s9 =	simm.s32 $0x10400;
	s5 =	simm.s32 $0x2  }
0x3a: {  	[tilespmem:s9], [sflag:$0x6] =	stream.indirect.gather [hbm4b:s3+s25], $0x40, s6, s25, $0xb8;
	[tilespmem:$0x16400] =	vst v63  }
0x3b: {  	_ =	swait.ge [sflag:s5], $0x2000  }
0x3c: {  	[sflag:s5] =	ssyncset.done $0x0  }
0x3d: {  	s30 =	rddreg [dreg:$0xc];
	[sflag:s5] =	ssyncadd.s32 $0xFFFFE000  }
0x3e: {  	[hbm4b:s30+s2] =	stream.linear.scatter [tilespmem:s0], [sflag:$0xA], $0x2000, $0x38;
	[tilespmem:$0x16400] =	vst v63  }
0x3f: {  	s31 =	simm.s32 $0x300;
	s30 =	simm.s32 $0x12400  }
0x40: {  	[tilespmem:s30], [sflag:$0x7] =	stream.indirect.gather [hbm4b:s3+s25], $0x40, s31, s25, $0xb8;
	[tilespmem:$0x16400] =	vst v63  }
0x41: {  	_ =	swait.ge [sflag:s8], $0x2000  }
0x42: {  	[sflag:s8] =	ssyncset.done $0x0  }
0x43: {  	s1 =	rddreg [dreg:$0xd];
	[sflag:s8] =	ssyncadd.s32 $0xFFFFE000  }
0x44: {  	[hbm4b:s1+s2] =	stream.linear.scatter [tilespmem:s24], [sflag:$0xB], $0x2000, $0x38;
	[tilespmem:$0x16400] =	vst v63  }
0x45: {  	s6 =	simm.s32 $0x380;
	s31 =	simm.s32 $0x14400  }
0x46: {  	[tilespmem:s31], [sflag:$0x8] =	stream.indirect.gather [hbm4b:s3+s25], $0x40, s6, s25, $0xb8;
	[tilespmem:$0x16400] =	vst v63  }
0x47: {  	_ =	swait.ge [sflag:s10], $0x2000  }
0x48: {  	[sflag:s10] =	ssyncset.done $0x0  }
0x49: {  	s1 =	rddreg [dreg:$0xe];
	[sflag:s10] =	ssyncadd.s32 $0xFFFFE000  }
0x4a: {  	[hbm4b:s1+s2] =	stream.linear.scatter [tilespmem:s26], [sflag:$0xC], $0x2000, $0x38;
	[tilespmem:$0x16400] =	vst v63  }
0x4b: {  	_ =	swait.ge [sflag:s11], $0x2000  }
0x4c: {  	[sflag:s11] =	ssyncset.done $0x0  }
0x4d: {  	s6 =	simm.s32 $0x400;
	[sflag:s11] =	ssyncadd.s32 $0xFFFFE000  }
0x4e: {  	[tilespmem:s23], [sflag:$0x1] =	stream.indirect.gather [hbm4b:s3+s25], $0x40, s6, s25, $0xb8;
	[tilespmem:$0x16400] =	vst v63  }
0x4f: {  	_ =	swait.ge [sflag:s12], $0x2000  }
0x50: {  	[sflag:s12] =	ssyncset.done $0x0  }
0x51: {  	s1 =	rddreg [dreg:$0xf];
	[sflag:s12] =	ssyncadd.s32 $0xFFFFE000  }
0x52: {  	[hbm4b:s1+s2] =	stream.linear.scatter [tilespmem:s7], [sflag:$0xD], $0x2000, $0x38;
	[tilespmem:$0x16400] =	vst v63  }
0x53: {  	_ =	swait.ge [sflag:s13], $0x2000  }
0x54: {  	[sflag:s13] =	ssyncset.done $0x0  }
0x55: {  	s6 =	simm.s32 $0x480;
	[sflag:s13] =	ssyncadd.s32 $0xFFFFE000  }
0x56: {  	[tilespmem:s0], [sflag:$0x2] =	stream.indirect.gather [hbm4b:s3+s25], $0x40, s6, s25, $0xb8;
	[tilespmem:$0x16400] =	vst v63  }
0x57: {  	_ =	swait.ge [sflag:s14], $0x2000  }
0x58: {  	[sflag:s14] =	ssyncset.done $0x0  }
0x59: {  	s1 =	rddreg [dreg:$0x10];
	[sflag:s14] =	ssyncadd.s32 $0xFFFFE000  }
0x5a: {  	[hbm4b:s1+s2] =	stream.linear.scatter [tilespmem:s9], [sflag:$0xE], $0x2000, $0x38;
	[tilespmem:$0x16400] =	vst v63  }
0x5b: {  	_ =	swait.ge [sflag:s15], $0x2000  }
0x5c: {  	[sflag:s15] =	ssyncset.done $0x0  }
0x5d: {  	s6 =	simm.s32 $0x500;
	[sflag:s15] =	ssyncadd.s32 $0xFFFFE000  }
0x5e: {  	[tilespmem:s24], [sflag:$0x3] =	stream.indirect.gather [hbm4b:s3+s25], $0x40, s6, s25, $0xb8;
	[tilespmem:$0x16400] =	vst v63  }
0x5f: {  	_ =	swait.ge [sflag:s16], $0x2000  }
0x60: {  	[sflag:s16] =	ssyncset.done $0x0  }
0x61: {  	s1 =	rddreg [dreg:$0x11];
	[sflag:s16] =	ssyncadd.s32 $0xFFFFE000  }
0x62: {  	[hbm4b:s1+s2] =	stream.linear.scatter [tilespmem:s30], [sflag:$0xF], $0x2000, $0x38;
	[tilespmem:$0x16400] =	vst v63  }
0x63: {  	_ =	swait.ge [sflag:s17], $0x2000  }
0x64: {  	[sflag:s17] =	ssyncset.done $0x0  }
0x65: {  	s6 =	simm.s32 $0x580;
	[sflag:s17] =	ssyncadd.s32 $0xFFFFE000  }
0x66: {  	[tilespmem:s26], [sflag:$0x4] =	stream.indirect.gather [hbm4b:s3+s25], $0x40, s6, s25, $0xb8;
	[tilespmem:$0x16400] =	vst v63  }
0x67: {  	_ =	swait.ge [sflag:s18], $0x2000  }
0x68: {  	[sflag:s18] =	ssyncset.done $0x0  }
0x69: {  	s1 =	rddreg [dreg:$0x12];
	[sflag:s18] =	ssyncadd.s32 $0xFFFFE000  }
0x6a: {  	[hbm4b:s1+s2] =	stream.linear.scatter [tilespmem:s31], [sflag:$0x10], $0x2000, $0x38;
	[tilespmem:$0x16400] =	vst v63  }
0x6b: {  	_ =	swait.ge [sflag:s19], $0x2000  }
0x6c: {  	[sflag:s19] =	ssyncset.done $0x0  }
0x6d: {  	s6 =	simm.s32 $0x600;
	[sflag:s19] =	ssyncadd.s32 $0xFFFFE000  }
0x6e: {  	[tilespmem:s7], [sflag:$0x5] =	stream.indirect.gather [hbm4b:s3+s25], $0x40, s6, s25, $0xb8;
	[tilespmem:$0x16400] =	vst v63  }
0x6f: {  	_ =	swait.ge [sflag:s29], $0x2000  }
0x70: {  	s6 =	rddreg [dreg:$0x1c]  }
0x71: {  	[sflag:s29] =	ssyncset.done $0x0;
	s1 =	sshrl.u32 s6, $0x3  }
0x72: {  	[sflag:s29] =	ssyncadd.s32 $0xFFFFE000;
	s4 =	sadd.s32 s28, s1  }
0x73: {  	[hbm4b:s4+s2] =	stream.linear.scatter [tilespmem:s23], [sflag:$0x9], $0x2000, $0x38;
	[tilespmem:$0x16400] =	vst v63  }
0x74: {  	_ =	swait.ge [sflag:s20], $0x2000  }
0x75: {  	[sflag:s20] =	ssyncset.done $0x0  }
0x76: {  	s29 =	simm.s32 $0x680;
	[sflag:s20] =	ssyncadd.s32 $0xFFFFE000  }
0x77: {  	[tilespmem:s9], [sflag:$0x6] =	stream.indirect.gather [hbm4b:s3+s25], $0x40, s29, s25, $0xb8;
	[tilespmem:$0x16400] =	vst v63  }
0x78: {  	_ =	swait.ge [sflag:s5], $0x2000  }
0x79: {  	s1 =	rddreg [dreg:$0x5];
	[sflag:s5] =	ssyncset.done $0x0  }
0x7a: {  	[sflag:s5] =	ssyncadd.s32 $0xFFFFE000;
	s4 =	sadd.s32 s28, s1  }
0x7b: {  	[hbm4b:s4+s2] =	stream.linear.scatter [tilespmem:s0], [sflag:$0xA], $0x2000, $0x38;
	[tilespmem:$0x16400] =	vst v63  }
0x7c: {  	_ =	swait.ge [sflag:s21], $0x2000  }
0x7d: {  	[sflag:s21] =	ssyncset.done $0x0  }
0x7e: {  	s29 =	simm.s32 $0x700;
	[sflag:s21] =	ssyncadd.s32 $0xFFFFE000  }
0x7f: {  	[tilespmem:s30], [sflag:$0x7] =	stream.indirect.gather [hbm4b:s3+s25], $0x40, s29, s25, $0xb8;
	[tilespmem:$0x16400] =	vst v63  }
0x80: {  	_ =	swait.ge [sflag:s8], $0x2000  }
0x81: {  	s1 =	rddreg [dreg:$0x4];
	[sflag:s8] =	ssyncset.done $0x0  }
0x82: {  	[sflag:s8] =	ssyncadd.s32 $0xFFFFE000;
	s4 =	sadd.s32 s28, s1  }
0x83: {  	[hbm4b:s4+s2] =	stream.linear.scatter [tilespmem:s24], [sflag:$0xB], $0x2000, $0x38;
	[tilespmem:$0x16400] =	vst v63  }
0x84: {  	_ =	swait.ge [sflag:s22], $0x2000  }
0x85: {  	[sflag:s22] =	ssyncset.done $0x0  }
0x86: {  	s5 =	simm.s32 $0x780;
	[sflag:s22] =	ssyncadd.s32 $0xFFFFE000  }
0x87: {  	[tilespmem:s31], [sflag:$0x8] =	stream.indirect.gather [hbm4b:s3+s25], $0x40, s5, s25, $0xb8;
	[tilespmem:$0x16400] =	vst v63  }
0x88: {  	_ =	swait.ge [sflag:s10], $0x2000  }
0x89: {  	s29 =	rddreg [dreg:$0x3];
	[sflag:s10] =	ssyncset.done $0x0  }
0x8a: {  	[sflag:s10] =	ssyncadd.s32 $0xFFFFE000;
	s4 =	sadd.s32 s28, s29  }
0x8b: {  	[hbm4b:s4+s2] =	stream.linear.scatter [tilespmem:s26], [sflag:$0xC], $0x2000, $0x38;
	[tilespmem:$0x16400] =	vst v63  }
0x8c: {  	_ =	swait.ge [sflag:s11], $0x2000  }
0x8d: {  	[sflag:s11] =	ssyncset.done $0x0  }
0x8e: {  	s31 =	simm.s32 $0x800;
	[sflag:s11] =	ssyncadd.s32 $0xFFFFE000  }
0x8f: {  	[tilespmem:s23], [sflag:$0x1] =	stream.indirect.gather [hbm4b:s3+s25], $0x40, s31, s25, $0xb8;
	[tilespmem:$0x16400] =	vst v63  }
0x90: {  	_ =	swait.ge [sflag:s12], $0x2000  }
0x91: {  	s1 =	rddreg [dreg:$0x9];
	[sflag:s12] =	ssyncset.done $0x0  }
0x92: {  	[sflag:s12] =	ssyncadd.s32 $0xFFFFE000;
	s4 =	sadd.s32 s28, s1  }
0x93: {  	[hbm4b:s4+s2] =	stream.linear.scatter [tilespmem:s7], [sflag:$0xD], $0x2000, $0x38;
	[tilespmem:$0x16400] =	vst v63  }
0x94: {  	_ =	swait.ge [sflag:s13], $0x2000  }
0x95: {  	[sflag:s13] =	ssyncset.done $0x0  }
0x96: {  	s5 =	simm.s32 $0x880;
	[sflag:s13] =	ssyncadd.s32 $0xFFFFE000  }
0x97: {  	[tilespmem:s0], [sflag:$0x2] =	stream.indirect.gather [hbm4b:s3+s25], $0x40, s5, s25, $0xb8;
	[tilespmem:$0x16400] =	vst v63  }
0x98: {  	_ =	swait.ge [sflag:s14], $0x2000  }
0x99: {  	s7 =	rddreg [dreg:$0x8];
	[sflag:s14] =	ssyncset.done $0x0  }
0x9a: {  	[sflag:s14] =	ssyncadd.s32 $0xFFFFE000;
	s4 =	sadd.s32 s28, s7  }
0x9b: {  	[hbm4b:s4+s2] =	stream.linear.scatter [tilespmem:s9], [sflag:$0xE], $0x2000, $0x38;
	[tilespmem:$0x16400] =	vst v63  }
0x9c: {  	_ =	swait.ge [sflag:s15], $0x2000  }
0x9d: {  	[sflag:s15] =	ssyncset.done $0x0  }
0x9e: {  	s23 =	simm.s32 $0x900;
	[sflag:s15] =	ssyncadd.s32 $0xFFFFE000  }
0x9f: {  	[tilespmem:s24], [sflag:$0x3] =	stream.indirect.gather [hbm4b:s3+s25], $0x40, s23, s25, $0xb8;
	[tilespmem:$0x16400] =	vst v63  }
0xa0: {  	_ =	swait.ge [sflag:s16], $0x2000  }
0xa1: {  	s29 =	rddreg [dreg:$0x7];
	[sflag:s16] =	ssyncset.done $0x0  }
0xa2: {  	[sflag:s16] =	ssyncadd.s32 $0xFFFFE000;
	s4 =	sadd.s32 s28, s29  }
0xa3: {  	[hbm4b:s4+s2] =	stream.linear.scatter [tilespmem:s30], [sflag:$0xF], $0x2000, $0x38;
	[tilespmem:$0x16400] =	vst v63  }
0xa4: {  	_ =	swait.ge [sflag:s17], $0x2000  }
0xa5: {  	[sflag:s17] =	ssyncset.done $0x0  }
0xa6: {  	s30 =	simm.s32 $0x980;
	[sflag:s17] =	ssyncadd.s32 $0xFFFFE000  }
0xa7: {  	[tilespmem:s26], [sflag:$0x4] =	stream.indirect.gather [hbm4b:s3+s25], $0x40, s30, s25, $0xb8;
	[tilespmem:$0x16400] =	vst v63  }
0xa8: {  	s24 =	simm.s32 $0x1000;
	_ =	swait.ge [sflag:s18], $0x2000  }
0xa9: {  	s23 =	sadd.s32 $0x10000, s6;
	s31 =	rddreg [dreg:$0x6];
	[sflag:s18] =	ssyncset.done $0x0  }
0xaa: {  	s6 =	sadd.s32 $0x2000, s28;
	[sflag:s18] =	ssyncadd.s32 $0xFFFFE000;
	s4 =	sadd.s32 s28, s31  }
.LBB2_2:
0xab: {  	s7 =	simm.s32 $0x14400  }
0xac: {  	[hbm4b:s4+s2] =	stream.linear.scatter [tilespmem:s7], [sflag:$0x10], $0x2000, $0x38;
	[tilespmem:$0x16400] =	vst v63  }
0xad: {  	s26 =	smov.u32 s24;
	_ =	swait.ge [sflag:s19], $0x2000  }
0xae: {  	s9 =	simm.s32 $0xE400;
	s4 =	sshra.s32 s26, $0x2;
	[sflag:s19] =	ssyncset.done $0x0  }
0xaf: {  	s0 =	simm.s32 $0x1;
	s26 =	sadd.s32 $0x600, s4;
	[sflag:s19] =	ssyncadd.s32 $0xFFFFE000  }
0xb0: {  	[tilespmem:s9], [sflag:$0x5] =	stream.indirect.gather [hbm4b:s3+s25], $0x40, s26, s25, $0xb8;
	[tilespmem:$0x16400] =	vst v63  }
0xb1: {  	_ =	swait.ge [sflag:s0], $0x2000  }
0xb2: {  	s31 =	sshrl.u32 s23, $0x3;
	[sflag:s0] =	ssyncset.done $0x0  }
0xb3: {  	s26 =	sadd.s32 s28, s31;
	[sflag:s0] =	ssyncadd.s32 $0xFFFFE000;
	s0 =	simm.s32 $0x6400  }
0xb4: {  	[hbm4b:s26+s2] =	stream.linear.scatter [tilespmem:s0], [sflag:$0x9], $0x2000, $0x38;
	[tilespmem:$0x16400] =	vst v63  }
0xb5: {  	_ =	swait.ge [sflag:s20], $0x2000  }
0xb6: {  	[sflag:s20] =	ssyncset.done $0x0  }
0xb7: {  	s1 =	sadd.s32 $0x680, s4;
	s31 =	simm.s32 $0x10400;
	[sflag:s20] =	ssyncadd.s32 $0xFFFFE000  }
0xb8: {  	[tilespmem:s31], [sflag:$0x6] =	stream.indirect.gather [hbm4b:s3+s25], $0x40, s1, s25, $0xb8;
	[tilespmem:$0x16400] =	vst v63  }
0xb9: {  	s1 =	simm.s32 $0x2  }
0xba: {  	_ =	swait.ge [sflag:s1], $0x2000  }
0xbb: {  	s5 =	rddreg [dreg:$0x5];
	[sflag:s1] =	ssyncset.done $0x0  }
0xbc: {  	s29 =	simm.s32 $0x8400;
	[sflag:s1] =	ssyncadd.s32 $0xFFFFE000;
	s26 =	sadd.s32 s6, s5  }
0xbd: {  	[hbm4b:s26+s2] =	stream.linear.scatter [tilespmem:s29], [sflag:$0xA], $0x2000, $0x38;
	[tilespmem:$0x16400] =	vst v63  }
0xbe: {  	_ =	swait.ge [sflag:s21], $0x2000  }
0xbf: {  	[sflag:s21] =	ssyncset.done $0x0  }
0xc0: {  	s1 =	sadd.s32 $0x700, s4;
	s5 =	simm.s32 $0x12400;
	[sflag:s21] =	ssyncadd.s32 $0xFFFFE000  }
0xc1: {  	[tilespmem:s5], [sflag:$0x7] =	stream.indirect.gather [hbm4b:s3+s25], $0x40, s1, s25, $0xb8;
	[tilespmem:$0x16400] =	vst v63  }
0xc2: {  	_ =	swait.ge [sflag:s8], $0x2000  }
0xc3: {  	s1 =	rddreg [dreg:$0x4];
	[sflag:s8] =	ssyncset.done $0x0  }
0xc4: {  	[sflag:s8] =	ssyncadd.s32 $0xFFFFE000;
	s26 =	sadd.s32 s6, s1;
	s1 =	simm.s32 $0xA400  }
0xc5: {  	[hbm4b:s26+s2] =	stream.linear.scatter [tilespmem:s1], [sflag:$0xB], $0x2000, $0x38;
	[tilespmem:$0x16400] =	vst v63  }
0xc6: {  	_ =	swait.ge [sflag:s22], $0x2000  }
0xc7: {  	[sflag:s22] =	ssyncset.done $0x0  }
0xc8: {  	s26 =	sadd.s32 $0x780, s4;
	[sflag:s22] =	ssyncadd.s32 $0xFFFFE000  }
0xc9: {  	[tilespmem:s7], [sflag:$0x8] =	stream.indirect.gather [hbm4b:s3+s25], $0x40, s26, s25, $0xb8;
	[tilespmem:$0x16400] =	vst v63  }
0xca: {  	_ =	swait.ge [sflag:s10], $0x2000  }
0xcb: {  	s7 =	rddreg [dreg:$0x3];
	[sflag:s10] =	ssyncset.done $0x0  }
0xcc: {  	[sflag:s10] =	ssyncadd.s32 $0xFFFFE000;
	s26 =	sadd.s32 s6, s7;
	s7 =	simm.s32 $0xC400  }
0xcd: {  	[hbm4b:s26+s2] =	stream.linear.scatter [tilespmem:s7], [sflag:$0xC], $0x2000, $0x38;
	[tilespmem:$0x16400] =	vst v63  }
0xce: {  	_ =	swait.ge [sflag:s11], $0x2000  }
0xcf: {  	[sflag:s11] =	ssyncset.done $0x0  }
0xd0: {  	s26 =	sadd.s32 $0x800, s4;
	[sflag:s11] =	ssyncadd.s32 $0xFFFFE000  }
0xd1: {  	[tilespmem:s0], [sflag:$0x1] =	stream.indirect.gather [hbm4b:s3+s25], $0x40, s26, s25, $0xb8;
	[tilespmem:$0x16400] =	vst v63  }
0xd2: {  	_ =	swait.ge [sflag:s12], $0x2000  }
0xd3: {  	s0 =	rddreg [dreg:$0x9];
	[sflag:s12] =	ssyncset.done $0x0  }
0xd4: {  	[sflag:s12] =	ssyncadd.s32 $0xFFFFE000;
	s26 =	sadd.s32 s6, s0  }
0xd5: {  	[hbm4b:s26+s2] =	stream.linear.scatter [tilespmem:s9], [sflag:$0xD], $0x2000, $0x38;
	[tilespmem:$0x16400] =	vst v63  }
0xd6: {  	_ =	swait.ge [sflag:s13], $0x2000  }
0xd7: {  	[sflag:s13] =	ssyncset.done $0x0  }
0xd8: {  	s9 =	sadd.s32 $0x880, s4;
	[sflag:s13] =	ssyncadd.s32 $0xFFFFE000  }
0xd9: {  	[tilespmem:s29], [sflag:$0x2] =	stream.indirect.gather [hbm4b:s3+s25], $0x40, s9, s25, $0xb8;
	[tilespmem:$0x16400] =	vst v63  }
0xda: {  	_ =	swait.ge [sflag:s14], $0x2000  }
0xdb: {  	s9 =	rddreg [dreg:$0x8];
	[sflag:s14] =	ssyncset.done $0x0  }
0xdc: {  	[sflag:s14] =	ssyncadd.s32 $0xFFFFE000;
	s26 =	sadd.s32 s6, s9  }
0xdd: {  	[hbm4b:s26+s2] =	stream.linear.scatter [tilespmem:s31], [sflag:$0xE], $0x2000, $0x38;
	[tilespmem:$0x16400] =	vst v63  }
0xde: {  	_ =	swait.ge [sflag:s15], $0x2000  }
0xdf: {  	[sflag:s15] =	ssyncset.done $0x0  }
0xe0: {  	s31 =	sadd.s32 $0x900, s4;
	[sflag:s15] =	ssyncadd.s32 $0xFFFFE000  }
0xe1: {  	[tilespmem:s1], [sflag:$0x3] =	stream.indirect.gather [hbm4b:s3+s25], $0x40, s31, s25, $0xb8;
	[tilespmem:$0x16400] =	vst v63  }
0xe2: {  	_ =	swait.ge [sflag:s16], $0x2000  }
0xe3: {  	s9 =	rddreg [dreg:$0x7];
	[sflag:s16] =	ssyncset.done $0x0  }
0xe4: {  	[sflag:s16] =	ssyncadd.s32 $0xFFFFE000;
	s26 =	sadd.s32 s6, s9  }
0xe5: {  	[hbm4b:s26+s2] =	stream.linear.scatter [tilespmem:s5], [sflag:$0xF], $0x2000, $0x38;
	[tilespmem:$0x16400] =	vst v63  }
0xe6: {  	p0 =	sne.s32 s24, $0x16000;
	s24 =	sadd.s32 $0x1000, s24;
	_ =	swait.ge [sflag:s17], $0x2000  }
0xe7: {  	s30 =	simm.s32 $0x6400;
	s23 =	sadd.s32 $0x10000, s23;
	[sflag:s17] =	ssyncset.done $0x0  }
.Ltmp0:
0xe8: {  	s4 =	sadd.s32 $0x980, s4;
	[sflag:s17] =	ssyncadd.s32 $0xFFFFE000;
	(pc) =	sbr.rel @p0 .LBB2_2-.Ltmp0, $4  }
0xe9: {  	[tilespmem:s7], [sflag:$0x4] =	stream.indirect.gather [hbm4b:s3+s25], $0x40, s4, s25, $0xb8;
	[tilespmem:$0x16400] =	vst v63  }
0xea: {  	s0 =	simm.s32 $0x8400;
	s29 =	simm.s32 $0xA400;
	_ =	swait.ge [sflag:s18], $0x2000  }
0xeb: {  	s1 =	simm.s32 $0xC400;
	[sflag:s18] =	ssyncset.done $0x0;
	s31 =	rddreg [dreg:$0x6]  }
0xec: {  	[sflag:s18] =	ssyncadd.s32 $0xFFFFE000;
	s4 =	sadd.s32 s6, s31;
	s6 =	sadd.s32 $0x2000, s6  }
0xed: {  	s5 =	simm.s32 $0x14400  }
0xee: {  	[hbm4b:s4+s2] =	stream.linear.scatter [tilespmem:s5], [sflag:$0x10], $0x2000, $0x38;
	[tilespmem:$0x16400] =	vst v63  }
0xef: {  	_ =	swait.ge [sflag:s19], $0x2000  }
0xf0: {  	s6 =	simm.s32 $0xE400;
	[sflag:s19] =	ssyncset.done $0x0  }
0xf1: {  	s26 =	simm.s32 $0x6200;
	s31 =	simm.s32 $0x1;
	[sflag:s19] =	ssyncadd.s32 $0xFFFFE000  }
0xf2: {  	[tilespmem:s6], [sflag:$0x5] =	stream.indirect.gather [hbm4b:s3+s25], $0x40, s26, s25, $0xb8;
	[tilespmem:$0x16400] =	vst v63  }
0xf3: {  	_ =	swait.ge [sflag:s31], $0x2000  }
0xf4: {  	[sflag:s31] =	ssyncset.done $0x0  }
0xf5: {  	s7 =	rddreg [dreg:$0x13];
	[sflag:s31] =	ssyncadd.s32 $0xFFFFE000  }
0xf6: {  	[hbm4b:s7+s2] =	stream.linear.scatter [tilespmem:s30], [sflag:$0x9], $0x2000, $0x38;
	[tilespmem:$0x16400] =	vst v63  }
0xf7: {  	_ =	swait.ge [sflag:s20], $0x2000  }
0xf8: {  	s9 =	simm.s32 $0x6280;
	[sflag:s20] =	ssyncset.done $0x0  }
0xf9: {  	s23 =	simm.s32 $0x2;
	s7 =	simm.s32 $0x10400;
	[sflag:s20] =	ssyncadd.s32 $0xFFFFE000  }
0xfa: {  	[tilespmem:s7], [sflag:$0x6] =	stream.indirect.gather [hbm4b:s3+s25], $0x40, s9, s25, $0xb8;
	[tilespmem:$0x16400] =	vst v63  }
0xfb: {  	_ =	swait.ge [sflag:s23], $0x2000  }
0xfc: {  	[sflag:s23] =	ssyncset.done $0x0  }
0xfd: {  	s24 =	rddreg [dreg:$0x14];
	[sflag:s23] =	ssyncadd.s32 $0xFFFFE000  }
0xfe: {  	[hbm4b:s24+s2] =	stream.linear.scatter [tilespmem:s0], [sflag:$0xA], $0x2000, $0x38;
	[tilespmem:$0x16400] =	vst v63  }
0xff: {  	_ =	swait.ge [sflag:s21], $0x2000  }
0x100: {  	[sflag:s21] =	ssyncset.done $0x0  }
0x101: {  	s26 =	simm.s32 $0x6300;
	s0 =	simm.s32 $0x12400;
	[sflag:s21] =	ssyncadd.s32 $0xFFFFE000  }
0x102: {  	[tilespmem:s0], [sflag:$0x7] =	stream.indirect.gather [hbm4b:s3+s25], $0x40, s26, s25, $0xb8;
	[tilespmem:$0x16400] =	vst v63  }
0x103: {  	_ =	swait.ge [sflag:s8], $0x2000  }
0x104: {  	[sflag:s8] =	ssyncset.done $0x0  }
0x105: {  	s30 =	rddreg [dreg:$0x15];
	[sflag:s8] =	ssyncadd.s32 $0xFFFFE000  }
0x106: {  	[hbm4b:s30+s2] =	stream.linear.scatter [tilespmem:s29], [sflag:$0xB], $0x2000, $0x38;
	[tilespmem:$0x16400] =	vst v63  }
0x107: {  	_ =	swait.ge [sflag:s22], $0x2000  }
0x108: {  	[sflag:s22] =	ssyncset.done $0x0  }
0x109: {  	s31 =	simm.s32 $0x6380;
	[sflag:s22] =	ssyncadd.s32 $0xFFFFE000  }
0x10a: {  	[tilespmem:s5], [sflag:$0x8] =	stream.indirect.gather [hbm4b:s3+s25], $0x40, s31, s25, $0xb8;
	[tilespmem:$0x16400] =	vst v63  }
0x10b: {  	_ =	swait.ge [sflag:s10], $0x2000  }
0x10c: {  	[sflag:s10] =	ssyncset.done $0x0  }
0x10d: {  	s9 =	rddreg [dreg:$0x16];
	[sflag:s10] =	ssyncadd.s32 $0xFFFFE000  }
0x10e: {  	[hbm4b:s9+s2] =	stream.linear.scatter [tilespmem:s1], [sflag:$0xC], $0x2000, $0x38;
	[tilespmem:$0x16400] =	vst v63  }
0x10f: {  	_ =	swait.ge [sflag:s12], $0x2000  }
0x110: {  	[sflag:s12] =	ssyncset.done $0x0  }
0x111: {  	s23 =	rddreg [dreg:$0x17];
	[sflag:s12] =	ssyncadd.s32 $0xFFFFE000  }
0x112: {  	[hbm4b:s23+s2] =	stream.linear.scatter [tilespmem:s6], [sflag:$0xD], $0x2000, $0x38;
	[tilespmem:$0x16400] =	vst v63  }
0x113: {  	_ =	swait.ge [sflag:s14], $0x2000  }
0x114: {  	[sflag:s14] =	ssyncset.done $0x0  }
0x115: {  	s24 =	rddreg [dreg:$0x18];
	[sflag:s14] =	ssyncadd.s32 $0xFFFFE000  }
0x116: {  	[hbm4b:s24+s2] =	stream.linear.scatter [tilespmem:s7], [sflag:$0xE], $0x2000, $0x38;
	[tilespmem:$0x16400] =	vst v63  }
0x117: {  	_ =	swait.ge [sflag:s16], $0x2000  }
0x118: {  	[sflag:s16] =	ssyncset.done $0x0  }
0x119: {  	s26 =	rddreg [dreg:$0x19];
	[sflag:s16] =	ssyncadd.s32 $0xFFFFE000  }
0x11a: {  	[hbm4b:s26+s2] =	stream.linear.scatter [tilespmem:s0], [sflag:$0xF], $0x2000, $0x38;
	[tilespmem:$0x16400] =	vst v63  }
0x11b: {  	_ =	swait.ge [sflag:s18], $0x2000  }
0x11c: {  	[sflag:s18] =	ssyncset.done $0x0  }
0x11d: {  	s29 =	rddreg [dreg:$0x1a];
	[sflag:s18] =	ssyncadd.s32 $0xFFFFE000  }
0x11e: {  	[hbm4b:s29+s2] =	stream.linear.scatter [tilespmem:s5], [sflag:$0x10], $0x2000, $0x38;
	[tilespmem:$0x16400] =	vst v63  }
0x11f: {  	_ =	swait.ge [sflag:s11], $0x2000  }
0x120: {  	[sflag:s11] =	ssyncset.done $0x0  }
0x121: {  	[sflag:s11] =	ssyncadd.s32 $0xFFFFE000  }
0x122: {  	_ =	swait.ge [sflag:s13], $0x2000  }
0x123: {  	[sflag:s13] =	ssyncset.done $0x0  }
0x124: {  	[sflag:s13] =	ssyncadd.s32 $0xFFFFE000  }
0x125: {  	_ =	swait.ge [sflag:s15], $0x2000  }
0x126: {  	[sflag:s15] =	ssyncset.done $0x0  }
0x127: {  	[sflag:s15] =	ssyncadd.s32 $0xFFFFE000  }
0x128: {  	_ =	swait.ge [sflag:s17], $0x2000  }
0x129: {  	[sflag:s17] =	ssyncset.done $0x0  }
0x12a: {  	[sflag:s17] =	ssyncadd.s32 $0xFFFFE000  }
0x12b: {  	_ =	swait.ge [sflag:s19], $0x2000  }
0x12c: {  	[sflag:s19] =	ssyncset.done $0x0  }
0x12d: {  	[sflag:s19] =	ssyncadd.s32 $0xFFFFE000  }
0x12e: {  	_ =	swait.ge [sflag:s20], $0x2000  }
0x12f: {  	[sflag:s20] =	ssyncset.done $0x0  }
0x130: {  	[sflag:s20] =	ssyncadd.s32 $0xFFFFE000  }
0x131: {  	_ =	swait.ge [sflag:s21], $0x2000  }
0x132: {  	[sflag:s21] =	ssyncset.done $0x0  }
0x133: {  	[sflag:s21] =	ssyncadd.s32 $0xFFFFE000  }
0x134: {  	_ =	swait.ge [sflag:s22], $0x2000  }
0x135: {  	s30 =	rddreg [dreg:$0x1d]  }
0x136: {  	s31 =	rddreg [dreg:$0x1b];
	s0 =	sadd.s32 $0x1, s30  }
0x137: {  	p0 =	sne.s32 s0, s31  }
.Ltmp1:
0x138: {  	_ = 	snop;
	(pc) =	sbr.rel @p0 .LBB2_1-.Ltmp1, $3  }
0x139: {  	_ =	sdelay $0x1  }
0x13a: {  	[sflag:s22] =	ssyncset.done $0x0  }
0x13b: {  	[sflag:s22] =	ssyncadd.s32 $0xFFFFE000  }
0x13c: {  	_ =	sfence.sel $0x180000  }
0x13d: {  	[bflag:$0x0] =	sbarrier.arrive $0xFFFF  }
0x13e: {  	_ =	strace $0x90000047  }
0x13f: {  	s0 =	stileid.u32;
	[bflag:$0x2] =	sbarrier.arrive $0xFFFF  }
0x140: {  	p0 =	sne.s32 s0, $0x0;
	s0 =	rddreg [dreg:$0x2]  }
0x141: {  	s0 =	sadd.s32 @!p0 $0x100000, s0  }
0x142: {  	[sflag:s0] =	ssyncadd.tile.s32 @!p0 $0x1;
	_ =	shalt  }
.Lfunc_end2:
_tile_overlayer_lowered:
.L_overlay_start_2:
0x143: {  	(tag) =	ssettag $0x2  }
0x144: {  	s0 =	rddreg [dreg:$0x0];
	s2 =	stileid.u32  }
0x145: {  	s1 =	rddreg [dreg:$0x1];
	p0 =	sne.s32 s2, $0x0  }
0x146: {  	s3 =	rddreg [dreg:$0x2];
	[bflag:$0x3] =	sbarrier.arrive $0xFFFF;
	s2 =	simm.s32 @!p0 $0x1C11  }
0x147: {  	[timem:s3], [sflag:s2] =	dma.local @!p0 [hbm:s0], s1  }
0x148: {  	s0 =	simm.s32 @!p0 $0x11  }
0x149: {  	_ =	swait.ge @!p0 [sflag:s0], s1  }
0x14a: {  	s1 =	ssub.s32 @!p0 $0x0, s1;
	[sflag:s0] =	ssyncset.done @!p0 $0x0  }
0x14b: {  	[sflag:s0] =	ssyncadd.s32 @!p0 s1  }
0x14c: {  	[bflag:$0x3] =	sbarrier.arrive $0xFFFF  }
0x14d: {  	_ =	shalt  }

// kernel: sparse-core-data-format-call.cloned.1.call-start
scs
called_computation_lowered:
.L_overlay_start_0:
0x0: {  	s2 =	sld [smem:$0x3FD9]  }
0x1: {  	s3 =	sld [smem:$0x3FFE];
	_ =	sdelay $0x1  }
0x2: {  	s1 =	srdreg.scid  }
0x3: {  	s0 =	sand.u32 $0x1, s1  }
0x4: {  	s18 =	sshll.u32 s0, $0xA;
	s2 =	sadd.s32 s3, s2  }
0x5: {  	s2 =	sadd.s32 s2, s18  }
0x6: {  	[smem:$0x3FC6] =	sst s2  }
0x7: {  	_ = 	snop  }
0x8: {  	s2 =	sld [smem:$0x3FD0];
	(tm) =	ssettm $0x1  }
0x9: {  	s19 =	sld [smem:$0x3FFB];
	_ =	sdelay $0x3  }
0xa: {  	_ =	strace s19  }
0xb: {  	s3 =	sld [smem:$0x3FFC];
	_ =	sdelay $0x3  }
0xc: {  	_ =	strace s3  }
0xd: {  	s3 =	sld [smem:$0x3FFD];
	_ =	sdelay $0x3  }
0xe: {  	_ =	strace s3  }
0xf: {  	_ =	strace $0x8FFFFFFF  }
0x10: {  	s20 =	sld [smem:$0x3FDB];
	_ =	sdelay $0x1  }
0x11: {  	s4 =	simm.s32 $_scs_section_size  }
0x12: {  	s5 =	simm.s32 $_size__tile_overlayer_lowered;
	s6 =	simm.s32 $_tile_overlayer_lowered  }
0x13: {  	s23 =	simm.s32 $0x1BFF;
	s22 =	sshll.u32 s6, $0x1;
	s3 =	sadd.s32 s4, s20  }
0x14: {  	s7 =	simm.s32 $0x0;
	s21 =	sshll.u32 s5, $0x1;
	s5 =	sadd.s32 s22, s3  }
0x15: {  	[timem:s7], [sflag:s23] =	dma.local [hbm:s5], s21  }
0x16: {  	_ =	swait.ge [sflag:s23], s21  }
0x17: {  	s4 =	ssub.s32 $0x0, s21;
	[sflag:s23] =	ssyncset.done $0x0  }
0x18: {  	[sflag:s23] =	ssyncadd.s32 s4;
	_ =	sdelay $0x1  }
0x19: {  	s24 =	simm.s32 $0x1B8B  }
0x1a: {  	_ =	swait.ge [sflag:s24], $0x1  }
0x1b: {  	[sflag:s24] =	ssyncset.done $0x0  }
0x1c: {  	s26 =	simm.s32 $0x1B8E;
	s25 =	sld [smem:$0x3FFE];
	[sflag:s24] =	ssyncadd.s32 $0xFFFFFFFF  }
0x1d: {  	s27 =	simm.s32 $execute0_lowered;
	[smem:$0x3FD2] =	sst s26  }
0x1e: {  	s5 =	sshll.u32 s27, $0x1;
	_ =	strace $0x80000049;
	[dreg:$0x1] =	wrdreg $0xFFFFFFFF  }
0x1f: {  	s28 =	simm.s32 $_size_execute0_lowered;
	s3 =	sadd.s32 s3, s5;
	[dreg:$0x0] =	wrdreg $0x0  }
0x20: {  	s5 =	sshll.u32 s28, $0x1;
	[dreg:$0x2] =	wrdreg s3  }
0x21: {  	[dreg:$0x3] =	wrdreg s5  }
0x22: {  	[dreg:$0x4] =	wrdreg $0xC0  }
0x23: {  	_ =	task [dreg:s7], $0x5FFFF  }
0x24: {  	[dreg:$0x1] =	wrdreg $0xFFFFFFFF  }
0x25: {  	[dreg:$0x0] =	wrdreg $0x60  }
0x26: {  	[dreg:$0x2] =	wrdreg s25  }
0x27: {  	[dreg:$0x3] =	wrdreg s2  }
0x28: {  	[dreg:$0x4] =	wrdreg $0x9  }
0x29: {  	_ =	task.clear_ibuf [dreg:s7], $0x5FFFF;
	_ =	strace $0x90000049  }
0x2a: {  	s29 =	simm.s32 $0x9;
	_ =	strace $0x8000004B  }
0x2b: {  	_ =	swait.ge [sflag:s29], $0x1  }
0x2c: {  	[sflag:s29] =	ssyncadd.s32 $0xFFFFFFFF  }
0x2d: {  	_ =	strace $0x9000004B  }
0x2e: {  	_ =	sfence  }
0x2f: {  	s30 =	sld [smem:$0x0];
	_ =	sdelay $0x2  }
0x30: {  	s31 =	sshll.u32 s1, $0xD;
	s1 =	sshrl.u32 s1, $0x2  }
0x31: {  	s3 =	sand.u32 $0x4000, s31;
	s1 =	sadd.s32 s1, s30  }
0x32: {  	s0 =	sor.u32 s3, s0;
	s1 =	sshll.u32 s1, $0x11  }
0x33: {  	s0 =	sor.u32 s1, s0  }
0x34: {  	s0 =	sadd.s32 $0x8F2B, s0  }
0x35: {  	[sflag:s0] =	ssyncadd.remote.s32 $0x1  }
0x36: {  	_ =	sfence.sel $0xFFFF  }
0x37: {  	[dreg:$0x0] =	wrdreg $0xFFFFFFFF;
	(pc) =	sbr.abs _section_cstart, $3  }
0x38: {  	[dreg:$0x1] =	wrdreg $0xFFFFFFFF  }
0x39: {  	_ =	task.clear_ibuf [dreg:s7], $0x2FFFF;
	_ =	strace $0x9FFFFFFF  }
0x3a: {  	(tm) =	ssettm $0x7FFFFFFF  }
0x3b: {  	_ =	shalt  }
tec
execute0_lowered:
.L_overlay_start_1:
0x0: {  	(tag) =	ssettag $0x1  }
0x1: {  	s0 =	srdreg.scid  }
0x2: {  	s1 =	sshll.u32 s0, $0x4  }
0x3: {  	s0 =	stileid.u32;
	s1 =	sand.u32 $0x10, s1  }
0x4: {  	s1 =	sor.u32 s0, s1  }
0x5: {  	s6 =	rddreg [dreg:$0x0];
	s4 =	simm.s32 $0x1;
	s2 =	sshll.u32 s1, $0x7  }
0x6: {  	s7 =	simm.s32 $0x2;
	s13 =	simm.s32 $0x0;
	s1 =	ssub.s32 $0x4000, s2  }
0x7: {  	s8 =	simm.s32 $0x10000;
	s12 =	simm.s32 $0x0;
	s3 =	sand.u32 $0xF80, s1  }
0x8: {  	s9 =	simm.s32 $0x0;
	s5 =	sshrl.u32 s1, $0xC;
	p0 =	sne.s32 s3, $0x0  }
.Ltmp0:
0x9: {  	s1 =	rddreg [dreg:$0x2];
	s4 =	simm.s32 @!p0 $0x0;
	(pc) =	sbr.rel .LBB1_1-.Ltmp0, $4  }
0xa: {  	s11 =	simm.s32 $0x0;
	s3 =	rddreg [dreg:$0x1];
	s5 =	sadd.s32 s4, s5  }
0xb: {  	_ =	strace $0x8000004A;
	s4 =	simm.s32 $0x1;
	s5 =	smul.u32 $0x19, s5  }
0xc: {  	s6 =	sadd.s32 $0x640A00, s6;
	s10 =	smov.u32 s2;
	[sflag:s4] =	ssyncpa.u1 $0x0  }
0xd: {  	p0 =	por $0x0, $0x0;
	[sflag:s7] =	ssyncpa.u1 $0x0;
	s7 =	sadd.s32 $0x1, s5  }
.LBB1_4:
0xe: {  	v1 =	vperm.xlane.i2c.b16 v1;
	v0 =	vperm.xlane.i2c.b16 v0  }
0xf: {  	v2 =	vperm.xlane.i2c.b16 v2;
	v3 =	vperm.xlane.i2c.b16 v3  }
0x10: {  	[tilespmem:s16+$0x0 ss:$0x81] =	vst.msk $0xffff, v5;
	s17 =	sshra.s32 s17, $0x2;
	s18 =	sshll.u32 s12, $0x3;
	s19 =	sshll.u32 s12, $0x1;
	v62 =	vcombine.low v0, v1  }
0x11: {  	s13 =	sshll.u32 s13, $0x10;
	s30 =	sshrl.u32 s12, $0x1;
	[tilespmem:s16+$0x1020 ss:$0x81] =	vst.msk $0xffff, v4;
	s15 =	sadd.s32 s17, s15;
	v63 =	vcombine.low v3, v2  }
0x12: {  	s31 =	sand.u32 $0x7, s12;
	s28 =	sand.u32 $0xF0, s19;
	s29 =	sand.u32 $0x3C00, s18;
	v0 =	vcombine.high v0, v1;
	[tilespmem:s15+$0x810 ss:$0x81] =	vst.msk $0xffff, v62  }
0x13: {  	s17 =	sand.u32 $0xFC00, s30;
	s13 =	sadd.s32 s3, s13;
	s16 =	sor.u32 s28, s29;
	v2 =	vcombine.high v3, v2;
	[tilespmem:s15+$0x0 ss:$0x81] =	vst.msk $0xffff, v63  }
0x14: {  	s12 =	sshll.u32 s31, $0x12;
	s13 =	sadd.s32 s17, s13;
	s16 =	sshrl.u32 s16, $0x4;
	[tilespmem:s15+$0x1830 ss:$0x81] =	vst.msk $0xffff, v0  }
0x15: {  	s12 =	sor.u32 $0x200, s12;
	s13 =	sadd.s32 s16, s13;
	[tilespmem:s15+$0x1020 ss:$0x81] =	vst.msk $0xffff, v2  }
0x16: {  	[hbm4b:s13+s12] =	stream.strided.scatter [tilespmem:s14], [sflag:$0x2], $0x2000, s8, s12, $0x20;
	[tilespmem:$0x8080] =	vst v63  }
.LBB1_5:
0x17: {  	s14 =	sadd.s32 $0x2, s9  }
0x18: {  	s12 =	sadd.s32 $0x1000, s10;
	s16 =	smov.u32 s10;
	p2 =	sgt.s32 s14, $0x31  }
0x19: {  	s16 =	smov.u32 @p2 s12  }
0x1a: {  	s14 =	simm.s32 @p2 $0x0;
	p2 =	sgt.s32 s16, $0x3FFF  }
0x1b: {  	s16 =	smov.u32 @p2 s2;
	p2 =	sne.s32 s11, s7  }
.Ltmp1:
0x1c: {  	p1 =	slt.u32 s11, $0x2;
	(pc) =	sbr.rel @!p2 .LBB1_6-.Ltmp1, $4  }
0x1d: {  	s15 =	simm.s32 @!p1 $0x2  }
0x1e: {  	s13 =	smov.u32 s9;
	p0 =	por !p0, !p0;
	_ =	swait.ge @!p1 [sflag:s15], $0x2000  }
0x1f: {  	s12 =	smov.u32 s10;
	[sflag:s15] =	ssyncset.done @!p1 $0x0;
	s9 =	smov.u32 s14  }
0x20: {  	s11 =	sadd.s32 $0x1, s11;
	[sflag:s15] =	ssyncadd.s32 @!p1 $0xFFFFE000;
	s10 =	smov.u32 s16  }
.LBB1_1:
0x21: {  	p1 =	sge.u32 s11, s5  }
0x22: {  	s14 =	sand.u32 @!p1 $0x1FFFFFE, s9  }
0x23: {  	s15 =	smulhi.u32 @!p1 $0x4924925, s14;
	_ =	sdelay $0x1  }
0x24: {  	s15 =	smul.u32 @!p1 $0x38, s15  }
0x25: {  	s31 =	sadd.s32 $0xFFFFFFFF, s11;
	s16 =	smul.u32 @!p1 $0x1C0, s10  }
0x26: {  	s17 =	simm.s32 @!p1 $0xE00;
	s14 =	ssub.s32 @!p1 s14, s15;
	s15 =	sxor.u32 @!p1 $0xFFFFFFFF, s11  }
0x27: {  	s16 =	sadd.s32 @!p1 s6, s16;
	s14 =	sshll.u32 @!p1 s14, $0x3;
	s15 =	sshll.u32 @!p1 s15, $0xD  }
0x28: {  	s14 =	sadd.s32 @!p1 s14, s16;
	s15 =	sand.u32 @!p1 $0x2000, s15;
	s16 =	simm.s32 @!p1 $0x40  }
0x29: {  	[tilespmem:s15], [sflag:$0x1] =	stream.strided.gather @!p1 [hbm4b:s14+s16], $0x2000, s17, s16, $0x38;
	[tilespmem:$0x8080] =	vst v63  }
0x2a: {  	p1 =	sge.u32 s31, s5  }
.Ltmp2:
0x2b: {  	_ = 	snop;
	(pc) =	sbr.rel @p1 .LBB1_5-.Ltmp2, $1  }
0x2c: {  	_ =	sdelay $0x3  }
0x2d: {  	s14 =	simm.s32 $0x1  }
0x2e: {  	_ =	swait.ge [sflag:s4], $0x2000;
	s14 =	simm.s32 @!p0 $0x0  }
0x2f: {  	[sflag:s4] =	ssyncset.done $0x0;
	s15 =	sshll.u32 s14, $0xD  }
0x30: {  	[sflag:s4] =	ssyncadd.s32 $0xFFFFE000;
	s15 =	sor.u32 $0x20, s15  }
0x31: {  	v0 =	vld [tilespmem:s15+$0x0]  }
0x32: {  	v1 =	vld [tilespmem:s15+$0x10]  }
0x33: {  	v2 =	vld [tilespmem:s15+$0xFFFFFFF0]  }
0x34: {  	v3 =	vld [tilespmem:s15+$0xFFFFFFE0];
	_ =	sdelay $0x1  }
0x35: {  	s14 =	smul.u32 $0x8100, s14;
	s19 =	sadd.s32 $0x40, s15  }
0x36: {  	s16 =	sand.u32 $0x1, s11;
	v4 =	vperm.xlane.i2c.b16 v1;
	v5 =	vperm.xlane.i2c.b16 v0;
	v0 =	vld [tilespmem:s19+$0x0]  }
0x37: {  	s16 =	smul.u32 $0x8100, s16;
	s14 =	sshrl.u32 s14, $0x2;
	v6 =	vperm.xlane.i2c.b16 v2;
	v1 =	vld [tilespmem:s19+$0x10]  }
0x38: {  	s15 =	sor.u32 $0x4000, s14;
	v8 =	vperm.xlane.i2c.b16 v3;
	v2 =	vld [tilespmem:s19+$0xFFFFFFF0];
	v7 =	vcombine.low v5, v4  }
0x39: {  	s31 =	sshrl.u32 s16, $0x2;
	s16 =	sadd.s32 $0x0, s15;
	v3 =	vld [tilespmem:s19+$0xFFFFFFE0];
	v9 =	vcombine.high v5, v4  }
0x3a: {  	s17 =	simm.s32 $0x4;
	v5 =	vcombine.low v8, v6;
	[tilespmem:s16+$0x810 ss:$0x81] =	vst.msk $0xffff, v7  }
0x3b: {  	s18 =	simm.s32 $0x8;
	s14 =	sor.u32 $0x4000, s31;
	s19 =	sadd.s32 $0x40, s19;
	v4 =	vcombine.high v8, v6;
	[tilespmem:s16+$0x1830 ss:$0x81] =	vst.msk $0xffff, v9  }
.LBB1_3:
0x3c: {  	v6 =	vperm.xlane.i2c.b16 v1;
	v7 =	vperm.xlane.i2c.b16 v0;
	v0 =	vld [tilespmem:s19+$0x0];
	[tilespmem:s16+$0x0 ss:$0x81] =	vst.msk $0xffff, v5;
	s20 =	smov.u32 s18;
	p1 =	sne.s32 s18, $0x1FC  }
.Ltmp3:
0x3d: {  	v8 =	vperm.xlane.i2c.b16 v2;
	v1 =	vld [tilespmem:s19+$0x10];
	[tilespmem:s16+$0x1020 ss:$0x81] =	vst.msk $0xffff, v4;
	(pc) =	sbr.rel @p1 .LBB1_3-.Ltmp3, $4  }
0x3e: {  	s18 =	sadd.s32 $0x4, s18;
	v4 =	vperm.xlane.i2c.b16 v3;
	s16 =	sshra.s32 s17, $0x2;
	v2 =	vld [tilespmem:s19+$0xFFFFFFF0];
	v9 =	vcombine.low v7, v6  }
0x3f: {  	s17 =	smov.u32 s20;
	s16 =	sadd.s32 s16, s15;
	v6 =	vcombine.high v7, v6;
	v3 =	vld [tilespmem:s19+$0xFFFFFFE0]  }
0x40: {  	v5 =	vcombine.low v4, v8;
	v4 =	vcombine.high v4, v8;
	[tilespmem:s16+$0x810 ss:$0x81] =	vst.msk $0xffff, v9  }
0x41: {  	s19 =	sadd.s32 $0x40, s19;
	[tilespmem:s16+$0x1830 ss:$0x81] =	vst.msk $0xffff, v6  }
.Ltmp4:
0x42: {  	_ = 	snop;
	(pc) =	sbr.rel .LBB1_4-.Ltmp4, $1  }
0x43: {  	_ =	sdelay $0x3  }
.LBB1_6:
0x44: {  	_ =	sfence.sel $0x180000  }
0x45: {  	s2 =	simm.s32 $0x1;
	[bflag:$0x0] =	sbarrier.arrive $0xFFFF  }
0x46: {  	s31 =	simm.s32 $0x2;
	[sflag:s2] =	ssyncpa.u1 $0x1  }
0x47: {  	[sflag:s31] =	ssyncpa.u1 $0x1  }
0x48: {  	p0 =	sne.s32 s0, $0x0;
	_ =	strace $0x9000004A  }
0x49: {  	s0 =	sadd.s32 @!p0 $0x100000, s1;
	[bflag:$0x2] =	sbarrier.arrive $0xFFFF  }
0x4a: {  	[sflag:s0] =	ssyncadd.tile.s32 @!p0 $0x1;
	_ =	shalt  }
.Lfunc_end1:
_tile_overlayer_lowered:
.L_overlay_start_2:
0x4b: {  	(tag) =	ssettag $0x2  }
0x4c: {  	s0 =	rddreg [dreg:$0x0];
	s2 =	stileid.u32  }
0x4d: {  	s1 =	rddreg [dreg:$0x1];
	p0 =	sne.s32 s2, $0x0  }
0x4e: {  	s3 =	rddreg [dreg:$0x2];
	[bflag:$0x3] =	sbarrier.arrive $0xFFFF;
	s2 =	simm.s32 @!p0 $0x1C01  }
0x4f: {  	[timem:s3], [sflag:s2] =	dma.local @!p0 [hbm:s0], s1  }
0x50: {  	s0 =	simm.s32 @!p0 $0x1  }
0x51: {  	_ =	swait.ge @!p0 [sflag:s0], s1  }
0x52: {  	s1 =	ssub.s32 @!p0 $0x0, s1;
	[sflag:s0] =	ssyncset.done @!p0 $0x0  }
0x53: {  	[sflag:s0] =	ssyncadd.s32 @!p0 s1  }
0x54: {  	[bflag:$0x3] =	sbarrier.arrive $0xFFFF  }
0x55: {  	_ =	shalt  }

</sc_bundles>
